<compile_context>
chip_gen: v7x
topology: tpu7x:2x2x1
jax: 0.10.2.dev20260603
libtpu: 0.0.44.dev20260713+nightly
codegen_flags: <defaults>
</compile_context>

<pallas_src>
import functools

import jax
import jax.numpy as jnp
from jax import lax
from jax.experimental import pallas as pl
from jax.experimental.pallas import tpu as pltpu
from jax.experimental.pallas import tpu_sc as plsc

N = 10000
E = 320000
F = 128
NG = 64

NC = 2
NS = 16
NW = NC * NS
CH = 128
NPAD = 10240
RPT = NPAD // NS
NB = 2

K0 = 80
K1 = 80
KMAX = max(K0, K1)
TCH = NS * (K0 + K1)
E_PAD = TCH * CH
DCPT = TCH // NW


def _make_sc_scatter(H):
    mesh = plsc.VectorSubcoreMesh(core_axis_name="c", subcore_axis_name="s")

    @functools.partial(
        pl.kernel,
        out_type=jax.ShapeDtypeStruct((NC, NPAD, H), jnp.float32),
        mesh=mesh,
        scratch_types=[
            pltpu.VMEM((KMAX, CH), jnp.int32),
            pltpu.VMEM((KMAX, CH), jnp.int32),
            [pltpu.VMEM((CH, H), jnp.float32)] * NB,
            pltpu.VMEM_SHARED((NPAD, H), jnp.float32),
            pltpu.VMEM_SHARED((NPAD, H), jnp.float32),
            [pltpu.SemaphoreType.DMA] * NB,
        ],
        compiler_params=pltpu.CompilerParams(use_tc_tiling_on_sc=False),
    )
    def k(y_hbm, src_hbm, dst_hbm, out_hbm, src_i, dst_i, rows, acc_sh,
          y_sh, gsems):
        cid = lax.axis_index("c")
        sid = lax.axis_index("s")

        pltpu.sync_copy(y_hbm.at[pl.ds(sid * RPT, RPT)],
                        y_sh.at[pl.ds(sid * RPT, RPT)])

        zero16 = jnp.zeros((16,), jnp.float32)

        def zrow(r, carry):
            for j in range(H // 16):
                rows[0][r, pl.ds(j * 16, 16)] = zero16
            return carry

        lax.fori_loop(0, CH, zrow, 0)
        for t in range(RPT // CH):
            pltpu.sync_copy(rows[0], acc_sh.at[pl.ds(sid * RPT + t * CH, CH)])
        plsc.subcore_barrier()

        def run(base_row, K):
            if K == 0:
                return
            pltpu.sync_copy(src_hbm.at[pl.ds(base_row, K)],
                            src_i.at[pl.ds(0, K)])
            pltpu.sync_copy(dst_hbm.at[pl.ds(base_row, K)],
                            dst_i.at[pl.ds(0, K)])
            for b in range(NB):
                pltpu.async_copy(y_sh.at[src_i.at[b]], rows[b], gsems[b])

            def body(o, carry):
                for b in range(NB):
                    g = o * NB + b
                    pltpu.make_async_copy(y_sh.at[src_i.at[g]], rows[b],
                                          gsems[b]).wait()
                    pltpu.sync_copy(rows[b], acc_sh.at[dst_i.at[g]], add=True)

                    @pl.when(g + NB < K)
                    def _():
                        pltpu.async_copy(y_sh.at[src_i.at[g + NB]], rows[b],
                                         gsems[b])
                return carry

            lax.fori_loop(0, K // NB, body, 0)

        @pl.when(cid == 0)
        def _():
            run(sid * K0, K0)

        @pl.when(cid == 1)
        def _():
            run(NS * K0 + sid * K1, K1)

        plsc.subcore_barrier()
        pltpu.sync_copy(
            acc_sh.at[pl.ds(sid * RPT, RPT)],
            out_hbm.at[cid, pl.ds(sid * RPT, RPT)],
        )

    return k


def _sc_degree():
    mesh = plsc.VectorSubcoreMesh(core_axis_name="c", subcore_axis_name="s")

    @functools.partial(
        pl.kernel,
        out_type=jax.ShapeDtypeStruct((NC, NPAD, 16), jnp.float32),
        mesh=mesh,
        scratch_types=[
            pltpu.VMEM((DCPT, CH), jnp.int32),
            pltpu.VMEM((CH, 16), jnp.float32),
            pltpu.VMEM_SHARED((NPAD, 16), jnp.float32),
        ],
        compiler_params=pltpu.CompilerParams(use_tc_tiling_on_sc=False),
    )
    def k(dst_hbm, out_hbm, dst_i, ones_v, acc_sh):
        cid = lax.axis_index("c")
        sid = lax.axis_index("s")
        base_row = (cid * NS + sid) * DCPT

        pltpu.sync_copy(dst_hbm.at[pl.ds(base_row, DCPT)], dst_i)

        zero16 = jnp.zeros((16,), jnp.float32)
        one16 = jnp.ones((16,), jnp.float32)

        def frow(r, carry):
            ones_v[r, :] = zero16
            return carry

        lax.fori_loop(0, CH, frow, 0)
        for t in range(RPT // CH):
            pltpu.sync_copy(ones_v, acc_sh.at[pl.ds(sid * RPT + t * CH, CH)])

        def orow(r, carry):
            ones_v[r, :] = one16
            return carry

        lax.fori_loop(0, CH, orow, 0)
        plsc.subcore_barrier()

        def body(g, carry):
            pltpu.sync_copy(ones_v, acc_sh.at[dst_i.at[g]], add=True)
            return carry

        lax.fori_loop(0, DCPT, body, 0)
        plsc.subcore_barrier()
        pltpu.sync_copy(
            acc_sh.at[pl.ds(sid * RPT, RPT)],
            out_hbm.at[cid, pl.ds(sid * RPT, RPT)],
        )

    return k


_sc_scatter64 = _make_sc_scatter(64)
_sc_scatter32 = _make_sc_scatter(32)
_sc_deg = _sc_degree()

BR = 5120


def _prep1_body(x_ref, w_ref, degp_ref, y_ref, dinv_ref):
    i = pl.program_id(0)
    deg = degp_ref[0, :, 0:1] + degp_ref[1, :, 0:1] + 1.0
    rows = lax.broadcasted_iota(jnp.int32, (BR, 1), 0) + i * BR
    dinv = jnp.where(rows < N, lax.rsqrt(deg), 0.0)
    dinv_ref[...] = dinv
    y_ref[...] = dinv * jnp.dot(x_ref[...], w_ref[...],
                                preferred_element_type=jnp.float32)


def _comb_body(sp_ref, y_ref, dinv_ref, b_ref, w_ref, ynext_ref):
    dinv = dinv_ref[...]
    h = jax.nn.relu(dinv * (sp_ref[0] + sp_ref[1] + y_ref[...]) + b_ref[...])
    ynext_ref[...] = dinv * jnp.dot(h, w_ref[...],
                                    preferred_element_type=jnp.float32)


def _final_body(sp_ref, y_ref, dinv_ref, b_ref, batch_ref, wf1_ref, bf1_ref,
                wf2_ref, bf2_ref, out_ref):
    dinv = dinv_ref[...]
    h = jax.nn.relu(dinv * (sp_ref[0] + sp_ref[1] + y_ref[...]) + b_ref[...])
    gids = lax.broadcasted_iota(jnp.int32, (NG, NPAD), 0)
    m = (batch_ref[...] == gids).astype(jnp.float32)
    sums = jnp.dot(m, h, preferred_element_type=jnp.float32)
    counts = jnp.sum(m, axis=1, keepdims=True)
    pooled = sums / jnp.maximum(counts, 1.0)
    h2 = jax.nn.relu(jnp.dot(pooled, wf1_ref[...],
                             preferred_element_type=jnp.float32) + bf1_ref[...])
    out_ref[...] = jnp.dot(h2, wf2_ref[...],
                           preferred_element_type=jnp.float32) + bf2_ref[...]


def _prep1(x_pad, W1, degp):
    grid = (NPAD // BR,)
    return pl.pallas_call(
        _prep1_body,
        grid=grid,
        in_specs=[
            pl.BlockSpec((BR, F), lambda i: (i, 0)),
            pl.BlockSpec((F, 64), lambda i: (0, 0)),
            pl.BlockSpec((NC, BR, 16), lambda i: (0, i, 0)),
        ],
        out_specs=[
            pl.BlockSpec((BR, 64), lambda i: (i, 0)),
            pl.BlockSpec((BR, 1), lambda i: (i, 0)),
        ],
        out_shape=[
            jax.ShapeDtypeStruct((NPAD, 64), jnp.float32),
            jax.ShapeDtypeStruct((NPAD, 1), jnp.float32),
        ],
    )(x_pad, W1, degp)


def _comb(sp, y, dinv, b, W, Hin, Hout):
    grid = (NPAD // BR,)
    return pl.pallas_call(
        _comb_body,
        grid=grid,
        in_specs=[
            pl.BlockSpec((NC, BR, Hin), lambda i: (0, i, 0)),
            pl.BlockSpec((BR, Hin), lambda i: (i, 0)),
            pl.BlockSpec((BR, 1), lambda i: (i, 0)),
            pl.BlockSpec((1, Hin), lambda i: (0, 0)),
            pl.BlockSpec((Hin, Hout), lambda i: (0, 0)),
        ],
        out_specs=pl.BlockSpec((BR, Hout), lambda i: (i, 0)),
        out_shape=jax.ShapeDtypeStruct((NPAD, Hout), jnp.float32),
    )(sp, y, dinv, b, W)


def _final(sp, y, dinv, b3, batch_row, Wf1, bf1, Wf2, bf2):
    return pl.pallas_call(
        _final_body,
        out_shape=jax.ShapeDtypeStruct((NG, 10), jnp.float32),
    )(sp, y, dinv, b3, batch_row, Wf1, bf1, Wf2, bf2)


def kernel(x, edge_index, batch, W1, b1, W2, b2, W3, b3, Wf1, bf1, Wf2, bf2):
    src = jnp.concatenate([edge_index[0],
                           jnp.full((E_PAD - E,), N, jnp.int32)])
    dst = jnp.concatenate([edge_index[1],
                           jnp.full((E_PAD - E,), N, jnp.int32)])
    src = src.reshape(TCH, CH)
    dst = dst.reshape(TCH, CH)
    x_pad = jnp.zeros((NPAD, F), jnp.float32).at[:N].set(x)
    batch_row = jnp.full((1, NPAD), NG, jnp.int32).at[0, :N].set(batch)

    degp = _sc_deg(dst)

    y1, dinv = _prep1(x_pad, W1, degp)
    s1 = _sc_scatter64(y1, src, dst)
    y2 = _comb(s1, y1, dinv, b1.reshape(1, 64), W2, 64, 64)
    s2 = _sc_scatter64(y2, src, dst)
    y3 = _comb(s2, y2, dinv, b2.reshape(1, 64), W3, 64, 32)
    s3 = _sc_scatter32(y3, src, dst)
    return _final(s3, y3, dinv, b3.reshape(1, 32), batch_row,
                  Wf1, bf1.reshape(1, 32), Wf2, bf2.reshape(1, 10))

# --- scband reference (transcript-rebuilt; emitter-appended) ---
"""Pipeline reference for scband-graph-cnn-54889682042891 (READ-ONLY COPY).

The authoritative reference and input builder live on the scoring server;
editing this copy changes nothing except your own understanding.
"""

import jax
import jax.numpy as jnp
import numpy as np

NUM_NODES = 10000
NUM_EDGES = 320000
NUM_FEATURES = 128
HIDDEN = 64
NUM_CLASSES = 10
NUM_GRAPHS = 64


def _glorot(key, shape):
    lim = float(np.sqrt(6.0 / (shape[0] + shape[1])))
    return jax.random.uniform(key, shape, jnp.float32, -lim, lim)


def setup_inputs(seed: int = 0) -> dict:
    key = jax.random.key(seed)
    ks = jax.random.split(key, 10)
    x = jax.random.normal(ks[0], (NUM_NODES, NUM_FEATURES), dtype=jnp.float32)
    edge_index = jax.random.randint(ks[1], (2, NUM_EDGES), 0, NUM_NODES, dtype=jnp.int32)
    batch = jnp.sort(jax.random.randint(ks[2], (NUM_NODES,), 0, NUM_GRAPHS, dtype=jnp.int32))
    W1 = _glorot(ks[3], (NUM_FEATURES, HIDDEN))
    b1 = jnp.zeros((HIDDEN,), jnp.float32)
    W2 = _glorot(ks[4], (HIDDEN, HIDDEN))
    b2 = jnp.zeros((HIDDEN,), jnp.float32)
    W3 = _glorot(ks[5], (HIDDEN, HIDDEN // 2))
    b3 = jnp.zeros((HIDDEN // 2,), jnp.float32)
    Wf1 = _glorot(ks[6], (HIDDEN // 2, 32))
    bf1 = jnp.zeros((32,), jnp.float32)
    Wf2 = _glorot(ks[7], (32, NUM_CLASSES))
    bf2 = jnp.zeros((NUM_CLASSES,), jnp.float32)
    return {
        "x": x, "edge_index": edge_index, "batch": batch,
        "W1": W1, "b1": b1, "W2": W2, "b2": b2, "W3": W3, "b3": b3,
        "Wf1": Wf1, "bf1": bf1, "Wf2": Wf2, "bf2": bf2,
    }


def _gcn_conv(x, edge_index, W, b):
    # GCNConv: D^{-1/2} (A + I) D^{-1/2} X W + b, with added self-loops.
    n = x.shape[0]
    loop = jnp.arange(n, dtype=edge_index.dtype)
    src = jnp.concatenate([edge_index[0], loop])
    dst = jnp.concatenate([edge_index[1], loop])
    deg = jnp.zeros((n,), jnp.float32).at[dst].add(1.0)
    dinv = jax.lax.rsqrt(deg)  # deg >= 1 due to self-loops
    norm = dinv[src] * dinv[dst]
    xw = x @ W
    msg = xw[src] * norm[:, None]
    out = jnp.zeros((n, W.shape[1]), jnp.float32).at[dst].add(msg)
    return out + b


def reference(x, edge_index, batch, W1, b1, W2, b2, W3, b3, Wf1, bf1, Wf2, bf2):
    # Dropout layers are identity at inference time.
    h = jax.nn.relu(_gcn_conv(x, edge_index, W1, b1))
    h = jax.nn.relu(_gcn_conv(h, edge_index, W2, b2))
    h = jax.nn.relu(_gcn_conv(h, edge_index, W3, b3))
    sums = jax.ops.segment_sum(h, batch, num_segments=NUM_GRAPHS)
    counts = jax.ops.segment_sum(jnp.ones((h.shape[0],), jnp.float32), batch, num_segments=NUM_GRAPHS)
    pooled = sums / jnp.maximum(counts, 1.0)[:, None]
    h = jax.nn.relu(pooled @ Wf1 + bf1)
    return h @ Wf2 + bf2

if __name__ == "__main__":
    import jax
    _d = setup_inputs()
    print(jax.jit(kernel)(*tuple(_d.values())))

</pallas_src>

<mosaic_0001>
#map = affine_map<(d0, d1) -> (0, 0)>
#map1 = affine_map<(d0, d1) -> (0, 0, 0)>
module attributes {stable_mosaic.version = 14 : i64} {
  func.func @k(%arg0: i32, %arg1: i32, %arg2: memref<10240x32xf32, #tpu.memory_space<hbm>>, %arg3: memref<2560x128xi32, #tpu.memory_space<hbm>>, %arg4: memref<2560x128xi32, #tpu.memory_space<hbm>>, %arg5: memref<2x10240x32xf32, #tpu.memory_space<hbm>>, %arg6: memref<80x128xi32, #tpu.memory_space<vmem>>, %arg7: memref<80x128xi32, #tpu.memory_space<vmem>>, %arg8: memref<128x32xf32, #tpu.memory_space<vmem>>, %arg9: memref<128x32xf32, #tpu.memory_space<vmem>>, %arg10: memref<10240x32xf32, #tpu.memory_space<vmem_shared>>, %arg11: memref<10240x32xf32, #tpu.memory_space<vmem_shared>>, %arg12: memref<!tpu.dma_semaphore, #tpu.memory_space<semaphore_mem>>, %arg13: memref<!tpu.dma_semaphore, #tpu.memory_space<semaphore_mem>>) attributes {dimension_semantics = [#tpu.dimension_semantics<core_parallel>, #tpu.dimension_semantics<subcore_parallel>], iteration_bounds = array<i64: 2, 16>, scalar_prefetch = 0 : i64, scratch_operands = 8 : i64, tpu.core_type = #tpu.core_type<sc_vector_subcore>, window_params = [{transform_indices = #map}, {transform_indices = #map}, {transform_indices = #map}, {transform_indices = #map1}]} {
    %mul3A = arith.constant 640 : i32
    %mul3A_0 = arith.muli %arg1, %mul3A : i32
    %mul3A_1 = arith.constant 640 : i32
    %mul3A_2 = arith.muli %arg1, %mul3A_1 : i32
    "tpu.region"() ({
      %run_scoped3A = tpu.sem_alloc : memref<!tpu.dma_semaphore, #tpu.memory_space<semaphore_mem>>
      %dma_start3A = arith.constant 0 : i32
      %dma_start3A_40 = tpu.memref_slice %arg11[%mul3A_2, %dma_start3A] : memref<10240x32xf32, #tpu.memory_space<vmem_shared>> -> memref<640x32xf32, #tpu.memory_space<vmem_shared>>
      %dma_start3A_41 = arith.constant 0 : i32
      %dma_start3A_42 = tpu.memref_slice %arg2[%mul3A_0, %dma_start3A_41] : memref<10240x32xf32, #tpu.memory_space<hbm>> -> memref<640x32xf32, #tpu.memory_space<hbm>>
      tpu.enqueue_dma source(%dma_start3A_42 : memref<640x32xf32, #tpu.memory_space<hbm>>) target(%dma_start3A_40 : memref<640x32xf32, #tpu.memory_space<vmem_shared>>) target_semaphore(%run_scoped3A : memref<!tpu.dma_semaphore, #tpu.memory_space<semaphore_mem>>)
      %dma_wait3A = arith.constant 0 : i32
      %dma_wait3A_43 = tpu.memref_slice %arg11[%mul3A_2, %dma_wait3A] : memref<10240x32xf32, #tpu.memory_space<vmem_shared>> -> memref<640x32xf32, #tpu.memory_space<vmem_shared>>
      %dma_wait3A_44 = arith.constant 0 : i32
      %dma_wait3A_45 = tpu.memref_slice %arg2[%mul3A_0, %dma_wait3A_44] : memref<10240x32xf32, #tpu.memory_space<hbm>> -> memref<640x32xf32, #tpu.memory_space<hbm>>
      tpu.wait_dma2 semaphore(%run_scoped3A : memref<!tpu.dma_semaphore, #tpu.memory_space<semaphore_mem>>) src(%dma_wait3A_45 : memref<640x32xf32, #tpu.memory_space<hbm>>) dst(%dma_wait3A_43 : memref<640x32xf32, #tpu.memory_space<vmem_shared>>)
      tpu.yield
    }) : () -> ()
    %broadcast_in_dim3A = arith.constant 0.000000e+00 : f32
    %broadcast_in_dim3A_3 = vector.broadcast %broadcast_in_dim3A : f32 to vector<16xf32>
    %scan3A = arith.constant 0 : i32
    %scan3A_4 = arith.constant 0 : i32
    %scan3A_5 = arith.constant 128 : i32
    %scan3A_6 = arith.addi %scan3A_4, %scan3A_5 : i32
    %scan3A_7 = arith.constant 1 : i32
    scf.for %scan3A_40 = %scan3A_4 to %scan3A_6 step %scan3A_7  : i32 {
      %swap3A = arith.index_cast %scan3A_40 : i32 to index
      %swap3A_41 = arith.constant 0 : index
      %swap3A_42 = tpu.vector_load %arg8[%swap3A, %swap3A_41] {strides = array<i32>} : memref<128x32xf32, #tpu.memory_space<vmem>>, vector<1x16xf32>,
      %swap3A_43 = vector.shape_cast %swap3A_42 : vector<1x16xf32> to vector<16xf32>
      %swap3A_44 = vector.shape_cast %broadcast_in_dim3A_3 : vector<16xf32> to vector<1x16xf32>
      tpu.vector_store %arg8[%swap3A, %swap3A_41], %swap3A_44 {strides = array<i32>} : memref<128x32xf32, #tpu.memory_space<vmem>>, vector<1x16xf32>,
      %swap3A_45 = arith.index_cast %scan3A_40 : i32 to index
      %swap3A_46 = arith.constant 16 : index
      %swap3A_47 = tpu.vector_load %arg8[%swap3A_45, %swap3A_46] {strides = array<i32>} : memref<128x32xf32, #tpu.memory_space<vmem>>, vector<1x16xf32>,
      %swap3A_48 = vector.shape_cast %swap3A_47 : vector<1x16xf32> to vector<16xf32>
      %swap3A_49 = vector.shape_cast %broadcast_in_dim3A_3 : vector<16xf32> to vector<1x16xf32>
      tpu.vector_store %arg8[%swap3A_45, %swap3A_46], %swap3A_49 {strides = array<i32>} : memref<128x32xf32, #tpu.memory_space<vmem>>, vector<1x16xf32>,
    }
    %scan3A_8 = arith.constant 128 : i32
    %mul3A_9 = arith.constant 640 : i32
    %mul3A_10 = arith.muli %arg1, %mul3A_9 : i32
    %add3A = arith.constant 0 : i32
    %add3A_11 = arith.addi %mul3A_10, %add3A : i32
    "tpu.region"() ({
      %run_scoped3A = tpu.sem_alloc : memref<!tpu.dma_semaphore, #tpu.memory_space<semaphore_mem>>
      %dma_start3A = arith.constant 0 : i32
      %dma_start3A_40 = tpu.memref_slice %arg10[%add3A_11, %dma_start3A] : memref<10240x32xf32, #tpu.memory_space<vmem_shared>> -> memref<128x32xf32, #tpu.memory_space<vmem_shared>>
      %dma_start3A_41 = arith.constant 0 : i32
      %dma_start3A_42 = tpu.memref_slice %arg10[%add3A_11, %dma_start3A_41] : memref<10240x32xf32, #tpu.memory_space<vmem_shared>> -> memref<128x32xf32, #tpu.memory_space<vmem_shared>>
      tpu.enqueue_dma source(%arg8 : memref<128x32xf32, #tpu.memory_space<vmem>>) target(%dma_start3A_42 : memref<128x32xf32, #tpu.memory_space<vmem_shared>>) target_semaphore(%run_scoped3A : memref<!tpu.dma_semaphore, #tpu.memory_space<semaphore_mem>>)
      %dma_wait3A = arith.constant 0 : i32
      %dma_wait3A_43 = tpu.memref_slice %arg10[%add3A_11, %dma_wait3A] : memref<10240x32xf32, #tpu.memory_space<vmem_shared>> -> memref<128x32xf32, #tpu.memory_space<vmem_shared>>
      %dma_wait3A_44 = arith.constant 0 : i32
      %dma_wait3A_45 = tpu.memref_slice %arg10[%add3A_11, %dma_wait3A_44] : memref<10240x32xf32, #tpu.memory_space<vmem_shared>> -> memref<128x32xf32, #tpu.memory_space<vmem_shared>>
      tpu.wait_dma2 semaphore(%run_scoped3A : memref<!tpu.dma_semaphore, #tpu.memory_space<semaphore_mem>>) src(%arg8 : memref<128x32xf32, #tpu.memory_space<vmem>>) dst(%dma_wait3A_45 : memref<128x32xf32, #tpu.memory_space<vmem_shared>>)
      tpu.yield
    }) : () -> ()
    %mul3A_12 = arith.constant 640 : i32
    %mul3A_13 = arith.muli %arg1, %mul3A_12 : i32
    %add3A_14 = arith.constant 128 : i32
    %add3A_15 = arith.addi %mul3A_13, %add3A_14 : i32
    "tpu.region"() ({
      %run_scoped3A = tpu.sem_alloc : memref<!tpu.dma_semaphore, #tpu.memory_space<semaphore_mem>>
      %dma_start3A = arith.constant 0 : i32
      %dma_start3A_40 = tpu.memref_slice %arg10[%add3A_15, %dma_start3A] : memref<10240x32xf32, #tpu.memory_space<vmem_shared>> -> memref<128x32xf32, #tpu.memory_space<vmem_shared>>
      %dma_start3A_41 = arith.constant 0 : i32
      %dma_start3A_42 = tpu.memref_slice %arg10[%add3A_15, %dma_start3A_41] : memref<10240x32xf32, #tpu.memory_space<vmem_shared>> -> memref<128x32xf32, #tpu.memory_space<vmem_shared>>
      tpu.enqueue_dma source(%arg8 : memref<128x32xf32, #tpu.memory_space<vmem>>) target(%dma_start3A_42 : memref<128x32xf32, #tpu.memory_space<vmem_shared>>) target_semaphore(%run_scoped3A : memref<!tpu.dma_semaphore, #tpu.memory_space<semaphore_mem>>)
      %dma_wait3A = arith.constant 0 : i32
      %dma_wait3A_43 = tpu.memref_slice %arg10[%add3A_15, %dma_wait3A] : memref<10240x32xf32, #tpu.memory_space<vmem_shared>> -> memref<128x32xf32, #tpu.memory_space<vmem_shared>>
      %dma_wait3A_44 = arith.constant 0 : i32
      %dma_wait3A_45 = tpu.memref_slice %arg10[%add3A_15, %dma_wait3A_44] : memref<10240x32xf32, #tpu.memory_space<vmem_shared>> -> memref<128x32xf32, #tpu.memory_space<vmem_shared>>
      tpu.wait_dma2 semaphore(%run_scoped3A : memref<!tpu.dma_semaphore, #tpu.memory_space<semaphore_mem>>) src(%arg8 : memref<128x32xf32, #tpu.memory_space<vmem>>) dst(%dma_wait3A_45 : memref<128x32xf32, #tpu.memory_space<vmem_shared>>)
      tpu.yield
    }) : () -> ()
    %mul3A_16 = arith.constant 640 : i32
    %mul3A_17 = arith.muli %arg1, %mul3A_16 : i32
    %add3A_18 = arith.constant 256 : i32
    %add3A_19 = arith.addi %mul3A_17, %add3A_18 : i32
    "tpu.region"() ({
      %run_scoped3A = tpu.sem_alloc : memref<!tpu.dma_semaphore, #tpu.memory_space<semaphore_mem>>
      %dma_start3A = arith.constant 0 : i32
      %dma_start3A_40 = tpu.memref_slice %arg10[%add3A_19, %dma_start3A] : memref<10240x32xf32, #tpu.memory_space<vmem_shared>> -> memref<128x32xf32, #tpu.memory_space<vmem_shared>>
      %dma_start3A_41 = arith.constant 0 : i32
      %dma_start3A_42 = tpu.memref_slice %arg10[%add3A_19, %dma_start3A_41] : memref<10240x32xf32, #tpu.memory_space<vmem_shared>> -> memref<128x32xf32, #tpu.memory_space<vmem_shared>>
      tpu.enqueue_dma source(%arg8 : memref<128x32xf32, #tpu.memory_space<vmem>>) target(%dma_start3A_42 : memref<128x32xf32, #tpu.memory_space<vmem_shared>>) target_semaphore(%run_scoped3A : memref<!tpu.dma_semaphore, #tpu.memory_space<semaphore_mem>>)
      %dma_wait3A = arith.constant 0 : i32
      %dma_wait3A_43 = tpu.memref_slice %arg10[%add3A_19, %dma_wait3A] : memref<10240x32xf32, #tpu.memory_space<vmem_shared>> -> memref<128x32xf32, #tpu.memory_space<vmem_shared>>
      %dma_wait3A_44 = arith.constant 0 : i32
      %dma_wait3A_45 = tpu.memref_slice %arg10[%add3A_19, %dma_wait3A_44] : memref<10240x32xf32, #tpu.memory_space<vmem_shared>> -> memref<128x32xf32, #tpu.memory_space<vmem_shared>>
      tpu.wait_dma2 semaphore(%run_scoped3A : memref<!tpu.dma_semaphore, #tpu.memory_space<semaphore_mem>>) src(%arg8 : memref<128x32xf32, #tpu.memory_space<vmem>>) dst(%dma_wait3A_45 : memref<128x32xf32, #tpu.memory_space<vmem_shared>>)
      tpu.yield
    }) : () -> ()
    %mul3A_20 = arith.constant 640 : i32
    %mul3A_21 = arith.muli %arg1, %mul3A_20 : i32
    %add3A_22 = arith.constant 384 : i32
    %add3A_23 = arith.addi %mul3A_21, %add3A_22 : i32
    "tpu.region"() ({
      %run_scoped3A = tpu.sem_alloc : memref<!tpu.dma_semaphore, #tpu.memory_space<semaphore_mem>>
      %dma_start3A = arith.constant 0 : i32
      %dma_start3A_40 = tpu.memref_slice %arg10[%add3A_23, %dma_start3A] : memref<10240x32xf32, #tpu.memory_space<vmem_shared>> -> memref<128x32xf32, #tpu.memory_space<vmem_shared>>
      %dma_start3A_41 = arith.constant 0 : i32
      %dma_start3A_42 = tpu.memref_slice %arg10[%add3A_23, %dma_start3A_41] : memref<10240x32xf32, #tpu.memory_space<vmem_shared>> -> memref<128x32xf32, #tpu.memory_space<vmem_shared>>
      tpu.enqueue_dma source(%arg8 : memref<128x32xf32, #tpu.memory_space<vmem>>) target(%dma_start3A_42 : memref<128x32xf32, #tpu.memory_space<vmem_shared>>) target_semaphore(%run_scoped3A : memref<!tpu.dma_semaphore, #tpu.memory_space<semaphore_mem>>)
      %dma_wait3A = arith.constant 0 : i32
      %dma_wait3A_43 = tpu.memref_slice %arg10[%add3A_23, %dma_wait3A] : memref<10240x32xf32, #tpu.memory_space<vmem_shared>> -> memref<128x32xf32, #tpu.memory_space<vmem_shared>>
      %dma_wait3A_44 = arith.constant 0 : i32
      %dma_wait3A_45 = tpu.memref_slice %arg10[%add3A_23, %dma_wait3A_44] : memref<10240x32xf32, #tpu.memory_space<vmem_shared>> -> memref<128x32xf32, #tpu.memory_space<vmem_shared>>
      tpu.wait_dma2 semaphore(%run_scoped3A : memref<!tpu.dma_semaphore, #tpu.memory_space<semaphore_mem>>) src(%arg8 : memref<128x32xf32, #tpu.memory_space<vmem>>) dst(%dma_wait3A_45 : memref<128x32xf32, #tpu.memory_space<vmem_shared>>)
      tpu.yield
    }) : () -> ()
    %mul3A_24 = arith.constant 640 : i32
    %mul3A_25 = arith.muli %arg1, %mul3A_24 : i32
    %add3A_26 = arith.constant 512 : i32
    %add3A_27 = arith.addi %mul3A_25, %add3A_26 : i32
    "tpu.region"() ({
      %run_scoped3A = tpu.sem_alloc : memref<!tpu.dma_semaphore, #tpu.memory_space<semaphore_mem>>
      %dma_start3A = arith.constant 0 : i32
      %dma_start3A_40 = tpu.memref_slice %arg10[%add3A_27, %dma_start3A] : memref<10240x32xf32, #tpu.memory_space<vmem_shared>> -> memref<128x32xf32, #tpu.memory_space<vmem_shared>>
      %dma_start3A_41 = arith.constant 0 : i32
      %dma_start3A_42 = tpu.memref_slice %arg10[%add3A_27, %dma_start3A_41] : memref<10240x32xf32, #tpu.memory_space<vmem_shared>> -> memref<128x32xf32, #tpu.memory_space<vmem_shared>>
      tpu.enqueue_dma source(%arg8 : memref<128x32xf32, #tpu.memory_space<vmem>>) target(%dma_start3A_42 : memref<128x32xf32, #tpu.memory_space<vmem_shared>>) target_semaphore(%run_scoped3A : memref<!tpu.dma_semaphore, #tpu.memory_space<semaphore_mem>>)
      %dma_wait3A = arith.constant 0 : i32
      %dma_wait3A_43 = tpu.memref_slice %arg10[%add3A_27, %dma_wait3A] : memref<10240x32xf32, #tpu.memory_space<vmem_shared>> -> memref<128x32xf32, #tpu.memory_space<vmem_shared>>
      %dma_wait3A_44 = arith.constant 0 : i32
      %dma_wait3A_45 = tpu.memref_slice %arg10[%add3A_27, %dma_wait3A_44] : memref<10240x32xf32, #tpu.memory_space<vmem_shared>> -> memref<128x32xf32, #tpu.memory_space<vmem_shared>>
      tpu.wait_dma2 semaphore(%run_scoped3A : memref<!tpu.dma_semaphore, #tpu.memory_space<semaphore_mem>>) src(%arg8 : memref<128x32xf32, #tpu.memory_space<vmem>>) dst(%dma_wait3A_45 : memref<128x32xf32, #tpu.memory_space<vmem_shared>>)
      tpu.yield
    }) : () -> ()
    %barrier3A = arith.constant 0 : index
    tpu.barrier barrier_id(%barrier3A)
    %eq3A = arith.constant 0 : i32
    %eq3A_28 = arith.cmpi eq, %arg0, %eq3A : i32
    %convert_element_type3A = arith.extui %eq3A_28 : i1 to i32
    %cond3A = arith.constant 0 : i32
    %cond3A_29 = arith.cmpi ne, %convert_element_type3A, %cond3A : i32
    scf.if %cond3A_29 {
      %mul3A_40 = arith.constant 80 : i32
      %mul3A_41 = arith.muli %arg1, %mul3A_40 : i32
      "tpu.region"() ({
        %run_scoped3A = tpu.sem_alloc : memref<!tpu.dma_semaphore, #tpu.memory_space<semaphore_mem>>
        %dma_start3A_61 = arith.constant 0 : i32
        %dma_start3A_62 = arith.constant 0 : i32
        %dma_start3A_63 = tpu.memref_slice %arg6[%dma_start3A_61, %dma_start3A_62] : memref<80x128xi32, #tpu.memory_space<vmem>> -> memref<80x128xi32, #tpu.memory_space<vmem>>
        %dma_start3A_64 = arith.constant 0 : i32
        %dma_start3A_65 = tpu.memref_slice %arg3[%mul3A_41, %dma_start3A_64] : memref<2560x128xi32, #tpu.memory_space<hbm>> -> memref<80x128xi32, #tpu.memory_space<hbm>>
        %dma_start3A_66 = arith.constant 0 : i32
        %dma_start3A_67 = arith.constant 0 : i32
        %dma_start3A_68 = tpu.memref_slice %arg6[%dma_start3A_66, %dma_start3A_67] : memref<80x128xi32, #tpu.memory_space<vmem>> -> memref<80x128xi32, #tpu.memory_space<vmem>>
        %dma_start3A_69 = arith.constant 0 : i32
        %dma_start3A_70 = tpu.memref_slice %arg3[%mul3A_41, %dma_start3A_69] : memref<2560x128xi32, #tpu.memory_space<hbm>> -> memref<80x128xi32, #tpu.memory_space<hbm>>
        tpu.enqueue_dma source(%dma_start3A_70 : memref<80x128xi32, #tpu.memory_space<hbm>>) target(%dma_start3A_68 : memref<80x128xi32, #tpu.memory_space<vmem>>) target_semaphore(%run_scoped3A : memref<!tpu.dma_semaphore, #tpu.memory_space<semaphore_mem>>)
        %dma_wait3A = arith.constant 0 : i32
        %dma_wait3A_71 = arith.constant 0 : i32
        %dma_wait3A_72 = tpu.memref_slice %arg6[%dma_wait3A, %dma_wait3A_71] : memref<80x128xi32, #tpu.memory_space<vmem>> -> memref<80x128xi32, #tpu.memory_space<vmem>>
        %dma_wait3A_73 = arith.constant 0 : i32
        %dma_wait3A_74 = tpu.memref_slice %arg3[%mul3A_41, %dma_wait3A_73] : memref<2560x128xi32, #tpu.memory_space<hbm>> -> memref<80x128xi32, #tpu.memory_space<hbm>>
        %dma_wait3A_75 = arith.constant 0 : i32
        %dma_wait3A_76 = arith.constant 0 : i32
        %dma_wait3A_77 = tpu.memref_slice %arg6[%dma_wait3A_75, %dma_wait3A_76] : memref<80x128xi32, #tpu.memory_space<vmem>> -> memref<80x128xi32, #tpu.memory_space<vmem>>
        %dma_wait3A_78 = arith.constant 0 : i32
        %dma_wait3A_79 = tpu.memref_slice %arg3[%mul3A_41, %dma_wait3A_78] : memref<2560x128xi32, #tpu.memory_space<hbm>> -> memref<80x128xi32, #tpu.memory_space<hbm>>
        tpu.wait_dma2 semaphore(%run_scoped3A : memref<!tpu.dma_semaphore, #tpu.memory_space<semaphore_mem>>) src(%dma_wait3A_79 : memref<80x128xi32, #tpu.memory_space<hbm>>) dst(%dma_wait3A_77 : memref<80x128xi32, #tpu.memory_space<vmem>>)
        tpu.yield
      }) : () -> ()
      "tpu.region"() ({
        %run_scoped3A = tpu.sem_alloc : memref<!tpu.dma_semaphore, #tpu.memory_space<semaphore_mem>>
        %dma_start3A_61 = arith.constant 0 : i32
        %dma_start3A_62 = arith.constant 0 : i32
        %dma_start3A_63 = tpu.memref_slice %arg7[%dma_start3A_61, %dma_start3A_62] : memref<80x128xi32, #tpu.memory_space<vmem>> -> memref<80x128xi32, #tpu.memory_space<vmem>>
        %dma_start3A_64 = arith.constant 0 : i32
        %dma_start3A_65 = tpu.memref_slice %arg4[%mul3A_41, %dma_start3A_64] : memref<2560x128xi32, #tpu.memory_space<hbm>> -> memref<80x128xi32, #tpu.memory_space<hbm>>
        %dma_start3A_66 = arith.constant 0 : i32
        %dma_start3A_67 = arith.constant 0 : i32
        %dma_start3A_68 = tpu.memref_slice %arg7[%dma_start3A_66, %dma_start3A_67] : memref<80x128xi32, #tpu.memory_space<vmem>> -> memref<80x128xi32, #tpu.memory_space<vmem>>
        %dma_start3A_69 = arith.constant 0 : i32
        %dma_start3A_70 = tpu.memref_slice %arg4[%mul3A_41, %dma_start3A_69] : memref<2560x128xi32, #tpu.memory_space<hbm>> -> memref<80x128xi32, #tpu.memory_space<hbm>>
        tpu.enqueue_dma source(%dma_start3A_70 : memref<80x128xi32, #tpu.memory_space<hbm>>) target(%dma_start3A_68 : memref<80x128xi32, #tpu.memory_space<vmem>>) target_semaphore(%run_scoped3A : memref<!tpu.dma_semaphore, #tpu.memory_space<semaphore_mem>>)
        %dma_wait3A = arith.constant 0 : i32
        %dma_wait3A_71 = arith.constant 0 : i32
        %dma_wait3A_72 = tpu.memref_slice %arg7[%dma_wait3A, %dma_wait3A_71] : memref<80x128xi32, #tpu.memory_space<vmem>> -> memref<80x128xi32, #tpu.memory_space<vmem>>
        %dma_wait3A_73 = arith.constant 0 : i32
        %dma_wait3A_74 = tpu.memref_slice %arg4[%mul3A_41, %dma_wait3A_73] : memref<2560x128xi32, #tpu.memory_space<hbm>> -> memref<80x128xi32, #tpu.memory_space<hbm>>
        %dma_wait3A_75 = arith.constant 0 : i32
        %dma_wait3A_76 = arith.constant 0 : i32
        %dma_wait3A_77 = tpu.memref_slice %arg7[%dma_wait3A_75, %dma_wait3A_76] : memref<80x128xi32, #tpu.memory_space<vmem>> -> memref<80x128xi32, #tpu.memory_space<vmem>>
        %dma_wait3A_78 = arith.constant 0 : i32
        %dma_wait3A_79 = tpu.memref_slice %arg4[%mul3A_41, %dma_wait3A_78] : memref<2560x128xi32, #tpu.memory_space<hbm>> -> memref<80x128xi32, #tpu.memory_space<hbm>>
        tpu.wait_dma2 semaphore(%run_scoped3A : memref<!tpu.dma_semaphore, #tpu.memory_space<semaphore_mem>>) src(%dma_wait3A_79 : memref<80x128xi32, #tpu.memory_space<hbm>>) dst(%dma_wait3A_77 : memref<80x128xi32, #tpu.memory_space<vmem>>)
        tpu.yield
      }) : () -> ()
      %dma_start3A = arith.constant 0 : i32
      %dma_start3A_42 = arith.constant 0 : i32
      %dma_start3A_43 = tpu.memref_slice %arg6[%dma_start3A, %dma_start3A_42] : memref<80x128xi32, #tpu.memory_space<vmem>> -> memref<1x128xi32, #tpu.memory_space<vmem>>
      %dma_start3A_44 = tpu.memref_squeeze %dma_start3A_43 : memref<1x128xi32, #tpu.memory_space<vmem>> -> memref<128xi32, #tpu.memory_space<vmem>>
      %dma_start3A_45 = arith.constant 0 : i32
      %dma_start3A_46 = arith.constant 0 : i32
      %dma_start3A_47 = tpu.memref_slice %arg11[%dma_start3A_45, %dma_start3A_46] : memref<10240x32xf32, #tpu.memory_space<vmem_shared>> -> memref<10240x32xf32, #tpu.memory_space<vmem_shared>>
      tpu.enqueue_indirect_dma source(%dma_start3A_47 : memref<10240x32xf32, #tpu.memory_space<vmem_shared>>) target(%arg8 : memref<128x32xf32, #tpu.memory_space<vmem>>) offsets(%dma_start3A_44 : memref<128xi32, #tpu.memory_space<vmem>>) semaphore(%arg12 : memref<!tpu.dma_semaphore, #tpu.memory_space<semaphore_mem>>)
      %dma_start3A_48 = arith.constant 1 : i32
      %dma_start3A_49 = arith.constant 0 : i32
      %dma_start3A_50 = tpu.memref_slice %arg6[%dma_start3A_48, %dma_start3A_49] : memref<80x128xi32, #tpu.memory_space<vmem>> -> memref<1x128xi32, #tpu.memory_space<vmem>>
      %dma_start3A_51 = tpu.memref_squeeze %dma_start3A_50 : memref<1x128xi32, #tpu.memory_space<vmem>> -> memref<128xi32, #tpu.memory_space<vmem>>
      %dma_start3A_52 = arith.constant 0 : i32
      %dma_start3A_53 = arith.constant 0 : i32
      %dma_start3A_54 = tpu.memref_slice %arg11[%dma_start3A_52, %dma_start3A_53] : memref<10240x32xf32, #tpu.memory_space<vmem_shared>> -> memref<10240x32xf32, #tpu.memory_space<vmem_shared>>
      tpu.enqueue_indirect_dma source(%dma_start3A_54 : memref<10240x32xf32, #tpu.memory_space<vmem_shared>>) target(%arg9 : memref<128x32xf32, #tpu.memory_space<vmem>>) offsets(%dma_start3A_51 : memref<128xi32, #tpu.memory_space<vmem>>) semaphore(%arg13 : memref<!tpu.dma_semaphore, #tpu.memory_space<semaphore_mem>>)
      %scan3A_55 = arith.constant 0 : i32
      %scan3A_56 = arith.constant 0 : i32
      %scan3A_57 = arith.constant 40 : i32
      %scan3A_58 = arith.addi %scan3A_56, %scan3A_57 : i32
      %scan3A_59 = arith.constant 1 : i32
      scf.for %scan3A_61 = %scan3A_56 to %scan3A_58 step %scan3A_59  : i32 {
        %mul3A_62 = arith.constant 2 : i32
        %mul3A_63 = arith.muli %scan3A_61, %mul3A_62 : i32
        %add3A_64 = arith.constant 0 : i32
        %add3A_65 = arith.addi %mul3A_63, %add3A_64 : i32
        %dma_wait3A = arith.constant 0 : i32
        %dma_wait3A_66 = tpu.memref_slice %arg6[%add3A_65, %dma_wait3A] : memref<80x128xi32, #tpu.memory_space<vmem>> -> memref<1x128xi32, #tpu.memory_space<vmem>>
        %dma_wait3A_67 = tpu.memref_squeeze %dma_wait3A_66 : memref<1x128xi32, #tpu.memory_space<vmem>> -> memref<128xi32, #tpu.memory_space<vmem>>
        %dma_wait3A_68 = arith.constant 0 : i32
        %dma_wait3A_69 = arith.constant 0 : i32
        %dma_wait3A_70 = tpu.memref_slice %arg11[%dma_wait3A_68, %dma_wait3A_69] : memref<10240x32xf32, #tpu.memory_space<vmem_shared>> -> memref<10240x32xf32, #tpu.memory_space<vmem_shared>>
        tpu.wait_indirect_dma semaphore(%arg12 : memref<!tpu.dma_semaphore, #tpu.memory_space<semaphore_mem>>) src(%dma_wait3A_70 : memref<10240x32xf32, #tpu.memory_space<vmem_shared>>) dst(%arg8 : memref<128x32xf32, #tpu.memory_space<vmem>>)
        "tpu.region"() ({
          %run_scoped3A = tpu.sem_alloc : memref<!tpu.dma_semaphore, #tpu.memory_space<semaphore_mem>>
          %dma_start3A_94 = arith.constant 0 : i32
          %dma_start3A_95 = tpu.memref_slice %arg7[%add3A_65, %dma_start3A_94] : memref<80x128xi32, #tpu.memory_space<vmem>> -> memref<1x128xi32, #tpu.memory_space<vmem>>
          %dma_start3A_96 = tpu.memref_squeeze %dma_start3A_95 : memref<1x128xi32, #tpu.memory_space<vmem>> -> memref<128xi32, #tpu.memory_space<vmem>>
          %dma_start3A_97 = arith.constant 0 : i32
          %dma_start3A_98 = arith.constant 0 : i32
          %dma_start3A_99 = tpu.memref_slice %arg10[%dma_start3A_97, %dma_start3A_98] : memref<10240x32xf32, #tpu.memory_space<vmem_shared>> -> memref<10240x32xf32, #tpu.memory_space<vmem_shared>>
          tpu.enqueue_indirect_dma source(%arg8 : memref<128x32xf32, #tpu.memory_space<vmem>>) target(%dma_start3A_99 : memref<10240x32xf32, #tpu.memory_space<vmem_shared>>) offsets(%dma_start3A_96 : memref<128xi32, #tpu.memory_space<vmem>>) semaphore(%run_scoped3A : memref<!tpu.dma_semaphore, #tpu.memory_space<semaphore_mem>>) {add = true}
          %dma_wait3A_100 = arith.constant 0 : i32
          %dma_wait3A_101 = tpu.memref_slice %arg7[%add3A_65, %dma_wait3A_100] : memref<80x128xi32, #tpu.memory_space<vmem>> -> memref<1x128xi32, #tpu.memory_space<vmem>>
          %dma_wait3A_102 = tpu.memref_squeeze %dma_wait3A_101 : memref<1x128xi32, #tpu.memory_space<vmem>> -> memref<128xi32, #tpu.memory_space<vmem>>
          %dma_wait3A_103 = arith.constant 0 : i32
          %dma_wait3A_104 = arith.constant 0 : i32
          %dma_wait3A_105 = tpu.memref_slice %arg10[%dma_wait3A_103, %dma_wait3A_104] : memref<10240x32xf32, #tpu.memory_space<vmem_shared>> -> memref<10240x32xf32, #tpu.memory_space<vmem_shared>>
          tpu.wait_indirect_dma semaphore(%run_scoped3A : memref<!tpu.dma_semaphore, #tpu.memory_space<semaphore_mem>>) src(%arg8 : memref<128x32xf32, #tpu.memory_space<vmem>>) dst(%dma_wait3A_105 : memref<10240x32xf32, #tpu.memory_space<vmem_shared>>)
          tpu.yield
        }) : () -> ()
        %add3A_71 = arith.constant 2 : i32
        %add3A_72 = arith.addi %add3A_65, %add3A_71 : i32
        %lt3A = arith.constant 80 : i32
        %lt3A_73 = arith.cmpi slt, %add3A_72, %lt3A : i32
        %convert_element_type3A_74 = arith.extui %lt3A_73 : i1 to i32
        %cond3A_75 = arith.constant 0 : i32
        %cond3A_76 = arith.cmpi ne, %convert_element_type3A_74, %cond3A_75 : i32
        scf.if %cond3A_76 {
          %add3A_94 = arith.constant 2 : i32
          %add3A_95 = arith.addi %add3A_65, %add3A_94 : i32
          %dma_start3A_96 = arith.constant 0 : i32
          %dma_start3A_97 = tpu.memref_slice %arg6[%add3A_95, %dma_start3A_96] : memref<80x128xi32, #tpu.memory_space<vmem>> -> memref<1x128xi32, #tpu.memory_space<vmem>>
          %dma_start3A_98 = tpu.memref_squeeze %dma_start3A_97 : memref<1x128xi32, #tpu.memory_space<vmem>> -> memref<128xi32, #tpu.memory_space<vmem>>
          %dma_start3A_99 = arith.constant 0 : i32
          %dma_start3A_100 = arith.constant 0 : i32
          %dma_start3A_101 = tpu.memref_slice %arg11[%dma_start3A_99, %dma_start3A_100] : memref<10240x32xf32, #tpu.memory_space<vmem_shared>> -> memref<10240x32xf32, #tpu.memory_space<vmem_shared>>
          tpu.enqueue_indirect_dma source(%dma_start3A_101 : memref<10240x32xf32, #tpu.memory_space<vmem_shared>>) target(%arg8 : memref<128x32xf32, #tpu.memory_space<vmem>>) offsets(%dma_start3A_98 : memref<128xi32, #tpu.memory_space<vmem>>) semaphore(%arg12 : memref<!tpu.dma_semaphore, #tpu.memory_space<semaphore_mem>>)
        } else {
        }
        %mul3A_77 = arith.constant 2 : i32
        %mul3A_78 = arith.muli %scan3A_61, %mul3A_77 : i32
        %add3A_79 = arith.constant 1 : i32
        %add3A_80 = arith.addi %mul3A_78, %add3A_79 : i32
        %dma_wait3A_81 = arith.constant 0 : i32
        %dma_wait3A_82 = tpu.memref_slice %arg6[%add3A_80, %dma_wait3A_81] : memref<80x128xi32, #tpu.memory_space<vmem>> -> memref<1x128xi32, #tpu.memory_space<vmem>>
        %dma_wait3A_83 = tpu.memref_squeeze %dma_wait3A_82 : memref<1x128xi32, #tpu.memory_space<vmem>> -> memref<128xi32, #tpu.memory_space<vmem>>
        %dma_wait3A_84 = arith.constant 0 : i32
        %dma_wait3A_85 = arith.constant 0 : i32
        %dma_wait3A_86 = tpu.memref_slice %arg11[%dma_wait3A_84, %dma_wait3A_85] : memref<10240x32xf32, #tpu.memory_space<vmem_shared>> -> memref<10240x32xf32, #tpu.memory_space<vmem_shared>>
        tpu.wait_indirect_dma semaphore(%arg13 : memref<!tpu.dma_semaphore, #tpu.memory_space<semaphore_mem>>) src(%dma_wait3A_86 : memref<10240x32xf32, #tpu.memory_space<vmem_shared>>) dst(%arg9 : memref<128x32xf32, #tpu.memory_space<vmem>>)
        "tpu.region"() ({
          %run_scoped3A = tpu.sem_alloc : memref<!tpu.dma_semaphore, #tpu.memory_space<semaphore_mem>>
          %dma_start3A_94 = arith.constant 0 : i32
          %dma_start3A_95 = tpu.memref_slice %arg7[%add3A_80, %dma_start3A_94] : memref<80x128xi32, #tpu.memory_space<vmem>> -> memref<1x128xi32, #tpu.memory_space<vmem>>
          %dma_start3A_96 = tpu.memref_squeeze %dma_start3A_95 : memref<1x128xi32, #tpu.memory_space<vmem>> -> memref<128xi32, #tpu.memory_space<vmem>>
          %dma_start3A_97 = arith.constant 0 : i32
          %dma_start3A_98 = arith.constant 0 : i32
          %dma_start3A_99 = tpu.memref_slice %arg10[%dma_start3A_97, %dma_start3A_98] : memref<10240x32xf32, #tpu.memory_space<vmem_shared>> -> memref<10240x32xf32, #tpu.memory_space<vmem_shared>>
          tpu.enqueue_indirect_dma source(%arg9 : memref<128x32xf32, #tpu.memory_space<vmem>>) target(%dma_start3A_99 : memref<10240x32xf32, #tpu.memory_space<vmem_shared>>) offsets(%dma_start3A_96 : memref<128xi32, #tpu.memory_space<vmem>>) semaphore(%run_scoped3A : memref<!tpu.dma_semaphore, #tpu.memory_space<semaphore_mem>>) {add = true}
          %dma_wait3A_100 = arith.constant 0 : i32
          %dma_wait3A_101 = tpu.memref_slice %arg7[%add3A_80, %dma_wait3A_100] : memref<80x128xi32, #tpu.memory_space<vmem>> -> memref<1x128xi32, #tpu.memory_space<vmem>>
          %dma_wait3A_102 = tpu.memref_squeeze %dma_wait3A_101 : memref<1x128xi32, #tpu.memory_space<vmem>> -> memref<128xi32, #tpu.memory_space<vmem>>
          %dma_wait3A_103 = arith.constant 0 : i32
          %dma_wait3A_104 = arith.constant 0 : i32
          %dma_wait3A_105 = tpu.memref_slice %arg10[%dma_wait3A_103, %dma_wait3A_104] : memref<10240x32xf32, #tpu.memory_space<vmem_shared>> -> memref<10240x32xf32, #tpu.memory_space<vmem_shared>>
          tpu.wait_indirect_dma semaphore(%run_scoped3A : memref<!tpu.dma_semaphore, #tpu.memory_space<semaphore_mem>>) src(%arg9 : memref<128x32xf32, #tpu.memory_space<vmem>>) dst(%dma_wait3A_105 : memref<10240x32xf32, #tpu.memory_space<vmem_shared>>)
          tpu.yield
        }) : () -> ()
        %add3A_87 = arith.constant 2 : i32
        %add3A_88 = arith.addi %add3A_80, %add3A_87 : i32
        %lt3A_89 = arith.constant 80 : i32
        %lt3A_90 = arith.cmpi slt, %add3A_88, %lt3A_89 : i32
        %convert_element_type3A_91 = arith.extui %lt3A_90 : i1 to i32
        %cond3A_92 = arith.constant 0 : i32
        %cond3A_93 = arith.cmpi ne, %convert_element_type3A_91, %cond3A_92 : i32
        scf.if %cond3A_93 {
          %add3A_94 = arith.constant 2 : i32
          %add3A_95 = arith.addi %add3A_80, %add3A_94 : i32
          %dma_start3A_96 = arith.constant 0 : i32
          %dma_start3A_97 = tpu.memref_slice %arg6[%add3A_95, %dma_start3A_96] : memref<80x128xi32, #tpu.memory_space<vmem>> -> memref<1x128xi32, #tpu.memory_space<vmem>>
          %dma_start3A_98 = tpu.memref_squeeze %dma_start3A_97 : memref<1x128xi32, #tpu.memory_space<vmem>> -> memref<128xi32, #tpu.memory_space<vmem>>
          %dma_start3A_99 = arith.constant 0 : i32
          %dma_start3A_100 = arith.constant 0 : i32
          %dma_start3A_101 = tpu.memref_slice %arg11[%dma_start3A_99, %dma_start3A_100] : memref<10240x32xf32, #tpu.memory_space<vmem_shared>> -> memref<10240x32xf32, #tpu.memory_space<vmem_shared>>
          tpu.enqueue_indirect_dma source(%dma_start3A_101 : memref<10240x32xf32, #tpu.memory_space<vmem_shared>>) target(%arg9 : memref<128x32xf32, #tpu.memory_space<vmem>>) offsets(%dma_start3A_98 : memref<128xi32, #tpu.memory_space<vmem>>) semaphore(%arg13 : memref<!tpu.dma_semaphore, #tpu.memory_space<semaphore_mem>>)
        } else {
        }
      }
      %scan3A_60 = arith.constant 40 : i32
    } else {
    }
    %eq3A_30 = arith.constant 1 : i32
    %eq3A_31 = arith.cmpi eq, %arg0, %eq3A_30 : i32
    %convert_element_type3A_32 = arith.extui %eq3A_31 : i1 to i32
    %cond3A_33 = arith.constant 0 : i32
    %cond3A_34 = arith.cmpi ne, %convert_element_type3A_32, %cond3A_33 : i32
    scf.if %cond3A_34 {
      %mul3A_40 = arith.constant 80 : i32
      %mul3A_41 = arith.muli %arg1, %mul3A_40 : i32
      %add3A_42 = arith.constant 1280 : i32
      %add3A_43 = arith.addi %add3A_42, %mul3A_41 : i32
      "tpu.region"() ({
        %run_scoped3A = tpu.sem_alloc : memref<!tpu.dma_semaphore, #tpu.memory_space<semaphore_mem>>
        %dma_start3A_63 = arith.constant 0 : i32
        %dma_start3A_64 = arith.constant 0 : i32
        %dma_start3A_65 = tpu.memref_slice %arg6[%dma_start3A_63, %dma_start3A_64] : memref<80x128xi32, #tpu.memory_space<vmem>> -> memref<80x128xi32, #tpu.memory_space<vmem>>
        %dma_start3A_66 = arith.constant 0 : i32
        %dma_start3A_67 = tpu.memref_slice %arg3[%add3A_43, %dma_start3A_66] : memref<2560x128xi32, #tpu.memory_space<hbm>> -> memref<80x128xi32, #tpu.memory_space<hbm>>
        %dma_start3A_68 = arith.constant 0 : i32
        %dma_start3A_69 = arith.constant 0 : i32
        %dma_start3A_70 = tpu.memref_slice %arg6[%dma_start3A_68, %dma_start3A_69] : memref<80x128xi32, #tpu.memory_space<vmem>> -> memref<80x128xi32, #tpu.memory_space<vmem>>
        %dma_start3A_71 = arith.constant 0 : i32
        %dma_start3A_72 = tpu.memref_slice %arg3[%add3A_43, %dma_start3A_71] : memref<2560x128xi32, #tpu.memory_space<hbm>> -> memref<80x128xi32, #tpu.memory_space<hbm>>
        tpu.enqueue_dma source(%dma_start3A_72 : memref<80x128xi32, #tpu.memory_space<hbm>>) target(%dma_start3A_70 : memref<80x128xi32, #tpu.memory_space<vmem>>) target_semaphore(%run_scoped3A : memref<!tpu.dma_semaphore, #tpu.memory_space<semaphore_mem>>)
        %dma_wait3A = arith.constant 0 : i32
        %dma_wait3A_73 = arith.constant 0 : i32
        %dma_wait3A_74 = tpu.memref_slice %arg6[%dma_wait3A, %dma_wait3A_73] : memref<80x128xi32, #tpu.memory_space<vmem>> -> memref<80x128xi32, #tpu.memory_space<vmem>>
        %dma_wait3A_75 = arith.constant 0 : i32
        %dma_wait3A_76 = tpu.memref_slice %arg3[%add3A_43, %dma_wait3A_75] : memref<2560x128xi32, #tpu.memory_space<hbm>> -> memref<80x128xi32, #tpu.memory_space<hbm>>
        %dma_wait3A_77 = arith.constant 0 : i32
        %dma_wait3A_78 = arith.constant 0 : i32
        %dma_wait3A_79 = tpu.memref_slice %arg6[%dma_wait3A_77, %dma_wait3A_78] : memref<80x128xi32, #tpu.memory_space<vmem>> -> memref<80x128xi32, #tpu.memory_space<vmem>>
        %dma_wait3A_80 = arith.constant 0 : i32
        %dma_wait3A_81 = tpu.memref_slice %arg3[%add3A_43, %dma_wait3A_80] : memref<2560x128xi32, #tpu.memory_space<hbm>> -> memref<80x128xi32, #tpu.memory_space<hbm>>
        tpu.wait_dma2 semaphore(%run_scoped3A : memref<!tpu.dma_semaphore, #tpu.memory_space<semaphore_mem>>) src(%dma_wait3A_81 : memref<80x128xi32, #tpu.memory_space<hbm>>) dst(%dma_wait3A_79 : memref<80x128xi32, #tpu.memory_space<vmem>>)
        tpu.yield
      }) : () -> ()
      "tpu.region"() ({
        %run_scoped3A = tpu.sem_alloc : memref<!tpu.dma_semaphore, #tpu.memory_space<semaphore_mem>>
        %dma_start3A_63 = arith.constant 0 : i32
        %dma_start3A_64 = arith.constant 0 : i32
        %dma_start3A_65 = tpu.memref_slice %arg7[%dma_start3A_63, %dma_start3A_64] : memref<80x128xi32, #tpu.memory_space<vmem>> -> memref<80x128xi32, #tpu.memory_space<vmem>>
        %dma_start3A_66 = arith.constant 0 : i32
        %dma_start3A_67 = tpu.memref_slice %arg4[%add3A_43, %dma_start3A_66] : memref<2560x128xi32, #tpu.memory_space<hbm>> -> memref<80x128xi32, #tpu.memory_space<hbm>>
        %dma_start3A_68 = arith.constant 0 : i32
        %dma_start3A_69 = arith.constant 0 : i32
        %dma_start3A_70 = tpu.memref_slice %arg7[%dma_start3A_68, %dma_start3A_69] : memref<80x128xi32, #tpu.memory_space<vmem>> -> memref<80x128xi32, #tpu.memory_space<vmem>>
        %dma_start3A_71 = arith.constant 0 : i32
        %dma_start3A_72 = tpu.memref_slice %arg4[%add3A_43, %dma_start3A_71] : memref<2560x128xi32, #tpu.memory_space<hbm>> -> memref<80x128xi32, #tpu.memory_space<hbm>>
        tpu.enqueue_dma source(%dma_start3A_72 : memref<80x128xi32, #tpu.memory_space<hbm>>) target(%dma_start3A_70 : memref<80x128xi32, #tpu.memory_space<vmem>>) target_semaphore(%run_scoped3A : memref<!tpu.dma_semaphore, #tpu.memory_space<semaphore_mem>>)
        %dma_wait3A = arith.constant 0 : i32
        %dma_wait3A_73 = arith.constant 0 : i32
        %dma_wait3A_74 = tpu.memref_slice %arg7[%dma_wait3A, %dma_wait3A_73] : memref<80x128xi32, #tpu.memory_space<vmem>> -> memref<80x128xi32, #tpu.memory_space<vmem>>
        %dma_wait3A_75 = arith.constant 0 : i32
        %dma_wait3A_76 = tpu.memref_slice %arg4[%add3A_43, %dma_wait3A_75] : memref<2560x128xi32, #tpu.memory_space<hbm>> -> memref<80x128xi32, #tpu.memory_space<hbm>>
        %dma_wait3A_77 = arith.constant 0 : i32
        %dma_wait3A_78 = arith.constant 0 : i32
        %dma_wait3A_79 = tpu.memref_slice %arg7[%dma_wait3A_77, %dma_wait3A_78] : memref<80x128xi32, #tpu.memory_space<vmem>> -> memref<80x128xi32, #tpu.memory_space<vmem>>
        %dma_wait3A_80 = arith.constant 0 : i32
        %dma_wait3A_81 = tpu.memref_slice %arg4[%add3A_43, %dma_wait3A_80] : memref<2560x128xi32, #tpu.memory_space<hbm>> -> memref<80x128xi32, #tpu.memory_space<hbm>>
        tpu.wait_dma2 semaphore(%run_scoped3A : memref<!tpu.dma_semaphore, #tpu.memory_space<semaphore_mem>>) src(%dma_wait3A_81 : memref<80x128xi32, #tpu.memory_space<hbm>>) dst(%dma_wait3A_79 : memref<80x128xi32, #tpu.memory_space<vmem>>)
        tpu.yield
      }) : () -> ()
      %dma_start3A = arith.constant 0 : i32
      %dma_start3A_44 = arith.constant 0 : i32
      %dma_start3A_45 = tpu.memref_slice %arg6[%dma_start3A, %dma_start3A_44] : memref<80x128xi32, #tpu.memory_space<vmem>> -> memref<1x128xi32, #tpu.memory_space<vmem>>
      %dma_start3A_46 = tpu.memref_squeeze %dma_start3A_45 : memref<1x128xi32, #tpu.memory_space<vmem>> -> memref<128xi32, #tpu.memory_space<vmem>>
      %dma_start3A_47 = arith.constant 0 : i32
      %dma_start3A_48 = arith.constant 0 : i32
      %dma_start3A_49 = tpu.memref_slice %arg11[%dma_start3A_47, %dma_start3A_48] : memref<10240x32xf32, #tpu.memory_space<vmem_shared>> -> memref<10240x32xf32, #tpu.memory_space<vmem_shared>>
      tpu.enqueue_indirect_dma source(%dma_start3A_49 : memref<10240x32xf32, #tpu.memory_space<vmem_shared>>) target(%arg8 : memref<128x32xf32, #tpu.memory_space<vmem>>) offsets(%dma_start3A_46 : memref<128xi32, #tpu.memory_space<vmem>>) semaphore(%arg12 : memref<!tpu.dma_semaphore, #tpu.memory_space<semaphore_mem>>)
      %dma_start3A_50 = arith.constant 1 : i32
      %dma_start3A_51 = arith.constant 0 : i32
      %dma_start3A_52 = tpu.memref_slice %arg6[%dma_start3A_50, %dma_start3A_51] : memref<80x128xi32, #tpu.memory_space<vmem>> -> memref<1x128xi32, #tpu.memory_space<vmem>>
      %dma_start3A_53 = tpu.memref_squeeze %dma_start3A_52 : memref<1x128xi32, #tpu.memory_space<vmem>> -> memref<128xi32, #tpu.memory_space<vmem>>
      %dma_start3A_54 = arith.constant 0 : i32
      %dma_start3A_55 = arith.constant 0 : i32
      %dma_start3A_56 = tpu.memref_slice %arg11[%dma_start3A_54, %dma_start3A_55] : memref<10240x32xf32, #tpu.memory_space<vmem_shared>> -> memref<10240x32xf32, #tpu.memory_space<vmem_shared>>
      tpu.enqueue_indirect_dma source(%dma_start3A_56 : memref<10240x32xf32, #tpu.memory_space<vmem_shared>>) target(%arg9 : memref<128x32xf32, #tpu.memory_space<vmem>>) offsets(%dma_start3A_53 : memref<128xi32, #tpu.memory_space<vmem>>) semaphore(%arg13 : memref<!tpu.dma_semaphore, #tpu.memory_space<semaphore_mem>>)
      %scan3A_57 = arith.constant 0 : i32
      %scan3A_58 = arith.constant 0 : i32
      %scan3A_59 = arith.constant 40 : i32
      %scan3A_60 = arith.addi %scan3A_58, %scan3A_59 : i32
      %scan3A_61 = arith.constant 1 : i32
      scf.for %scan3A_63 = %scan3A_58 to %scan3A_60 step %scan3A_61  : i32 {
        %mul3A_64 = arith.constant 2 : i32
        %mul3A_65 = arith.muli %scan3A_63, %mul3A_64 : i32
        %add3A_66 = arith.constant 0 : i32
        %add3A_67 = arith.addi %mul3A_65, %add3A_66 : i32
        %dma_wait3A = arith.constant 0 : i32
        %dma_wait3A_68 = tpu.memref_slice %arg6[%add3A_67, %dma_wait3A] : memref<80x128xi32, #tpu.memory_space<vmem>> -> memref<1x128xi32, #tpu.memory_space<vmem>>
        %dma_wait3A_69 = tpu.memref_squeeze %dma_wait3A_68 : memref<1x128xi32, #tpu.memory_space<vmem>> -> memref<128xi32, #tpu.memory_space<vmem>>
        %dma_wait3A_70 = arith.constant 0 : i32
        %dma_wait3A_71 = arith.constant 0 : i32
        %dma_wait3A_72 = tpu.memref_slice %arg11[%dma_wait3A_70, %dma_wait3A_71] : memref<10240x32xf32, #tpu.memory_space<vmem_shared>> -> memref<10240x32xf32, #tpu.memory_space<vmem_shared>>
        tpu.wait_indirect_dma semaphore(%arg12 : memref<!tpu.dma_semaphore, #tpu.memory_space<semaphore_mem>>) src(%dma_wait3A_72 : memref<10240x32xf32, #tpu.memory_space<vmem_shared>>) dst(%arg8 : memref<128x32xf32, #tpu.memory_space<vmem>>)
        "tpu.region"() ({
          %run_scoped3A = tpu.sem_alloc : memref<!tpu.dma_semaphore, #tpu.memory_space<semaphore_mem>>
          %dma_start3A_96 = arith.constant 0 : i32
          %dma_start3A_97 = tpu.memref_slice %arg7[%add3A_67, %dma_start3A_96] : memref<80x128xi32, #tpu.memory_space<vmem>> -> memref<1x128xi32, #tpu.memory_space<vmem>>
          %dma_start3A_98 = tpu.memref_squeeze %dma_start3A_97 : memref<1x128xi32, #tpu.memory_space<vmem>> -> memref<128xi32, #tpu.memory_space<vmem>>
          %dma_start3A_99 = arith.constant 0 : i32
          %dma_start3A_100 = arith.constant 0 : i32
          %dma_start3A_101 = tpu.memref_slice %arg10[%dma_start3A_99, %dma_start3A_100] : memref<10240x32xf32, #tpu.memory_space<vmem_shared>> -> memref<10240x32xf32, #tpu.memory_space<vmem_shared>>
          tpu.enqueue_indirect_dma source(%arg8 : memref<128x32xf32, #tpu.memory_space<vmem>>) target(%dma_start3A_101 : memref<10240x32xf32, #tpu.memory_space<vmem_shared>>) offsets(%dma_start3A_98 : memref<128xi32, #tpu.memory_space<vmem>>) semaphore(%run_scoped3A : memref<!tpu.dma_semaphore, #tpu.memory_space<semaphore_mem>>) {add = true}
          %dma_wait3A_102 = arith.constant 0 : i32
          %dma_wait3A_103 = tpu.memref_slice %arg7[%add3A_67, %dma_wait3A_102] : memref<80x128xi32, #tpu.memory_space<vmem>> -> memref<1x128xi32, #tpu.memory_space<vmem>>
          %dma_wait3A_104 = tpu.memref_squeeze %dma_wait3A_103 : memref<1x128xi32, #tpu.memory_space<vmem>> -> memref<128xi32, #tpu.memory_space<vmem>>
          %dma_wait3A_105 = arith.constant 0 : i32
          %dma_wait3A_106 = arith.constant 0 : i32
          %dma_wait3A_107 = tpu.memref_slice %arg10[%dma_wait3A_105, %dma_wait3A_106] : memref<10240x32xf32, #tpu.memory_space<vmem_shared>> -> memref<10240x32xf32, #tpu.memory_space<vmem_shared>>
          tpu.wait_indirect_dma semaphore(%run_scoped3A : memref<!tpu.dma_semaphore, #tpu.memory_space<semaphore_mem>>) src(%arg8 : memref<128x32xf32, #tpu.memory_space<vmem>>) dst(%dma_wait3A_107 : memref<10240x32xf32, #tpu.memory_space<vmem_shared>>)
          tpu.yield
        }) : () -> ()
        %add3A_73 = arith.constant 2 : i32
        %add3A_74 = arith.addi %add3A_67, %add3A_73 : i32
        %lt3A = arith.constant 80 : i32
        %lt3A_75 = arith.cmpi slt, %add3A_74, %lt3A : i32
        %convert_element_type3A_76 = arith.extui %lt3A_75 : i1 to i32
        %cond3A_77 = arith.constant 0 : i32
        %cond3A_78 = arith.cmpi ne, %convert_element_type3A_76, %cond3A_77 : i32
        scf.if %cond3A_78 {
          %add3A_96 = arith.constant 2 : i32
          %add3A_97 = arith.addi %add3A_67, %add3A_96 : i32
          %dma_start3A_98 = arith.constant 0 : i32
          %dma_start3A_99 = tpu.memref_slice %arg6[%add3A_97, %dma_start3A_98] : memref<80x128xi32, #tpu.memory_space<vmem>> -> memref<1x128xi32, #tpu.memory_space<vmem>>
          %dma_start3A_100 = tpu.memref_squeeze %dma_start3A_99 : memref<1x128xi32, #tpu.memory_space<vmem>> -> memref<128xi32, #tpu.memory_space<vmem>>
          %dma_start3A_101 = arith.constant 0 : i32
          %dma_start3A_102 = arith.constant 0 : i32
          %dma_start3A_103 = tpu.memref_slice %arg11[%dma_start3A_101, %dma_start3A_102] : memref<10240x32xf32, #tpu.memory_space<vmem_shared>> -> memref<10240x32xf32, #tpu.memory_space<vmem_shared>>
          tpu.enqueue_indirect_dma source(%dma_start3A_103 : memref<10240x32xf32, #tpu.memory_space<vmem_shared>>) target(%arg8 : memref<128x32xf32, #tpu.memory_space<vmem>>) offsets(%dma_start3A_100 : memref<128xi32, #tpu.memory_space<vmem>>) semaphore(%arg12 : memref<!tpu.dma_semaphore, #tpu.memory_space<semaphore_mem>>)
        } else {
        }
        %mul3A_79 = arith.constant 2 : i32
        %mul3A_80 = arith.muli %scan3A_63, %mul3A_79 : i32
        %add3A_81 = arith.constant 1 : i32
        %add3A_82 = arith.addi %mul3A_80, %add3A_81 : i32
        %dma_wait3A_83 = arith.constant 0 : i32
        %dma_wait3A_84 = tpu.memref_slice %arg6[%add3A_82, %dma_wait3A_83] : memref<80x128xi32, #tpu.memory_space<vmem>> -> memref<1x128xi32, #tpu.memory_space<vmem>>
        %dma_wait3A_85 = tpu.memref_squeeze %dma_wait3A_84 : memref<1x128xi32, #tpu.memory_space<vmem>> -> memref<128xi32, #tpu.memory_space<vmem>>
        %dma_wait3A_86 = arith.constant 0 : i32
        %dma_wait3A_87 = arith.constant 0 : i32
        %dma_wait3A_88 = tpu.memref_slice %arg11[%dma_wait3A_86, %dma_wait3A_87] : memref<10240x32xf32, #tpu.memory_space<vmem_shared>> -> memref<10240x32xf32, #tpu.memory_space<vmem_shared>>
        tpu.wait_indirect_dma semaphore(%arg13 : memref<!tpu.dma_semaphore, #tpu.memory_space<semaphore_mem>>) src(%dma_wait3A_88 : memref<10240x32xf32, #tpu.memory_space<vmem_shared>>) dst(%arg9 : memref<128x32xf32, #tpu.memory_space<vmem>>)
        "tpu.region"() ({
          %run_scoped3A = tpu.sem_alloc : memref<!tpu.dma_semaphore, #tpu.memory_space<semaphore_mem>>
          %dma_start3A_96 = arith.constant 0 : i32
          %dma_start3A_97 = tpu.memref_slice %arg7[%add3A_82, %dma_start3A_96] : memref<80x128xi32, #tpu.memory_space<vmem>> -> memref<1x128xi32, #tpu.memory_space<vmem>>
          %dma_start3A_98 = tpu.memref_squeeze %dma_start3A_97 : memref<1x128xi32, #tpu.memory_space<vmem>> -> memref<128xi32, #tpu.memory_space<vmem>>
          %dma_start3A_99 = arith.constant 0 : i32
          %dma_start3A_100 = arith.constant 0 : i32
          %dma_start3A_101 = tpu.memref_slice %arg10[%dma_start3A_99, %dma_start3A_100] : memref<10240x32xf32, #tpu.memory_space<vmem_shared>> -> memref<10240x32xf32, #tpu.memory_space<vmem_shared>>
          tpu.enqueue_indirect_dma source(%arg9 : memref<128x32xf32, #tpu.memory_space<vmem>>) target(%dma_start3A_101 : memref<10240x32xf32, #tpu.memory_space<vmem_shared>>) offsets(%dma_start3A_98 : memref<128xi32, #tpu.memory_space<vmem>>) semaphore(%run_scoped3A : memref<!tpu.dma_semaphore, #tpu.memory_space<semaphore_mem>>) {add = true}
          %dma_wait3A_102 = arith.constant 0 : i32
          %dma_wait3A_103 = tpu.memref_slice %arg7[%add3A_82, %dma_wait3A_102] : memref<80x128xi32, #tpu.memory_space<vmem>> -> memref<1x128xi32, #tpu.memory_space<vmem>>
          %dma_wait3A_104 = tpu.memref_squeeze %dma_wait3A_103 : memref<1x128xi32, #tpu.memory_space<vmem>> -> memref<128xi32, #tpu.memory_space<vmem>>
          %dma_wait3A_105 = arith.constant 0 : i32
          %dma_wait3A_106 = arith.constant 0 : i32
          %dma_wait3A_107 = tpu.memref_slice %arg10[%dma_wait3A_105, %dma_wait3A_106] : memref<10240x32xf32, #tpu.memory_space<vmem_shared>> -> memref<10240x32xf32, #tpu.memory_space<vmem_shared>>
          tpu.wait_indirect_dma semaphore(%run_scoped3A : memref<!tpu.dma_semaphore, #tpu.memory_space<semaphore_mem>>) src(%arg9 : memref<128x32xf32, #tpu.memory_space<vmem>>) dst(%dma_wait3A_107 : memref<10240x32xf32, #tpu.memory_space<vmem_shared>>)
          tpu.yield
        }) : () -> ()
        %add3A_89 = arith.constant 2 : i32
        %add3A_90 = arith.addi %add3A_82, %add3A_89 : i32
        %lt3A_91 = arith.constant 80 : i32
        %lt3A_92 = arith.cmpi slt, %add3A_90, %lt3A_91 : i32
        %convert_element_type3A_93 = arith.extui %lt3A_92 : i1 to i32
        %cond3A_94 = arith.constant 0 : i32
        %cond3A_95 = arith.cmpi ne, %convert_element_type3A_93, %cond3A_94 : i32
        scf.if %cond3A_95 {
          %add3A_96 = arith.constant 2 : i32
          %add3A_97 = arith.addi %add3A_82, %add3A_96 : i32
          %dma_start3A_98 = arith.constant 0 : i32
          %dma_start3A_99 = tpu.memref_slice %arg6[%add3A_97, %dma_start3A_98] : memref<80x128xi32, #tpu.memory_space<vmem>> -> memref<1x128xi32, #tpu.memory_space<vmem>>
          %dma_start3A_100 = tpu.memref_squeeze %dma_start3A_99 : memref<1x128xi32, #tpu.memory_space<vmem>> -> memref<128xi32, #tpu.memory_space<vmem>>
          %dma_start3A_101 = arith.constant 0 : i32
          %dma_start3A_102 = arith.constant 0 : i32
          %dma_start3A_103 = tpu.memref_slice %arg11[%dma_start3A_101, %dma_start3A_102] : memref<10240x32xf32, #tpu.memory_space<vmem_shared>> -> memref<10240x32xf32, #tpu.memory_space<vmem_shared>>
          tpu.enqueue_indirect_dma source(%dma_start3A_103 : memref<10240x32xf32, #tpu.memory_space<vmem_shared>>) target(%arg9 : memref<128x32xf32, #tpu.memory_space<vmem>>) offsets(%dma_start3A_100 : memref<128xi32, #tpu.memory_space<vmem>>) semaphore(%arg13 : memref<!tpu.dma_semaphore, #tpu.memory_space<semaphore_mem>>)
        } else {
        }
      }
      %scan3A_62 = arith.constant 40 : i32
    } else {
    }
    %barrier3A_35 = arith.constant 0 : index
    tpu.barrier barrier_id(%barrier3A_35)
    %mul3A_36 = arith.constant 640 : i32
    %mul3A_37 = arith.muli %arg1, %mul3A_36 : i32
    %mul3A_38 = arith.constant 640 : i32
    %mul3A_39 = arith.muli %arg1, %mul3A_38 : i32
    "tpu.region"() ({
      %run_scoped3A = tpu.sem_alloc : memref<!tpu.dma_semaphore, #tpu.memory_space<semaphore_mem>>
      %dma_start3A = arith.constant 0 : i32
      %dma_start3A_40 = tpu.memref_slice %arg5[%arg0, %mul3A_39, %dma_start3A] : memref<2x10240x32xf32, #tpu.memory_space<hbm>> -> memref<1x640x32xf32, #tpu.memory_space<hbm>>
      %dma_start3A_41 = tpu.memref_squeeze %dma_start3A_40 : memref<1x640x32xf32, #tpu.memory_space<hbm>> -> memref<640x32xf32, #tpu.memory_space<hbm>>
      %dma_start3A_42 = arith.constant 0 : i32
      %dma_start3A_43 = tpu.memref_slice %arg10[%mul3A_37, %dma_start3A_42] : memref<10240x32xf32, #tpu.memory_space<vmem_shared>> -> memref<640x32xf32, #tpu.memory_space<vmem_shared>>
      tpu.enqueue_dma source(%dma_start3A_43 : memref<640x32xf32, #tpu.memory_space<vmem_shared>>) target(%dma_start3A_41 : memref<640x32xf32, #tpu.memory_space<hbm>>) target_semaphore(%run_scoped3A : memref<!tpu.dma_semaphore, #tpu.memory_space<semaphore_mem>>)
      %dma_wait3A = arith.constant 0 : i32
      %dma_wait3A_44 = tpu.memref_slice %arg5[%arg0, %mul3A_39, %dma_wait3A] : memref<2x10240x32xf32, #tpu.memory_space<hbm>> -> memref<1x640x32xf32, #tpu.memory_space<hbm>>
      %dma_wait3A_45 = tpu.memref_squeeze %dma_wait3A_44 : memref<1x640x32xf32, #tpu.memory_space<hbm>> -> memref<640x32xf32, #tpu.memory_space<hbm>>
      %dma_wait3A_46 = arith.constant 0 : i32
      %dma_wait3A_47 = tpu.memref_slice %arg10[%mul3A_37, %dma_wait3A_46] : memref<10240x32xf32, #tpu.memory_space<vmem_shared>> -> memref<640x32xf32, #tpu.memory_space<vmem_shared>>
      tpu.wait_dma2 semaphore(%run_scoped3A : memref<!tpu.dma_semaphore, #tpu.memory_space<semaphore_mem>>) src(%dma_wait3A_47 : memref<640x32xf32, #tpu.memory_space<vmem_shared>>) dst(%dma_wait3A_45 : memref<640x32xf32, #tpu.memory_space<hbm>>)
      tpu.yield
    }) : () -> ()
    return
  }
}

#map = affine_map<(d0, d1) -> (0, 0)>
#map1 = affine_map<(d0, d1) -> (0, 0, 0)>
module attributes {stable_mosaic.version = 14 : i64} {
  func.func @k(%arg0: i32, %arg1: i32, %arg2: memref<2560x128xi32, #tpu.memory_space<hbm>>, %arg3: memref<2x10240x16xf32, #tpu.memory_space<hbm>>, %arg4: memref<80x128xi32, #tpu.memory_space<vmem>>, %arg5: memref<128x16xf32, #tpu.memory_space<vmem>>, %arg6: memref<10240x16xf32, #tpu.memory_space<vmem_shared>>) attributes {dimension_semantics = [#tpu.dimension_semantics<core_parallel>, #tpu.dimension_semantics<subcore_parallel>], iteration_bounds = array<i64: 2, 16>, scalar_prefetch = 0 : i64, scratch_operands = 3 : i64, tpu.core_type = #tpu.core_type<sc_vector_subcore>, window_params = [{transform_indices = #map}, {transform_indices = #map1}]} {
    %mul3A = arith.constant 16 : i32
    %mul3A_0 = arith.muli %arg0, %mul3A : i32
    %add3A = arith.addi %mul3A_0, %arg1 : i32
    %mul3A_1 = arith.constant 80 : i32
    %mul3A_2 = arith.muli %add3A, %mul3A_1 : i32
    "tpu.region"() ({
      %run_scoped3A = tpu.sem_alloc : memref<!tpu.dma_semaphore, #tpu.memory_space<semaphore_mem>>
      %dma_start3A = arith.constant 0 : i32
      %dma_start3A_48 = tpu.memref_slice %arg2[%mul3A_2, %dma_start3A] : memref<2560x128xi32, #tpu.memory_space<hbm>> -> memref<80x128xi32, #tpu.memory_space<hbm>>
      %dma_start3A_49 = arith.constant 0 : i32
      %dma_start3A_50 = tpu.memref_slice %arg2[%mul3A_2, %dma_start3A_49] : memref<2560x128xi32, #tpu.memory_space<hbm>> -> memref<80x128xi32, #tpu.memory_space<hbm>>
      tpu.enqueue_dma source(%dma_start3A_50 : memref<80x128xi32, #tpu.memory_space<hbm>>) target(%arg4 : memref<80x128xi32, #tpu.memory_space<vmem>>) target_semaphore(%run_scoped3A : memref<!tpu.dma_semaphore, #tpu.memory_space<semaphore_mem>>)
      %dma_wait3A = arith.constant 0 : i32
      %dma_wait3A_51 = tpu.memref_slice %arg2[%mul3A_2, %dma_wait3A] : memref<2560x128xi32, #tpu.memory_space<hbm>> -> memref<80x128xi32, #tpu.memory_space<hbm>>
      %dma_wait3A_52 = arith.constant 0 : i32
      %dma_wait3A_53 = tpu.memref_slice %arg2[%mul3A_2, %dma_wait3A_52] : memref<2560x128xi32, #tpu.memory_space<hbm>> -> memref<80x128xi32, #tpu.memory_space<hbm>>
      tpu.wait_dma2 semaphore(%run_scoped3A : memref<!tpu.dma_semaphore, #tpu.memory_space<semaphore_mem>>) src(%dma_wait3A_53 : memref<80x128xi32, #tpu.memory_space<hbm>>) dst(%arg4 : memref<80x128xi32, #tpu.memory_space<vmem>>)
      tpu.yield
    }) : () -> ()
    %broadcast_in_dim3A = arith.constant 0.000000e+00 : f32
    %broadcast_in_dim3A_3 = vector.broadcast %broadcast_in_dim3A : f32 to vector<16xf32>
    %broadcast_in_dim3A_4 = arith.constant 1.000000e+00 : f32
    %broadcast_in_dim3A_5 = vector.broadcast %broadcast_in_dim3A_4 : f32 to vector<16xf32>
    %scan3A = arith.constant 0 : i32
    %scan3A_6 = arith.constant 0 : i32
    %scan3A_7 = arith.constant 128 : i32
    %scan3A_8 = arith.addi %scan3A_6, %scan3A_7 : i32
    %scan3A_9 = arith.constant 1 : i32
    scf.for %scan3A_48 = %scan3A_6 to %scan3A_8 step %scan3A_9  : i32 {
      %swap3A = arith.index_cast %scan3A_48 : i32 to index
      %swap3A_49 = arith.constant 0 : index
      %swap3A_50 = tpu.vector_load %arg5[%swap3A, %swap3A_49] {strides = array<i32>} : memref<128x16xf32, #tpu.memory_space<vmem>>, vector<1x16xf32>,
      %swap3A_51 = vector.shape_cast %swap3A_50 : vector<1x16xf32> to vector<16xf32>
      %swap3A_52 = vector.shape_cast %broadcast_in_dim3A_3 : vector<16xf32> to vector<1x16xf32>
      tpu.vector_store %arg5[%swap3A, %swap3A_49], %swap3A_52 {strides = array<i32>} : memref<128x16xf32, #tpu.memory_space<vmem>>, vector<1x16xf32>,
    }
    %scan3A_10 = arith.constant 128 : i32
    %mul3A_11 = arith.constant 640 : i32
    %mul3A_12 = arith.muli %arg1, %mul3A_11 : i32
    %add3A_13 = arith.constant 0 : i32
    %add3A_14 = arith.addi %mul3A_12, %add3A_13 : i32
    "tpu.region"() ({
      %run_scoped3A = tpu.sem_alloc : memref<!tpu.dma_semaphore, #tpu.memory_space<semaphore_mem>>
      %dma_start3A = arith.constant 0 : i32
      %dma_start3A_48 = tpu.memref_slice %arg6[%add3A_14, %dma_start3A] : memref<10240x16xf32, #tpu.memory_space<vmem_shared>> -> memref<128x16xf32, #tpu.memory_space<vmem_shared>>
      %dma_start3A_49 = arith.constant 0 : i32
      %dma_start3A_50 = tpu.memref_slice %arg6[%add3A_14, %dma_start3A_49] : memref<10240x16xf32, #tpu.memory_space<vmem_shared>> -> memref<128x16xf32, #tpu.memory_space<vmem_shared>>
      tpu.enqueue_dma source(%arg5 : memref<128x16xf32, #tpu.memory_space<vmem>>) target(%dma_start3A_50 : memref<128x16xf32, #tpu.memory_space<vmem_shared>>) target_semaphore(%run_scoped3A : memref<!tpu.dma_semaphore, #tpu.memory_space<semaphore_mem>>)
      %dma_wait3A = arith.constant 0 : i32
      %dma_wait3A_51 = tpu.memref_slice %arg6[%add3A_14, %dma_wait3A] : memref<10240x16xf32, #tpu.memory_space<vmem_shared>> -> memref<128x16xf32, #tpu.memory_space<vmem_shared>>
      %dma_wait3A_52 = arith.constant 0 : i32
      %dma_wait3A_53 = tpu.memref_slice %arg6[%add3A_14, %dma_wait3A_52] : memref<10240x16xf32, #tpu.memory_space<vmem_shared>> -> memref<128x16xf32, #tpu.memory_space<vmem_shared>>
      tpu.wait_dma2 semaphore(%run_scoped3A : memref<!tpu.dma_semaphore, #tpu.memory_space<semaphore_mem>>) src(%arg5 : memref<128x16xf32, #tpu.memory_space<vmem>>) dst(%dma_wait3A_53 : memref<128x16xf32, #tpu.memory_space<vmem_shared>>)
      tpu.yield
    }) : () -> ()
    %mul3A_15 = arith.constant 640 : i32
    %mul3A_16 = arith.muli %arg1, %mul3A_15 : i32
    %add3A_17 = arith.constant 128 : i32
    %add3A_18 = arith.addi %mul3A_16, %add3A_17 : i32
    "tpu.region"() ({
      %run_scoped3A = tpu.sem_alloc : memref<!tpu.dma_semaphore, #tpu.memory_space<semaphore_mem>>
      %dma_start3A = arith.constant 0 : i32
      %dma_start3A_48 = tpu.memref_slice %arg6[%add3A_18, %dma_start3A] : memref<10240x16xf32, #tpu.memory_space<vmem_shared>> -> memref<128x16xf32, #tpu.memory_space<vmem_shared>>
      %dma_start3A_49 = arith.constant 0 : i32
      %dma_start3A_50 = tpu.memref_slice %arg6[%add3A_18, %dma_start3A_49] : memref<10240x16xf32, #tpu.memory_space<vmem_shared>> -> memref<128x16xf32, #tpu.memory_space<vmem_shared>>
      tpu.enqueue_dma source(%arg5 : memref<128x16xf32, #tpu.memory_space<vmem>>) target(%dma_start3A_50 : memref<128x16xf32, #tpu.memory_space<vmem_shared>>) target_semaphore(%run_scoped3A : memref<!tpu.dma_semaphore, #tpu.memory_space<semaphore_mem>>)
      %dma_wait3A = arith.constant 0 : i32
      %dma_wait3A_51 = tpu.memref_slice %arg6[%add3A_18, %dma_wait3A] : memref<10240x16xf32, #tpu.memory_space<vmem_shared>> -> memref<128x16xf32, #tpu.memory_space<vmem_shared>>
      %dma_wait3A_52 = arith.constant 0 : i32
      %dma_wait3A_53 = tpu.memref_slice %arg6[%add3A_18, %dma_wait3A_52] : memref<10240x16xf32, #tpu.memory_space<vmem_shared>> -> memref<128x16xf32, #tpu.memory_space<vmem_shared>>
      tpu.wait_dma2 semaphore(%run_scoped3A : memref<!tpu.dma_semaphore, #tpu.memory_space<semaphore_mem>>) src(%arg5 : memref<128x16xf32, #tpu.memory_space<vmem>>) dst(%dma_wait3A_53 : memref<128x16xf32, #tpu.memory_space<vmem_shared>>)
      tpu.yield
    }) : () -> ()
    %mul3A_19 = arith.constant 640 : i32
    %mul3A_20 = arith.muli %arg1, %mul3A_19 : i32
    %add3A_21 = arith.constant 256 : i32
    %add3A_22 = arith.addi %mul3A_20, %add3A_21 : i32
    "tpu.region"() ({
      %run_scoped3A = tpu.sem_alloc : memref<!tpu.dma_semaphore, #tpu.memory_space<semaphore_mem>>
      %dma_start3A = arith.constant 0 : i32
      %dma_start3A_48 = tpu.memref_slice %arg6[%add3A_22, %dma_start3A] : memref<10240x16xf32, #tpu.memory_space<vmem_shared>> -> memref<128x16xf32, #tpu.memory_space<vmem_shared>>
      %dma_start3A_49 = arith.constant 0 : i32
      %dma_start3A_50 = tpu.memref_slice %arg6[%add3A_22, %dma_start3A_49] : memref<10240x16xf32, #tpu.memory_space<vmem_shared>> -> memref<128x16xf32, #tpu.memory_space<vmem_shared>>
      tpu.enqueue_dma source(%arg5 : memref<128x16xf32, #tpu.memory_space<vmem>>) target(%dma_start3A_50 : memref<128x16xf32, #tpu.memory_space<vmem_shared>>) target_semaphore(%run_scoped3A : memref<!tpu.dma_semaphore, #tpu.memory_space<semaphore_mem>>)
      %dma_wait3A = arith.constant 0 : i32
      %dma_wait3A_51 = tpu.memref_slice %arg6[%add3A_22, %dma_wait3A] : memref<10240x16xf32, #tpu.memory_space<vmem_shared>> -> memref<128x16xf32, #tpu.memory_space<vmem_shared>>
      %dma_wait3A_52 = arith.constant 0 : i32
      %dma_wait3A_53 = tpu.memref_slice %arg6[%add3A_22, %dma_wait3A_52] : memref<10240x16xf32, #tpu.memory_space<vmem_shared>> -> memref<128x16xf32, #tpu.memory_space<vmem_shared>>
      tpu.wait_dma2 semaphore(%run_scoped3A : memref<!tpu.dma_semaphore, #tpu.memory_space<semaphore_mem>>) src(%arg5 : memref<128x16xf32, #tpu.memory_space<vmem>>) dst(%dma_wait3A_53 : memref<128x16xf32, #tpu.memory_space<vmem_shared>>)
      tpu.yield
    }) : () -> ()
    %mul3A_23 = arith.constant 640 : i32
    %mul3A_24 = arith.muli %arg1, %mul3A_23 : i32
    %add3A_25 = arith.constant 384 : i32
    %add3A_26 = arith.addi %mul3A_24, %add3A_25 : i32
    "tpu.region"() ({
      %run_scoped3A = tpu.sem_alloc : memref<!tpu.dma_semaphore, #tpu.memory_space<semaphore_mem>>
      %dma_start3A = arith.constant 0 : i32
      %dma_start3A_48 = tpu.memref_slice %arg6[%add3A_26, %dma_start3A] : memref<10240x16xf32, #tpu.memory_space<vmem_shared>> -> memref<128x16xf32, #tpu.memory_space<vmem_shared>>
      %dma_start3A_49 = arith.constant 0 : i32
      %dma_start3A_50 = tpu.memref_slice %arg6[%add3A_26, %dma_start3A_49] : memref<10240x16xf32, #tpu.memory_space<vmem_shared>> -> memref<128x16xf32, #tpu.memory_space<vmem_shared>>
      tpu.enqueue_dma source(%arg5 : memref<128x16xf32, #tpu.memory_space<vmem>>) target(%dma_start3A_50 : memref<128x16xf32, #tpu.memory_space<vmem_shared>>) target_semaphore(%run_scoped3A : memref<!tpu.dma_semaphore, #tpu.memory_space<semaphore_mem>>)
      %dma_wait3A = arith.constant 0 : i32
      %dma_wait3A_51 = tpu.memref_slice %arg6[%add3A_26, %dma_wait3A] : memref<10240x16xf32, #tpu.memory_space<vmem_shared>> -> memref<128x16xf32, #tpu.memory_space<vmem_shared>>
      %dma_wait3A_52 = arith.constant 0 : i32
      %dma_wait3A_53 = tpu.memref_slice %arg6[%add3A_26, %dma_wait3A_52] : memref<10240x16xf32, #tpu.memory_space<vmem_shared>> -> memref<128x16xf32, #tpu.memory_space<vmem_shared>>
      tpu.wait_dma2 semaphore(%run_scoped3A : memref<!tpu.dma_semaphore, #tpu.memory_space<semaphore_mem>>) src(%arg5 : memref<128x16xf32, #tpu.memory_space<vmem>>) dst(%dma_wait3A_53 : memref<128x16xf32, #tpu.memory_space<vmem_shared>>)
      tpu.yield
    }) : () -> ()
    %mul3A_27 = arith.constant 640 : i32
    %mul3A_28 = arith.muli %arg1, %mul3A_27 : i32
    %add3A_29 = arith.constant 512 : i32
    %add3A_30 = arith.addi %mul3A_28, %add3A_29 : i32
    "tpu.region"() ({
      %run_scoped3A = tpu.sem_alloc : memref<!tpu.dma_semaphore, #tpu.memory_space<semaphore_mem>>
      %dma_start3A = arith.constant 0 : i32
      %dma_start3A_48 = tpu.memref_slice %arg6[%add3A_30, %dma_start3A] : memref<10240x16xf32, #tpu.memory_space<vmem_shared>> -> memref<128x16xf32, #tpu.memory_space<vmem_shared>>
      %dma_start3A_49 = arith.constant 0 : i32
      %dma_start3A_50 = tpu.memref_slice %arg6[%add3A_30, %dma_start3A_49] : memref<10240x16xf32, #tpu.memory_space<vmem_shared>> -> memref<128x16xf32, #tpu.memory_space<vmem_shared>>
      tpu.enqueue_dma source(%arg5 : memref<128x16xf32, #tpu.memory_space<vmem>>) target(%dma_start3A_50 : memref<128x16xf32, #tpu.memory_space<vmem_shared>>) target_semaphore(%run_scoped3A : memref<!tpu.dma_semaphore, #tpu.memory_space<semaphore_mem>>)
      %dma_wait3A = arith.constant 0 : i32
      %dma_wait3A_51 = tpu.memref_slice %arg6[%add3A_30, %dma_wait3A] : memref<10240x16xf32, #tpu.memory_space<vmem_shared>> -> memref<128x16xf32, #tpu.memory_space<vmem_shared>>
      %dma_wait3A_52 = arith.constant 0 : i32
      %dma_wait3A_53 = tpu.memref_slice %arg6[%add3A_30, %dma_wait3A_52] : memref<10240x16xf32, #tpu.memory_space<vmem_shared>> -> memref<128x16xf32, #tpu.memory_space<vmem_shared>>
      tpu.wait_dma2 semaphore(%run_scoped3A : memref<!tpu.dma_semaphore, #tpu.memory_space<semaphore_mem>>) src(%arg5 : memref<128x16xf32, #tpu.memory_space<vmem>>) dst(%dma_wait3A_53 : memref<128x16xf32, #tpu.memory_space<vmem_shared>>)
      tpu.yield
    }) : () -> ()
    %scan3A_31 = arith.constant 0 : i32
    %scan3A_32 = arith.constant 0 : i32
    %scan3A_33 = arith.constant 128 : i32
    %scan3A_34 = arith.addi %scan3A_32, %scan3A_33 : i32
    %scan3A_35 = arith.constant 1 : i32
    scf.for %scan3A_48 = %scan3A_32 to %scan3A_34 step %scan3A_35  : i32 {
      %swap3A = arith.index_cast %scan3A_48 : i32 to index
      %swap3A_49 = arith.constant 0 : index
      %swap3A_50 = tpu.vector_load %arg5[%swap3A, %swap3A_49] {strides = array<i32>} : memref<128x16xf32, #tpu.memory_space<vmem>>, vector<1x16xf32>,
      %swap3A_51 = vector.shape_cast %swap3A_50 : vector<1x16xf32> to vector<16xf32>
      %swap3A_52 = vector.shape_cast %broadcast_in_dim3A_5 : vector<16xf32> to vector<1x16xf32>
      tpu.vector_store %arg5[%swap3A, %swap3A_49], %swap3A_52 {strides = array<i32>} : memref<128x16xf32, #tpu.memory_space<vmem>>, vector<1x16xf32>,
    }
    %scan3A_36 = arith.constant 128 : i32
    %barrier3A = arith.constant 0 : index
    tpu.barrier barrier_id(%barrier3A)
    %scan3A_37 = arith.constant 0 : i32
    %scan3A_38 = arith.constant 0 : i32
    %scan3A_39 = arith.constant 80 : i32
    %scan3A_40 = arith.addi %scan3A_38, %scan3A_39 : i32
    %scan3A_41 = arith.constant 1 : i32
    scf.for %scan3A_48 = %scan3A_38 to %scan3A_40 step %scan3A_41  : i32 {
      "tpu.region"() ({
        %run_scoped3A = tpu.sem_alloc : memref<!tpu.dma_semaphore, #tpu.memory_space<semaphore_mem>>
        %dma_start3A = arith.constant 0 : i32
        %dma_start3A_49 = tpu.memref_slice %arg4[%scan3A_48, %dma_start3A] : memref<80x128xi32, #tpu.memory_space<vmem>> -> memref<1x128xi32, #tpu.memory_space<vmem>>
        %dma_start3A_50 = tpu.memref_squeeze %dma_start3A_49 : memref<1x128xi32, #tpu.memory_space<vmem>> -> memref<128xi32, #tpu.memory_space<vmem>>
        %dma_start3A_51 = arith.constant 0 : i32
        %dma_start3A_52 = arith.constant 0 : i32
        %dma_start3A_53 = tpu.memref_slice %arg6[%dma_start3A_51, %dma_start3A_52] : memref<10240x16xf32, #tpu.memory_space<vmem_shared>> -> memref<10240x16xf32, #tpu.memory_space<vmem_shared>>
        tpu.enqueue_indirect_dma source(%arg5 : memref<128x16xf32, #tpu.memory_space<vmem>>) target(%dma_start3A_53 : memref<10240x16xf32, #tpu.memory_space<vmem_shared>>) offsets(%dma_start3A_50 : memref<128xi32, #tpu.memory_space<vmem>>) semaphore(%run_scoped3A : memref<!tpu.dma_semaphore, #tpu.memory_space<semaphore_mem>>) {add = true}
        %dma_wait3A = arith.constant 0 : i32
        %dma_wait3A_54 = tpu.memref_slice %arg4[%scan3A_48, %dma_wait3A] : memref<80x128xi32, #tpu.memory_space<vmem>> -> memref<1x128xi32, #tpu.memory_space<vmem>>
        %dma_wait3A_55 = tpu.memref_squeeze %dma_wait3A_54 : memref<1x128xi32, #tpu.memory_space<vmem>> -> memref<128xi32, #tpu.memory_space<vmem>>
        %dma_wait3A_56 = arith.constant 0 : i32
        %dma_wait3A_57 = arith.constant 0 : i32
        %dma_wait3A_58 = tpu.memref_slice %arg6[%dma_wait3A_56, %dma_wait3A_57] : memref<10240x16xf32, #tpu.memory_space<vmem_shared>> -> memref<10240x16xf32, #tpu.memory_space<vmem_shared>>
        tpu.wait_indirect_dma semaphore(%run_scoped3A : memref<!tpu.dma_semaphore, #tpu.memory_space<semaphore_mem>>) src(%arg5 : memref<128x16xf32, #tpu.memory_space<vmem>>) dst(%dma_wait3A_58 : memref<10240x16xf32, #tpu.memory_space<vmem_shared>>)
        tpu.yield
      }) : () -> ()
    }
    %scan3A_42 = arith.constant 80 : i32
    %barrier3A_43 = arith.constant 0 : index
    tpu.barrier barrier_id(%barrier3A_43)
    %mul3A_44 = arith.constant 640 : i32
    %mul3A_45 = arith.muli %arg1, %mul3A_44 : i32
    %mul3A_46 = arith.constant 640 : i32
    %mul3A_47 = arith.muli %arg1, %mul3A_46 : i32
    "tpu.region"() ({
      %run_scoped3A = tpu.sem_alloc : memref<!tpu.dma_semaphore, #tpu.memory_space<semaphore_mem>>
      %dma_start3A = arith.constant 0 : i32
      %dma_start3A_48 = tpu.memref_slice %arg3[%arg0, %mul3A_47, %dma_start3A] : memref<2x10240x16xf32, #tpu.memory_space<hbm>> -> memref<1x640x16xf32, #tpu.memory_space<hbm>>
      %dma_start3A_49 = tpu.memref_squeeze %dma_start3A_48 : memref<1x640x16xf32, #tpu.memory_space<hbm>> -> memref<640x16xf32, #tpu.memory_space<hbm>>
      %dma_start3A_50 = arith.constant 0 : i32
      %dma_start3A_51 = tpu.memref_slice %arg6[%mul3A_45, %dma_start3A_50] : memref<10240x16xf32, #tpu.memory_space<vmem_shared>> -> memref<640x16xf32, #tpu.memory_space<vmem_shared>>
      tpu.enqueue_dma source(%dma_start3A_51 : memref<640x16xf32, #tpu.memory_space<vmem_shared>>) target(%dma_start3A_49 : memref<640x16xf32, #tpu.memory_space<hbm>>) target_semaphore(%run_scoped3A : memref<!tpu.dma_semaphore, #tpu.memory_space<semaphore_mem>>)
      %dma_wait3A = arith.constant 0 : i32
      %dma_wait3A_52 = tpu.memref_slice %arg3[%arg0, %mul3A_47, %dma_wait3A] : memref<2x10240x16xf32, #tpu.memory_space<hbm>> -> memref<1x640x16xf32, #tpu.memory_space<hbm>>
      %dma_wait3A_53 = tpu.memref_squeeze %dma_wait3A_52 : memref<1x640x16xf32, #tpu.memory_space<hbm>> -> memref<640x16xf32, #tpu.memory_space<hbm>>
      %dma_wait3A_54 = arith.constant 0 : i32
      %dma_wait3A_55 = tpu.memref_slice %arg6[%mul3A_45, %dma_wait3A_54] : memref<10240x16xf32, #tpu.memory_space<vmem_shared>> -> memref<640x16xf32, #tpu.memory_space<vmem_shared>>
      tpu.wait_dma2 semaphore(%run_scoped3A : memref<!tpu.dma_semaphore, #tpu.memory_space<semaphore_mem>>) src(%dma_wait3A_55 : memref<640x16xf32, #tpu.memory_space<vmem_shared>>) dst(%dma_wait3A_53 : memref<640x16xf32, #tpu.memory_space<hbm>>)
      tpu.yield
    }) : () -> ()
    return
  }
}

#map = affine_map<(d0, d1) -> (0, 0)>
#map1 = affine_map<(d0, d1) -> (0, 0, 0)>
module attributes {stable_mosaic.version = 14 : i64} {
  func.func @k(%arg0: i32, %arg1: i32, %arg2: memref<10240x64xf32, #tpu.memory_space<hbm>>, %arg3: memref<2560x128xi32, #tpu.memory_space<hbm>>, %arg4: memref<2560x128xi32, #tpu.memory_space<hbm>>, %arg5: memref<2x10240x64xf32, #tpu.memory_space<hbm>>, %arg6: memref<80x128xi32, #tpu.memory_space<vmem>>, %arg7: memref<80x128xi32, #tpu.memory_space<vmem>>, %arg8: memref<128x64xf32, #tpu.memory_space<vmem>>, %arg9: memref<128x64xf32, #tpu.memory_space<vmem>>, %arg10: memref<10240x64xf32, #tpu.memory_space<vmem_shared>>, %arg11: memref<10240x64xf32, #tpu.memory_space<vmem_shared>>, %arg12: memref<!tpu.dma_semaphore, #tpu.memory_space<semaphore_mem>>, %arg13: memref<!tpu.dma_semaphore, #tpu.memory_space<semaphore_mem>>) attributes {dimension_semantics = [#tpu.dimension_semantics<core_parallel>, #tpu.dimension_semantics<subcore_parallel>], iteration_bounds = array<i64: 2, 16>, scalar_prefetch = 0 : i64, scratch_operands = 8 : i64, tpu.core_type = #tpu.core_type<sc_vector_subcore>, window_params = [{transform_indices = #map}, {transform_indices = #map}, {transform_indices = #map}, {transform_indices = #map1}]} {
    %mul3A = arith.constant 640 : i32
    %mul3A_0 = arith.muli %arg1, %mul3A : i32
    %mul3A_1 = arith.constant 640 : i32
    %mul3A_2 = arith.muli %arg1, %mul3A_1 : i32
    "tpu.region"() ({
      %run_scoped3A = tpu.sem_alloc : memref<!tpu.dma_semaphore, #tpu.memory_space<semaphore_mem>>
      %dma_start3A = arith.constant 0 : i32
      %dma_start3A_40 = tpu.memref_slice %arg11[%mul3A_2, %dma_start3A] : memref<10240x64xf32, #tpu.memory_space<vmem_shared>> -> memref<640x64xf32, #tpu.memory_space<vmem_shared>>
      %dma_start3A_41 = arith.constant 0 : i32
      %dma_start3A_42 = tpu.memref_slice %arg2[%mul3A_0, %dma_start3A_41] : memref<10240x64xf32, #tpu.memory_space<hbm>> -> memref<640x64xf32, #tpu.memory_space<hbm>>
      tpu.enqueue_dma source(%dma_start3A_42 : memref<640x64xf32, #tpu.memory_space<hbm>>) target(%dma_start3A_40 : memref<640x64xf32, #tpu.memory_space<vmem_shared>>) target_semaphore(%run_scoped3A : memref<!tpu.dma_semaphore, #tpu.memory_space<semaphore_mem>>)
      %dma_wait3A = arith.constant 0 : i32
      %dma_wait3A_43 = tpu.memref_slice %arg11[%mul3A_2, %dma_wait3A] : memref<10240x64xf32, #tpu.memory_space<vmem_shared>> -> memref<640x64xf32, #tpu.memory_space<vmem_shared>>
      %dma_wait3A_44 = arith.constant 0 : i32
      %dma_wait3A_45 = tpu.memref_slice %arg2[%mul3A_0, %dma_wait3A_44] : memref<10240x64xf32, #tpu.memory_space<hbm>> -> memref<640x64xf32, #tpu.memory_space<hbm>>
      tpu.wait_dma2 semaphore(%run_scoped3A : memref<!tpu.dma_semaphore, #tpu.memory_space<semaphore_mem>>) src(%dma_wait3A_45 : memref<640x64xf32, #tpu.memory_space<hbm>>) dst(%dma_wait3A_43 : memref<640x64xf32, #tpu.memory_space<vmem_shared>>)
      tpu.yield
    }) : () -> ()
    %broadcast_in_dim3A = arith.constant 0.000000e+00 : f32
    %broadcast_in_dim3A_3 = vector.broadcast %broadcast_in_dim3A : f32 to vector<16xf32>
    %scan3A = arith.constant 0 : i32
    %scan3A_4 = arith.constant 0 : i32
    %scan3A_5 = arith.constant 128 : i32
    %scan3A_6 = arith.addi %scan3A_4, %scan3A_5 : i32
    %scan3A_7 = arith.constant 1 : i32
    scf.for %scan3A_40 = %scan3A_4 to %scan3A_6 step %scan3A_7  : i32 {
      %swap3A = arith.index_cast %scan3A_40 : i32 to index
      %swap3A_41 = arith.constant 0 : index
      %swap3A_42 = tpu.vector_load %arg8[%swap3A, %swap3A_41] {strides = array<i32>} : memref<128x64xf32, #tpu.memory_space<vmem>>, vector<1x16xf32>,
      %swap3A_43 = vector.shape_cast %swap3A_42 : vector<1x16xf32> to vector<16xf32>
      %swap3A_44 = vector.shape_cast %broadcast_in_dim3A_3 : vector<16xf32> to vector<1x16xf32>
      tpu.vector_store %arg8[%swap3A, %swap3A_41], %swap3A_44 {strides = array<i32>} : memref<128x64xf32, #tpu.memory_space<vmem>>, vector<1x16xf32>,
      %swap3A_45 = arith.index_cast %scan3A_40 : i32 to index
      %swap3A_46 = arith.constant 16 : index
      %swap3A_47 = tpu.vector_load %arg8[%swap3A_45, %swap3A_46] {strides = array<i32>} : memref<128x64xf32, #tpu.memory_space<vmem>>, vector<1x16xf32>,
      %swap3A_48 = vector.shape_cast %swap3A_47 : vector<1x16xf32> to vector<16xf32>
      %swap3A_49 = vector.shape_cast %broadcast_in_dim3A_3 : vector<16xf32> to vector<1x16xf32>
      tpu.vector_store %arg8[%swap3A_45, %swap3A_46], %swap3A_49 {strides = array<i32>} : memref<128x64xf32, #tpu.memory_space<vmem>>, vector<1x16xf32>,
      %swap3A_50 = arith.index_cast %scan3A_40 : i32 to index
      %swap3A_51 = arith.constant 32 : index
      %swap3A_52 = tpu.vector_load %arg8[%swap3A_50, %swap3A_51] {strides = array<i32>} : memref<128x64xf32, #tpu.memory_space<vmem>>, vector<1x16xf32>,
      %swap3A_53 = vector.shape_cast %swap3A_52 : vector<1x16xf32> to vector<16xf32>
      %swap3A_54 = vector.shape_cast %broadcast_in_dim3A_3 : vector<16xf32> to vector<1x16xf32>
      tpu.vector_store %arg8[%swap3A_50, %swap3A_51], %swap3A_54 {strides = array<i32>} : memref<128x64xf32, #tpu.memory_space<vmem>>, vector<1x16xf32>,
      %swap3A_55 = arith.index_cast %scan3A_40 : i32 to index
      %swap3A_56 = arith.constant 48 : index
      %swap3A_57 = tpu.vector_load %arg8[%swap3A_55, %swap3A_56] {strides = array<i32>} : memref<128x64xf32, #tpu.memory_space<vmem>>, vector<1x16xf32>,
      %swap3A_58 = vector.shape_cast %swap3A_57 : vector<1x16xf32> to vector<16xf32>
      %swap3A_59 = vector.shape_cast %broadcast_in_dim3A_3 : vector<16xf32> to vector<1x16xf32>
      tpu.vector_store %arg8[%swap3A_55, %swap3A_56], %swap3A_59 {strides = array<i32>} : memref<128x64xf32, #tpu.memory_space<vmem>>, vector<1x16xf32>,
    }
    %scan3A_8 = arith.constant 128 : i32
    %mul3A_9 = arith.constant 640 : i32
    %mul3A_10 = arith.muli %arg1, %mul3A_9 : i32
    %add3A = arith.constant 0 : i32
    %add3A_11 = arith.addi %mul3A_10, %add3A : i32
    "tpu.region"() ({
      %run_scoped3A = tpu.sem_alloc : memref<!tpu.dma_semaphore, #tpu.memory_space<semaphore_mem>>
      %dma_start3A = arith.constant 0 : i32
      %dma_start3A_40 = tpu.memref_slice %arg10[%add3A_11, %dma_start3A] : memref<10240x64xf32, #tpu.memory_space<vmem_shared>> -> memref<128x64xf32, #tpu.memory_space<vmem_shared>>
      %dma_start3A_41 = arith.constant 0 : i32
      %dma_start3A_42 = tpu.memref_slice %arg10[%add3A_11, %dma_start3A_41] : memref<10240x64xf32, #tpu.memory_space<vmem_shared>> -> memref<128x64xf32, #tpu.memory_space<vmem_shared>>
      tpu.enqueue_dma source(%arg8 : memref<128x64xf32, #tpu.memory_space<vmem>>) target(%dma_start3A_42 : memref<128x64xf32, #tpu.memory_space<vmem_shared>>) target_semaphore(%run_scoped3A : memref<!tpu.dma_semaphore, #tpu.memory_space<semaphore_mem>>)
      %dma_wait3A = arith.constant 0 : i32
      %dma_wait3A_43 = tpu.memref_slice %arg10[%add3A_11, %dma_wait3A] : memref<10240x64xf32, #tpu.memory_space<vmem_shared>> -> memref<128x64xf32, #tpu.memory_space<vmem_shared>>
      %dma_wait3A_44 = arith.constant 0 : i32
      %dma_wait3A_45 = tpu.memref_slice %arg10[%add3A_11, %dma_wait3A_44] : memref<10240x64xf32, #tpu.memory_space<vmem_shared>> -> memref<128x64xf32, #tpu.memory_space<vmem_shared>>
      tpu.wait_dma2 semaphore(%run_scoped3A : memref<!tpu.dma_semaphore, #tpu.memory_space<semaphore_mem>>) src(%arg8 : memref<128x64xf32, #tpu.memory_space<vmem>>) dst(%dma_wait3A_45 : memref<128x64xf32, #tpu.memory_space<vmem_shared>>)
      tpu.yield
    }) : () -> ()
    %mul3A_12 = arith.constant 640 : i32
    %mul3A_13 = arith.muli %arg1, %mul3A_12 : i32
    %add3A_14 = arith.constant 128 : i32
    %add3A_15 = arith.addi %mul3A_13, %add3A_14 : i32
    "tpu.region"() ({
      %run_scoped3A = tpu.sem_alloc : memref<!tpu.dma_semaphore, #tpu.memory_space<semaphore_mem>>
      %dma_start3A = arith.constant 0 : i32
      %dma_start3A_40 = tpu.memref_slice %arg10[%add3A_15, %dma_start3A] : memref<10240x64xf32, #tpu.memory_space<vmem_shared>> -> memref<128x64xf32, #tpu.memory_space<vmem_shared>>
      %dma_start3A_41 = arith.constant 0 : i32
      %dma_start3A_42 = tpu.memref_slice %arg10[%add3A_15, %dma_start3A_41] : memref<10240x64xf32, #tpu.memory_space<vmem_shared>> -> memref<128x64xf32, #tpu.memory_space<vmem_shared>>
      tpu.enqueue_dma source(%arg8 : memref<128x64xf32, #tpu.memory_space<vmem>>) target(%dma_start3A_42 : memref<128x64xf32, #tpu.memory_space<vmem_shared>>) target_semaphore(%run_scoped3A : memref<!tpu.dma_semaphore, #tpu.memory_space<semaphore_mem>>)
      %dma_wait3A = arith.constant 0 : i32
      %dma_wait3A_43 = tpu.memref_slice %arg10[%add3A_15, %dma_wait3A] : memref<10240x64xf32, #tpu.memory_space<vmem_shared>> -> memref<128x64xf32, #tpu.memory_space<vmem_shared>>
      %dma_wait3A_44 = arith.constant 0 : i32
      %dma_wait3A_45 = tpu.memref_slice %arg10[%add3A_15, %dma_wait3A_44] : memref<10240x64xf32, #tpu.memory_space<vmem_shared>> -> memref<128x64xf32, #tpu.memory_space<vmem_shared>>
      tpu.wait_dma2 semaphore(%run_scoped3A : memref<!tpu.dma_semaphore, #tpu.memory_space<semaphore_mem>>) src(%arg8 : memref<128x64xf32, #tpu.memory_space<vmem>>) dst(%dma_wait3A_45 : memref<128x64xf32, #tpu.memory_space<vmem_shared>>)
      tpu.yield
    }) : () -> ()
    %mul3A_16 = arith.constant 640 : i32
    %mul3A_17 = arith.muli %arg1, %mul3A_16 : i32
    %add3A_18 = arith.constant 256 : i32
    %add3A_19 = arith.addi %mul3A_17, %add3A_18 : i32
    "tpu.region"() ({
      %run_scoped3A = tpu.sem_alloc : memref<!tpu.dma_semaphore, #tpu.memory_space<semaphore_mem>>
      %dma_start3A = arith.constant 0 : i32
      %dma_start3A_40 = tpu.memref_slice %arg10[%add3A_19, %dma_start3A] : memref<10240x64xf32, #tpu.memory_space<vmem_shared>> -> memref<128x64xf32, #tpu.memory_space<vmem_shared>>
      %dma_start3A_41 = arith.constant 0 : i32
      %dma_start3A_42 = tpu.memref_slice %arg10[%add3A_19, %dma_start3A_41] : memref<10240x64xf32, #tpu.memory_space<vmem_shared>> -> memref<128x64xf32, #tpu.memory_space<vmem_shared>>
      tpu.enqueue_dma source(%arg8 : memref<128x64xf32, #tpu.memory_space<vmem>>) target(%dma_start3A_42 : memref<128x64xf32, #tpu.memory_space<vmem_shared>>) target_semaphore(%run_scoped3A : memref<!tpu.dma_semaphore, #tpu.memory_space<semaphore_mem>>)
      %dma_wait3A = arith.constant 0 : i32
      %dma_wait3A_43 = tpu.memref_slice %arg10[%add3A_19, %dma_wait3A] : memref<10240x64xf32, #tpu.memory_space<vmem_shared>> -> memref<128x64xf32, #tpu.memory_space<vmem_shared>>
      %dma_wait3A_44 = arith.constant 0 : i32
      %dma_wait3A_45 = tpu.memref_slice %arg10[%add3A_19, %dma_wait3A_44] : memref<10240x64xf32, #tpu.memory_space<vmem_shared>> -> memref<128x64xf32, #tpu.memory_space<vmem_shared>>
      tpu.wait_dma2 semaphore(%run_scoped3A : memref<!tpu.dma_semaphore, #tpu.memory_space<semaphore_mem>>) src(%arg8 : memref<128x64xf32, #tpu.memory_space<vmem>>) dst(%dma_wait3A_45 : memref<128x64xf32, #tpu.memory_space<vmem_shared>>)
      tpu.yield
    }) : () -> ()
    %mul3A_20 = arith.constant 640 : i32
    %mul3A_21 = arith.muli %arg1, %mul3A_20 : i32
    %add3A_22 = arith.constant 384 : i32
    %add3A_23 = arith.addi %mul3A_21, %add3A_22 : i32
    "tpu.region"() ({
      %run_scoped3A = tpu.sem_alloc : memref<!tpu.dma_semaphore, #tpu.memory_space<semaphore_mem>>
      %dma_start3A = arith.constant 0 : i32
      %dma_start3A_40 = tpu.memref_slice %arg10[%add3A_23, %dma_start3A] : memref<10240x64xf32, #tpu.memory_space<vmem_shared>> -> memref<128x64xf32, #tpu.memory_space<vmem_shared>>
      %dma_start3A_41 = arith.constant 0 : i32
      %dma_start3A_42 = tpu.memref_slice %arg10[%add3A_23, %dma_start3A_41] : memref<10240x64xf32, #tpu.memory_space<vmem_shared>> -> memref<128x64xf32, #tpu.memory_space<vmem_shared>>
      tpu.enqueue_dma source(%arg8 : memref<128x64xf32, #tpu.memory_space<vmem>>) target(%dma_start3A_42 : memref<128x64xf32, #tpu.memory_space<vmem_shared>>) target_semaphore(%run_scoped3A : memref<!tpu.dma_semaphore, #tpu.memory_space<semaphore_mem>>)
      %dma_wait3A = arith.constant 0 : i32
      %dma_wait3A_43 = tpu.memref_slice %arg10[%add3A_23, %dma_wait3A] : memref<10240x64xf32, #tpu.memory_space<vmem_shared>> -> memref<128x64xf32, #tpu.memory_space<vmem_shared>>
      %dma_wait3A_44 = arith.constant 0 : i32
      %dma_wait3A_45 = tpu.memref_slice %arg10[%add3A_23, %dma_wait3A_44] : memref<10240x64xf32, #tpu.memory_space<vmem_shared>> -> memref<128x64xf32, #tpu.memory_space<vmem_shared>>
      tpu.wait_dma2 semaphore(%run_scoped3A : memref<!tpu.dma_semaphore, #tpu.memory_space<semaphore_mem>>) src(%arg8 : memref<128x64xf32, #tpu.memory_space<vmem>>) dst(%dma_wait3A_45 : memref<128x64xf32, #tpu.memory_space<vmem_shared>>)
      tpu.yield
    }) : () -> ()
    %mul3A_24 = arith.constant 640 : i32
    %mul3A_25 = arith.muli %arg1, %mul3A_24 : i32
    %add3A_26 = arith.constant 512 : i32
    %add3A_27 = arith.addi %mul3A_25, %add3A_26 : i32
    "tpu.region"() ({
      %run_scoped3A = tpu.sem_alloc : memref<!tpu.dma_semaphore, #tpu.memory_space<semaphore_mem>>
      %dma_start3A = arith.constant 0 : i32
      %dma_start3A_40 = tpu.memref_slice %arg10[%add3A_27, %dma_start3A] : memref<10240x64xf32, #tpu.memory_space<vmem_shared>> -> memref<128x64xf32, #tpu.memory_space<vmem_shared>>
      %dma_start3A_41 = arith.constant 0 : i32
      %dma_start3A_42 = tpu.memref_slice %arg10[%add3A_27, %dma_start3A_41] : memref<10240x64xf32, #tpu.memory_space<vmem_shared>> -> memref<128x64xf32, #tpu.memory_space<vmem_shared>>
      tpu.enqueue_dma source(%arg8 : memref<128x64xf32, #tpu.memory_space<vmem>>) target(%dma_start3A_42 : memref<128x64xf32, #tpu.memory_space<vmem_shared>>) target_semaphore(%run_scoped3A : memref<!tpu.dma_semaphore, #tpu.memory_space<semaphore_mem>>)
      %dma_wait3A = arith.constant 0 : i32
      %dma_wait3A_43 = tpu.memref_slice %arg10[%add3A_27, %dma_wait3A] : memref<10240x64xf32, #tpu.memory_space<vmem_shared>> -> memref<128x64xf32, #tpu.memory_space<vmem_shared>>
      %dma_wait3A_44 = arith.constant 0 : i32
      %dma_wait3A_45 = tpu.memref_slice %arg10[%add3A_27, %dma_wait3A_44] : memref<10240x64xf32, #tpu.memory_space<vmem_shared>> -> memref<128x64xf32, #tpu.memory_space<vmem_shared>>
      tpu.wait_dma2 semaphore(%run_scoped3A : memref<!tpu.dma_semaphore, #tpu.memory_space<semaphore_mem>>) src(%arg8 : memref<128x64xf32, #tpu.memory_space<vmem>>) dst(%dma_wait3A_45 : memref<128x64xf32, #tpu.memory_space<vmem_shared>>)
      tpu.yield
    }) : () -> ()
    %barrier3A = arith.constant 0 : index
    tpu.barrier barrier_id(%barrier3A)
    %eq3A = arith.constant 0 : i32
    %eq3A_28 = arith.cmpi eq, %arg0, %eq3A : i32
    %convert_element_type3A = arith.extui %eq3A_28 : i1 to i32
    %cond3A = arith.constant 0 : i32
    %cond3A_29 = arith.cmpi ne, %convert_element_type3A, %cond3A : i32
    scf.if %cond3A_29 {
      %mul3A_40 = arith.constant 80 : i32
      %mul3A_41 = arith.muli %arg1, %mul3A_40 : i32
      "tpu.region"() ({
        %run_scoped3A = tpu.sem_alloc : memref<!tpu.dma_semaphore, #tpu.memory_space<semaphore_mem>>
        %dma_start3A_61 = arith.constant 0 : i32
        %dma_start3A_62 = arith.constant 0 : i32
        %dma_start3A_63 = tpu.memref_slice %arg6[%dma_start3A_61, %dma_start3A_62] : memref<80x128xi32, #tpu.memory_space<vmem>> -> memref<80x128xi32, #tpu.memory_space<vmem>>
        %dma_start3A_64 = arith.constant 0 : i32
        %dma_start3A_65 = tpu.memref_slice %arg3[%mul3A_41, %dma_start3A_64] : memref<2560x128xi32, #tpu.memory_space<hbm>> -> memref<80x128xi32, #tpu.memory_space<hbm>>
        %dma_start3A_66 = arith.constant 0 : i32
        %dma_start3A_67 = arith.constant 0 : i32
        %dma_start3A_68 = tpu.memref_slice %arg6[%dma_start3A_66, %dma_start3A_67] : memref<80x128xi32, #tpu.memory_space<vmem>> -> memref<80x128xi32, #tpu.memory_space<vmem>>
        %dma_start3A_69 = arith.constant 0 : i32
        %dma_start3A_70 = tpu.memref_slice %arg3[%mul3A_41, %dma_start3A_69] : memref<2560x128xi32, #tpu.memory_space<hbm>> -> memref<80x128xi32, #tpu.memory_space<hbm>>
        tpu.enqueue_dma source(%dma_start3A_70 : memref<80x128xi32, #tpu.memory_space<hbm>>) target(%dma_start3A_68 : memref<80x128xi32, #tpu.memory_space<vmem>>) target_semaphore(%run_scoped3A : memref<!tpu.dma_semaphore, #tpu.memory_space<semaphore_mem>>)
        %dma_wait3A = arith.constant 0 : i32
        %dma_wait3A_71 = arith.constant 0 : i32
        %dma_wait3A_72 = tpu.memref_slice %arg6[%dma_wait3A, %dma_wait3A_71] : memref<80x128xi32, #tpu.memory_space<vmem>> -> memref<80x128xi32, #tpu.memory_space<vmem>>
        %dma_wait3A_73 = arith.constant 0 : i32
        %dma_wait3A_74 = tpu.memref_slice %arg3[%mul3A_41, %dma_wait3A_73] : memref<2560x128xi32, #tpu.memory_space<hbm>> -> memref<80x128xi32, #tpu.memory_space<hbm>>
        %dma_wait3A_75 = arith.constant 0 : i32
        %dma_wait3A_76 = arith.constant 0 : i32
        %dma_wait3A_77 = tpu.memref_slice %arg6[%dma_wait3A_75, %dma_wait3A_76] : memref<80x128xi32, #tpu.memory_space<vmem>> -> memref<80x128xi32, #tpu.memory_space<vmem>>
        %dma_wait3A_78 = arith.constant 0 : i32
        %dma_wait3A_79 = tpu.memref_slice %arg3[%mul3A_41, %dma_wait3A_78] : memref<2560x128xi32, #tpu.memory_space<hbm>> -> memref<80x128xi32, #tpu.memory_space<hbm>>
        tpu.wait_dma2 semaphore(%run_scoped3A : memref<!tpu.dma_semaphore, #tpu.memory_space<semaphore_mem>>) src(%dma_wait3A_79 : memref<80x128xi32, #tpu.memory_space<hbm>>) dst(%dma_wait3A_77 : memref<80x128xi32, #tpu.memory_space<vmem>>)
        tpu.yield
      }) : () -> ()
      "tpu.region"() ({
        %run_scoped3A = tpu.sem_alloc : memref<!tpu.dma_semaphore, #tpu.memory_space<semaphore_mem>>
        %dma_start3A_61 = arith.constant 0 : i32
        %dma_start3A_62 = arith.constant 0 : i32
        %dma_start3A_63 = tpu.memref_slice %arg7[%dma_start3A_61, %dma_start3A_62] : memref<80x128xi32, #tpu.memory_space<vmem>> -> memref<80x128xi32, #tpu.memory_space<vmem>>
        %dma_start3A_64 = arith.constant 0 : i32
        %dma_start3A_65 = tpu.memref_slice %arg4[%mul3A_41, %dma_start3A_64] : memref<2560x128xi32, #tpu.memory_space<hbm>> -> memref<80x128xi32, #tpu.memory_space<hbm>>
        %dma_start3A_66 = arith.constant 0 : i32
        %dma_start3A_67 = arith.constant 0 : i32
        %dma_start3A_68 = tpu.memref_slice %arg7[%dma_start3A_66, %dma_start3A_67] : memref<80x128xi32, #tpu.memory_space<vmem>> -> memref<80x128xi32, #tpu.memory_space<vmem>>
        %dma_start3A_69 = arith.constant 0 : i32
        %dma_start3A_70 = tpu.memref_slice %arg4[%mul3A_41, %dma_start3A_69] : memref<2560x128xi32, #tpu.memory_space<hbm>> -> memref<80x128xi32, #tpu.memory_space<hbm>>
        tpu.enqueue_dma source(%dma_start3A_70 : memref<80x128xi32, #tpu.memory_space<hbm>>) target(%dma_start3A_68 : memref<80x128xi32, #tpu.memory_space<vmem>>) target_semaphore(%run_scoped3A : memref<!tpu.dma_semaphore, #tpu.memory_space<semaphore_mem>>)
        %dma_wait3A = arith.constant 0 : i32
        %dma_wait3A_71 = arith.constant 0 : i32
        %dma_wait3A_72 = tpu.memref_slice %arg7[%dma_wait3A, %dma_wait3A_71] : memref<80x128xi32, #tpu.memory_space<vmem>> -> memref<80x128xi32, #tpu.memory_space<vmem>>
        %dma_wait3A_73 = arith.constant 0 : i32
        %dma_wait3A_74 = tpu.memref_slice %arg4[%mul3A_41, %dma_wait3A_73] : memref<2560x128xi32, #tpu.memory_space<hbm>> -> memref<80x128xi32, #tpu.memory_space<hbm>>
        %dma_wait3A_75 = arith.constant 0 : i32
        %dma_wait3A_76 = arith.constant 0 : i32
        %dma_wait3A_77 = tpu.memref_slice %arg7[%dma_wait3A_75, %dma_wait3A_76] : memref<80x128xi32, #tpu.memory_space<vmem>> -> memref<80x128xi32, #tpu.memory_space<vmem>>
        %dma_wait3A_78 = arith.constant 0 : i32
        %dma_wait3A_79 = tpu.memref_slice %arg4[%mul3A_41, %dma_wait3A_78] : memref<2560x128xi32, #tpu.memory_space<hbm>> -> memref<80x128xi32, #tpu.memory_space<hbm>>
        tpu.wait_dma2 semaphore(%run_scoped3A : memref<!tpu.dma_semaphore, #tpu.memory_space<semaphore_mem>>) src(%dma_wait3A_79 : memref<80x128xi32, #tpu.memory_space<hbm>>) dst(%dma_wait3A_77 : memref<80x128xi32, #tpu.memory_space<vmem>>)
        tpu.yield
      }) : () -> ()
      %dma_start3A = arith.constant 0 : i32
      %dma_start3A_42 = arith.constant 0 : i32
      %dma_start3A_43 = tpu.memref_slice %arg6[%dma_start3A, %dma_start3A_42] : memref<80x128xi32, #tpu.memory_space<vmem>> -> memref<1x128xi32, #tpu.memory_space<vmem>>
      %dma_start3A_44 = tpu.memref_squeeze %dma_start3A_43 : memref<1x128xi32, #tpu.memory_space<vmem>> -> memref<128xi32, #tpu.memory_space<vmem>>
      %dma_start3A_45 = arith.constant 0 : i32
      %dma_start3A_46 = arith.constant 0 : i32
      %dma_start3A_47 = tpu.memref_slice %arg11[%dma_start3A_45, %dma_start3A_46] : memref<10240x64xf32, #tpu.memory_space<vmem_shared>> -> memref<10240x64xf32, #tpu.memory_space<vmem_shared>>
      tpu.enqueue_indirect_dma source(%dma_start3A_47 : memref<10240x64xf32, #tpu.memory_space<vmem_shared>>) target(%arg8 : memref<128x64xf32, #tpu.memory_space<vmem>>) offsets(%dma_start3A_44 : memref<128xi32, #tpu.memory_space<vmem>>) semaphore(%arg12 : memref<!tpu.dma_semaphore, #tpu.memory_space<semaphore_mem>>)
      %dma_start3A_48 = arith.constant 1 : i32
      %dma_start3A_49 = arith.constant 0 : i32
      %dma_start3A_50 = tpu.memref_slice %arg6[%dma_start3A_48, %dma_start3A_49] : memref<80x128xi32, #tpu.memory_space<vmem>> -> memref<1x128xi32, #tpu.memory_space<vmem>>
      %dma_start3A_51 = tpu.memref_squeeze %dma_start3A_50 : memref<1x128xi32, #tpu.memory_space<vmem>> -> memref<128xi32, #tpu.memory_space<vmem>>
      %dma_start3A_52 = arith.constant 0 : i32
      %dma_start3A_53 = arith.constant 0 : i32
      %dma_start3A_54 = tpu.memref_slice %arg11[%dma_start3A_52, %dma_start3A_53] : memref<10240x64xf32, #tpu.memory_space<vmem_shared>> -> memref<10240x64xf32, #tpu.memory_space<vmem_shared>>
      tpu.enqueue_indirect_dma source(%dma_start3A_54 : memref<10240x64xf32, #tpu.memory_space<vmem_shared>>) target(%arg9 : memref<128x64xf32, #tpu.memory_space<vmem>>) offsets(%dma_start3A_51 : memref<128xi32, #tpu.memory_space<vmem>>) semaphore(%arg13 : memref<!tpu.dma_semaphore, #tpu.memory_space<semaphore_mem>>)
      %scan3A_55 = arith.constant 0 : i32
      %scan3A_56 = arith.constant 0 : i32
      %scan3A_57 = arith.constant 40 : i32
      %scan3A_58 = arith.addi %scan3A_56, %scan3A_57 : i32
      %scan3A_59 = arith.constant 1 : i32
      scf.for %scan3A_61 = %scan3A_56 to %scan3A_58 step %scan3A_59  : i32 {
        %mul3A_62 = arith.constant 2 : i32
        %mul3A_63 = arith.muli %scan3A_61, %mul3A_62 : i32
        %add3A_64 = arith.constant 0 : i32
        %add3A_65 = arith.addi %mul3A_63, %add3A_64 : i32
        %dma_wait3A = arith.constant 0 : i32
        %dma_wait3A_66 = tpu.memref_slice %arg6[%add3A_65, %dma_wait3A] : memref<80x128xi32, #tpu.memory_space<vmem>> -> memref<1x128xi32, #tpu.memory_space<vmem>>
        %dma_wait3A_67 = tpu.memref_squeeze %dma_wait3A_66 : memref<1x128xi32, #tpu.memory_space<vmem>> -> memref<128xi32, #tpu.memory_space<vmem>>
        %dma_wait3A_68 = arith.constant 0 : i32
        %dma_wait3A_69 = arith.constant 0 : i32
        %dma_wait3A_70 = tpu.memref_slice %arg11[%dma_wait3A_68, %dma_wait3A_69] : memref<10240x64xf32, #tpu.memory_space<vmem_shared>> -> memref<10240x64xf32, #tpu.memory_space<vmem_shared>>
        tpu.wait_indirect_dma semaphore(%arg12 : memref<!tpu.dma_semaphore, #tpu.memory_space<semaphore_mem>>) src(%dma_wait3A_70 : memref<10240x64xf32, #tpu.memory_space<vmem_shared>>) dst(%arg8 : memref<128x64xf32, #tpu.memory_space<vmem>>)
        "tpu.region"() ({
          %run_scoped3A = tpu.sem_alloc : memref<!tpu.dma_semaphore, #tpu.memory_space<semaphore_mem>>
          %dma_start3A_94 = arith.constant 0 : i32
          %dma_start3A_95 = tpu.memref_slice %arg7[%add3A_65, %dma_start3A_94] : memref<80x128xi32, #tpu.memory_space<vmem>> -> memref<1x128xi32, #tpu.memory_space<vmem>>
          %dma_start3A_96 = tpu.memref_squeeze %dma_start3A_95 : memref<1x128xi32, #tpu.memory_space<vmem>> -> memref<128xi32, #tpu.memory_space<vmem>>
          %dma_start3A_97 = arith.constant 0 : i32
          %dma_start3A_98 = arith.constant 0 : i32
          %dma_start3A_99 = tpu.memref_slice %arg10[%dma_start3A_97, %dma_start3A_98] : memref<10240x64xf32, #tpu.memory_space<vmem_shared>> -> memref<10240x64xf32, #tpu.memory_space<vmem_shared>>
          tpu.enqueue_indirect_dma source(%arg8 : memref<128x64xf32, #tpu.memory_space<vmem>>) target(%dma_start3A_99 : memref<10240x64xf32, #tpu.memory_space<vmem_shared>>) offsets(%dma_start3A_96 : memref<128xi32, #tpu.memory_space<vmem>>) semaphore(%run_scoped3A : memref<!tpu.dma_semaphore, #tpu.memory_space<semaphore_mem>>) {add = true}
          %dma_wait3A_100 = arith.constant 0 : i32
          %dma_wait3A_101 = tpu.memref_slice %arg7[%add3A_65, %dma_wait3A_100] : memref<80x128xi32, #tpu.memory_space<vmem>> -> memref<1x128xi32, #tpu.memory_space<vmem>>
          %dma_wait3A_102 = tpu.memref_squeeze %dma_wait3A_101 : memref<1x128xi32, #tpu.memory_space<vmem>> -> memref<128xi32, #tpu.memory_space<vmem>>
          %dma_wait3A_103 = arith.constant 0 : i32
          %dma_wait3A_104 = arith.constant 0 : i32
          %dma_wait3A_105 = tpu.memref_slice %arg10[%dma_wait3A_103, %dma_wait3A_104] : memref<10240x64xf32, #tpu.memory_space<vmem_shared>> -> memref<10240x64xf32, #tpu.memory_space<vmem_shared>>
          tpu.wait_indirect_dma semaphore(%run_scoped3A : memref<!tpu.dma_semaphore, #tpu.memory_space<semaphore_mem>>) src(%arg8 : memref<128x64xf32, #tpu.memory_space<vmem>>) dst(%dma_wait3A_105 : memref<10240x64xf32, #tpu.memory_space<vmem_shared>>)
          tpu.yield
        }) : () -> ()
        %add3A_71 = arith.constant 2 : i32
        %add3A_72 = arith.addi %add3A_65, %add3A_71 : i32
        %lt3A = arith.constant 80 : i32
        %lt3A_73 = arith.cmpi slt, %add3A_72, %lt3A : i32
        %convert_element_type3A_74 = arith.extui %lt3A_73 : i1 to i32
        %cond3A_75 = arith.constant 0 : i32
        %cond3A_76 = arith.cmpi ne, %convert_element_type3A_74, %cond3A_75 : i32
        scf.if %cond3A_76 {
          %add3A_94 = arith.constant 2 : i32
          %add3A_95 = arith.addi %add3A_65, %add3A_94 : i32
          %dma_start3A_96 = arith.constant 0 : i32
          %dma_start3A_97 = tpu.memref_slice %arg6[%add3A_95, %dma_start3A_96] : memref<80x128xi32, #tpu.memory_space<vmem>> -> memref<1x128xi32, #tpu.memory_space<vmem>>
          %dma_start3A_98 = tpu.memref_squeeze %dma_start3A_97 : memref<1x128xi32, #tpu.memory_space<vmem>> -> memref<128xi32, #tpu.memory_space<vmem>>
          %dma_start3A_99 = arith.constant 0 : i32
          %dma_start3A_100 = arith.constant 0 : i32
          %dma_start3A_101 = tpu.memref_slice %arg11[%dma_start3A_99, %dma_start3A_100] : memref<10240x64xf32, #tpu.memory_space<vmem_shared>> -> memref<10240x64xf32, #tpu.memory_space<vmem_shared>>
          tpu.enqueue_indirect_dma source(%dma_start3A_101 : memref<10240x64xf32, #tpu.memory_space<vmem_shared>>) target(%arg8 : memref<128x64xf32, #tpu.memory_space<vmem>>) offsets(%dma_start3A_98 : memref<128xi32, #tpu.memory_space<vmem>>) semaphore(%arg12 : memref<!tpu.dma_semaphore, #tpu.memory_space<semaphore_mem>>)
        } else {
        }
        %mul3A_77 = arith.constant 2 : i32
        %mul3A_78 = arith.muli %scan3A_61, %mul3A_77 : i32
        %add3A_79 = arith.constant 1 : i32
        %add3A_80 = arith.addi %mul3A_78, %add3A_79 : i32
        %dma_wait3A_81 = arith.constant 0 : i32
        %dma_wait3A_82 = tpu.memref_slice %arg6[%add3A_80, %dma_wait3A_81] : memref<80x128xi32, #tpu.memory_space<vmem>> -> memref<1x128xi32, #tpu.memory_space<vmem>>
        %dma_wait3A_83 = tpu.memref_squeeze %dma_wait3A_82 : memref<1x128xi32, #tpu.memory_space<vmem>> -> memref<128xi32, #tpu.memory_space<vmem>>
        %dma_wait3A_84 = arith.constant 0 : i32
        %dma_wait3A_85 = arith.constant 0 : i32
        %dma_wait3A_86 = tpu.memref_slice %arg11[%dma_wait3A_84, %dma_wait3A_85] : memref<10240x64xf32, #tpu.memory_space<vmem_shared>> -> memref<10240x64xf32, #tpu.memory_space<vmem_shared>>
        tpu.wait_indirect_dma semaphore(%arg13 : memref<!tpu.dma_semaphore, #tpu.memory_space<semaphore_mem>>) src(%dma_wait3A_86 : memref<10240x64xf32, #tpu.memory_space<vmem_shared>>) dst(%arg9 : memref<128x64xf32, #tpu.memory_space<vmem>>)
        "tpu.region"() ({
          %run_scoped3A = tpu.sem_alloc : memref<!tpu.dma_semaphore, #tpu.memory_space<semaphore_mem>>
          %dma_start3A_94 = arith.constant 0 : i32
          %dma_start3A_95 = tpu.memref_slice %arg7[%add3A_80, %dma_start3A_94] : memref<80x128xi32, #tpu.memory_space<vmem>> -> memref<1x128xi32, #tpu.memory_space<vmem>>
          %dma_start3A_96 = tpu.memref_squeeze %dma_start3A_95 : memref<1x128xi32, #tpu.memory_space<vmem>> -> memref<128xi32, #tpu.memory_space<vmem>>
          %dma_start3A_97 = arith.constant 0 : i32
          %dma_start3A_98 = arith.constant 0 : i32
          %dma_start3A_99 = tpu.memref_slice %arg10[%dma_start3A_97, %dma_start3A_98] : memref<10240x64xf32, #tpu.memory_space<vmem_shared>> -> memref<10240x64xf32, #tpu.memory_space<vmem_shared>>
          tpu.enqueue_indirect_dma source(%arg9 : memref<128x64xf32, #tpu.memory_space<vmem>>) target(%dma_start3A_99 : memref<10240x64xf32, #tpu.memory_space<vmem_shared>>) offsets(%dma_start3A_96 : memref<128xi32, #tpu.memory_space<vmem>>) semaphore(%run_scoped3A : memref<!tpu.dma_semaphore, #tpu.memory_space<semaphore_mem>>) {add = true}
          %dma_wait3A_100 = arith.constant 0 : i32
          %dma_wait3A_101 = tpu.memref_slice %arg7[%add3A_80, %dma_wait3A_100] : memref<80x128xi32, #tpu.memory_space<vmem>> -> memref<1x128xi32, #tpu.memory_space<vmem>>
          %dma_wait3A_102 = tpu.memref_squeeze %dma_wait3A_101 : memref<1x128xi32, #tpu.memory_space<vmem>> -> memref<128xi32, #tpu.memory_space<vmem>>
          %dma_wait3A_103 = arith.constant 0 : i32
          %dma_wait3A_104 = arith.constant 0 : i32
          %dma_wait3A_105 = tpu.memref_slice %arg10[%dma_wait3A_103, %dma_wait3A_104] : memref<10240x64xf32, #tpu.memory_space<vmem_shared>> -> memref<10240x64xf32, #tpu.memory_space<vmem_shared>>
          tpu.wait_indirect_dma semaphore(%run_scoped3A : memref<!tpu.dma_semaphore, #tpu.memory_space<semaphore_mem>>) src(%arg9 : memref<128x64xf32, #tpu.memory_space<vmem>>) dst(%dma_wait3A_105 : memref<10240x64xf32, #tpu.memory_space<vmem_shared>>)
          tpu.yield
        }) : () -> ()
        %add3A_87 = arith.constant 2 : i32
        %add3A_88 = arith.addi %add3A_80, %add3A_87 : i32
        %lt3A_89 = arith.constant 80 : i32
        %lt3A_90 = arith.cmpi slt, %add3A_88, %lt3A_89 : i32
        %convert_element_type3A_91 = arith.extui %lt3A_90 : i1 to i32
        %cond3A_92 = arith.constant 0 : i32
        %cond3A_93 = arith.cmpi ne, %convert_element_type3A_91, %cond3A_92 : i32
        scf.if %cond3A_93 {
          %add3A_94 = arith.constant 2 : i32
          %add3A_95 = arith.addi %add3A_80, %add3A_94 : i32
          %dma_start3A_96 = arith.constant 0 : i32
          %dma_start3A_97 = tpu.memref_slice %arg6[%add3A_95, %dma_start3A_96] : memref<80x128xi32, #tpu.memory_space<vmem>> -> memref<1x128xi32, #tpu.memory_space<vmem>>
          %dma_start3A_98 = tpu.memref_squeeze %dma_start3A_97 : memref<1x128xi32, #tpu.memory_space<vmem>> -> memref<128xi32, #tpu.memory_space<vmem>>
          %dma_start3A_99 = arith.constant 0 : i32
          %dma_start3A_100 = arith.constant 0 : i32
          %dma_start3A_101 = tpu.memref_slice %arg11[%dma_start3A_99, %dma_start3A_100] : memref<10240x64xf32, #tpu.memory_space<vmem_shared>> -> memref<10240x64xf32, #tpu.memory_space<vmem_shared>>
          tpu.enqueue_indirect_dma source(%dma_start3A_101 : memref<10240x64xf32, #tpu.memory_space<vmem_shared>>) target(%arg9 : memref<128x64xf32, #tpu.memory_space<vmem>>) offsets(%dma_start3A_98 : memref<128xi32, #tpu.memory_space<vmem>>) semaphore(%arg13 : memref<!tpu.dma_semaphore, #tpu.memory_space<semaphore_mem>>)
        } else {
        }
      }
      %scan3A_60 = arith.constant 40 : i32
    } else {
    }
    %eq3A_30 = arith.constant 1 : i32
    %eq3A_31 = arith.cmpi eq, %arg0, %eq3A_30 : i32
    %convert_element_type3A_32 = arith.extui %eq3A_31 : i1 to i32
    %cond3A_33 = arith.constant 0 : i32
    %cond3A_34 = arith.cmpi ne, %convert_element_type3A_32, %cond3A_33 : i32
    scf.if %cond3A_34 {
      %mul3A_40 = arith.constant 80 : i32
      %mul3A_41 = arith.muli %arg1, %mul3A_40 : i32
      %add3A_42 = arith.constant 1280 : i32
      %add3A_43 = arith.addi %add3A_42, %mul3A_41 : i32
      "tpu.region"() ({
        %run_scoped3A = tpu.sem_alloc : memref<!tpu.dma_semaphore, #tpu.memory_space<semaphore_mem>>
        %dma_start3A_63 = arith.constant 0 : i32
        %dma_start3A_64 = arith.constant 0 : i32
        %dma_start3A_65 = tpu.memref_slice %arg6[%dma_start3A_63, %dma_start3A_64] : memref<80x128xi32, #tpu.memory_space<vmem>> -> memref<80x128xi32, #tpu.memory_space<vmem>>
        %dma_start3A_66 = arith.constant 0 : i32
        %dma_start3A_67 = tpu.memref_slice %arg3[%add3A_43, %dma_start3A_66] : memref<2560x128xi32, #tpu.memory_space<hbm>> -> memref<80x128xi32, #tpu.memory_space<hbm>>
        %dma_start3A_68 = arith.constant 0 : i32
        %dma_start3A_69 = arith.constant 0 : i32
        %dma_start3A_70 = tpu.memref_slice %arg6[%dma_start3A_68, %dma_start3A_69] : memref<80x128xi32, #tpu.memory_space<vmem>> -> memref<80x128xi32, #tpu.memory_space<vmem>>
        %dma_start3A_71 = arith.constant 0 : i32
        %dma_start3A_72 = tpu.memref_slice %arg3[%add3A_43, %dma_start3A_71] : memref<2560x128xi32, #tpu.memory_space<hbm>> -> memref<80x128xi32, #tpu.memory_space<hbm>>
        tpu.enqueue_dma source(%dma_start3A_72 : memref<80x128xi32, #tpu.memory_space<hbm>>) target(%dma_start3A_70 : memref<80x128xi32, #tpu.memory_space<vmem>>) target_semaphore(%run_scoped3A : memref<!tpu.dma_semaphore, #tpu.memory_space<semaphore_mem>>)
        %dma_wait3A = arith.constant 0 : i32
        %dma_wait3A_73 = arith.constant 0 : i32
        %dma_wait3A_74 = tpu.memref_slice %arg6[%dma_wait3A, %dma_wait3A_73] : memref<80x128xi32, #tpu.memory_space<vmem>> -> memref<80x128xi32, #tpu.memory_space<vmem>>
        %dma_wait3A_75 = arith.constant 0 : i32
        %dma_wait3A_76 = tpu.memref_slice %arg3[%add3A_43, %dma_wait3A_75] : memref<2560x128xi32, #tpu.memory_space<hbm>> -> memref<80x128xi32, #tpu.memory_space<hbm>>
        %dma_wait3A_77 = arith.constant 0 : i32
        %dma_wait3A_78 = arith.constant 0 : i32
        %dma_wait3A_79 = tpu.memref_slice %arg6[%dma_wait3A_77, %dma_wait3A_78] : memref<80x128xi32, #tpu.memory_space<vmem>> -> memref<80x128xi32, #tpu.memory_space<vmem>>
        %dma_wait3A_80 = arith.constant 0 : i32
        %dma_wait3A_81 = tpu.memref_slice %arg3[%add3A_43, %dma_wait3A_80] : memref<2560x128xi32, #tpu.memory_space<hbm>> -> memref<80x128xi32, #tpu.memory_space<hbm>>
        tpu.wait_dma2 semaphore(%run_scoped3A : memref<!tpu.dma_semaphore, #tpu.memory_space<semaphore_mem>>) src(%dma_wait3A_81 : memref<80x128xi32, #tpu.memory_space<hbm>>) dst(%dma_wait3A_79 : memref<80x128xi32, #tpu.memory_space<vmem>>)
        tpu.yield
      }) : () -> ()
      "tpu.region"() ({
        %run_scoped3A = tpu.sem_alloc : memref<!tpu.dma_semaphore, #tpu.memory_space<semaphore_mem>>
        %dma_start3A_63 = arith.constant 0 : i32
        %dma_start3A_64 = arith.constant 0 : i32
        %dma_start3A_65 = tpu.memref_slice %arg7[%dma_start3A_63, %dma_start3A_64] : memref<80x128xi32, #tpu.memory_space<vmem>> -> memref<80x128xi32, #tpu.memory_space<vmem>>
        %dma_start3A_66 = arith.constant 0 : i32
        %dma_start3A_67 = tpu.memref_slice %arg4[%add3A_43, %dma_start3A_66] : memref<2560x128xi32, #tpu.memory_space<hbm>> -> memref<80x128xi32, #tpu.memory_space<hbm>>
        %dma_start3A_68 = arith.constant 0 : i32
        %dma_start3A_69 = arith.constant 0 : i32
        %dma_start3A_70 = tpu.memref_slice %arg7[%dma_start3A_68, %dma_start3A_69] : memref<80x128xi32, #tpu.memory_space<vmem>> -> memref<80x128xi32, #tpu.memory_space<vmem>>
        %dma_start3A_71 = arith.constant 0 : i32
        %dma_start3A_72 = tpu.memref_slice %arg4[%add3A_43, %dma_start3A_71] : memref<2560x128xi32, #tpu.memory_space<hbm>> -> memref<80x128xi32, #tpu.memory_space<hbm>>
        tpu.enqueue_dma source(%dma_start3A_72 : memref<80x128xi32, #tpu.memory_space<hbm>>) target(%dma_start3A_70 : memref<80x128xi32, #tpu.memory_space<vmem>>) target_semaphore(%run_scoped3A : memref<!tpu.dma_semaphore, #tpu.memory_space<semaphore_mem>>)
        %dma_wait3A = arith.constant 0 : i32
        %dma_wait3A_73 = arith.constant 0 : i32
        %dma_wait3A_74 = tpu.memref_slice %arg7[%dma_wait3A, %dma_wait3A_73] : memref<80x128xi32, #tpu.memory_space<vmem>> -> memref<80x128xi32, #tpu.memory_space<vmem>>
        %dma_wait3A_75 = arith.constant 0 : i32
        %dma_wait3A_76 = tpu.memref_slice %arg4[%add3A_43, %dma_wait3A_75] : memref<2560x128xi32, #tpu.memory_space<hbm>> -> memref<80x128xi32, #tpu.memory_space<hbm>>
        %dma_wait3A_77 = arith.constant 0 : i32
        %dma_wait3A_78 = arith.constant 0 : i32
        %dma_wait3A_79 = tpu.memref_slice %arg7[%dma_wait3A_77, %dma_wait3A_78] : memref<80x128xi32, #tpu.memory_space<vmem>> -> memref<80x128xi32, #tpu.memory_space<vmem>>
        %dma_wait3A_80 = arith.constant 0 : i32
        %dma_wait3A_81 = tpu.memref_slice %arg4[%add3A_43, %dma_wait3A_80] : memref<2560x128xi32, #tpu.memory_space<hbm>> -> memref<80x128xi32, #tpu.memory_space<hbm>>
        tpu.wait_dma2 semaphore(%run_scoped3A : memref<!tpu.dma_semaphore, #tpu.memory_space<semaphore_mem>>) src(%dma_wait3A_81 : memref<80x128xi32, #tpu.memory_space<hbm>>) dst(%dma_wait3A_79 : memref<80x128xi32, #tpu.memory_space<vmem>>)
        tpu.yield
      }) : () -> ()
      %dma_start3A = arith.constant 0 : i32
      %dma_start3A_44 = arith.constant 0 : i32
      %dma_start3A_45 = tpu.memref_slice %arg6[%dma_start3A, %dma_start3A_44] : memref<80x128xi32, #tpu.memory_space<vmem>> -> memref<1x128xi32, #tpu.memory_space<vmem>>
      %dma_start3A_46 = tpu.memref_squeeze %dma_start3A_45 : memref<1x128xi32, #tpu.memory_space<vmem>> -> memref<128xi32, #tpu.memory_space<vmem>>
      %dma_start3A_47 = arith.constant 0 : i32
      %dma_start3A_48 = arith.constant 0 : i32
      %dma_start3A_49 = tpu.memref_slice %arg11[%dma_start3A_47, %dma_start3A_48] : memref<10240x64xf32, #tpu.memory_space<vmem_shared>> -> memref<10240x64xf32, #tpu.memory_space<vmem_shared>>
      tpu.enqueue_indirect_dma source(%dma_start3A_49 : memref<10240x64xf32, #tpu.memory_space<vmem_shared>>) target(%arg8 : memref<128x64xf32, #tpu.memory_space<vmem>>) offsets(%dma_start3A_46 : memref<128xi32, #tpu.memory_space<vmem>>) semaphore(%arg12 : memref<!tpu.dma_semaphore, #tpu.memory_space<semaphore_mem>>)
      %dma_start3A_50 = arith.constant 1 : i32
      %dma_start3A_51 = arith.constant 0 : i32
      %dma_start3A_52 = tpu.memref_slice %arg6[%dma_start3A_50, %dma_start3A_51] : memref<80x128xi32, #tpu.memory_space<vmem>> -> memref<1x128xi32, #tpu.memory_space<vmem>>
      %dma_start3A_53 = tpu.memref_squeeze %dma_start3A_52 : memref<1x128xi32, #tpu.memory_space<vmem>> -> memref<128xi32, #tpu.memory_space<vmem>>
      %dma_start3A_54 = arith.constant 0 : i32
      %dma_start3A_55 = arith.constant 0 : i32
      %dma_start3A_56 = tpu.memref_slice %arg11[%dma_start3A_54, %dma_start3A_55] : memref<10240x64xf32, #tpu.memory_space<vmem_shared>> -> memref<10240x64xf32, #tpu.memory_space<vmem_shared>>
      tpu.enqueue_indirect_dma source(%dma_start3A_56 : memref<10240x64xf32, #tpu.memory_space<vmem_shared>>) target(%arg9 : memref<128x64xf32, #tpu.memory_space<vmem>>) offsets(%dma_start3A_53 : memref<128xi32, #tpu.memory_space<vmem>>) semaphore(%arg13 : memref<!tpu.dma_semaphore, #tpu.memory_space<semaphore_mem>>)
      %scan3A_57 = arith.constant 0 : i32
      %scan3A_58 = arith.constant 0 : i32
      %scan3A_59 = arith.constant 40 : i32
      %scan3A_60 = arith.addi %scan3A_58, %scan3A_59 : i32
      %scan3A_61 = arith.constant 1 : i32
      scf.for %scan3A_63 = %scan3A_58 to %scan3A_60 step %scan3A_61  : i32 {
        %mul3A_64 = arith.constant 2 : i32
        %mul3A_65 = arith.muli %scan3A_63, %mul3A_64 : i32
        %add3A_66 = arith.constant 0 : i32
        %add3A_67 = arith.addi %mul3A_65, %add3A_66 : i32
        %dma_wait3A = arith.constant 0 : i32
        %dma_wait3A_68 = tpu.memref_slice %arg6[%add3A_67, %dma_wait3A] : memref<80x128xi32, #tpu.memory_space<vmem>> -> memref<1x128xi32, #tpu.memory_space<vmem>>
        %dma_wait3A_69 = tpu.memref_squeeze %dma_wait3A_68 : memref<1x128xi32, #tpu.memory_space<vmem>> -> memref<128xi32, #tpu.memory_space<vmem>>
        %dma_wait3A_70 = arith.constant 0 : i32
        %dma_wait3A_71 = arith.constant 0 : i32
        %dma_wait3A_72 = tpu.memref_slice %arg11[%dma_wait3A_70, %dma_wait3A_71] : memref<10240x64xf32, #tpu.memory_space<vmem_shared>> -> memref<10240x64xf32, #tpu.memory_space<vmem_shared>>
        tpu.wait_indirect_dma semaphore(%arg12 : memref<!tpu.dma_semaphore, #tpu.memory_space<semaphore_mem>>) src(%dma_wait3A_72 : memref<10240x64xf32, #tpu.memory_space<vmem_shared>>) dst(%arg8 : memref<128x64xf32, #tpu.memory_space<vmem>>)
        "tpu.region"() ({
          %run_scoped3A = tpu.sem_alloc : memref<!tpu.dma_semaphore, #tpu.memory_space<semaphore_mem>>
          %dma_start3A_96 = arith.constant 0 : i32
          %dma_start3A_97 = tpu.memref_slice %arg7[%add3A_67, %dma_start3A_96] : memref<80x128xi32, #tpu.memory_space<vmem>> -> memref<1x128xi32, #tpu.memory_space<vmem>>
          %dma_start3A_98 = tpu.memref_squeeze %dma_start3A_97 : memref<1x128xi32, #tpu.memory_space<vmem>> -> memref<128xi32, #tpu.memory_space<vmem>>
          %dma_start3A_99 = arith.constant 0 : i32
          %dma_start3A_100 = arith.constant 0 : i32
          %dma_start3A_101 = tpu.memref_slice %arg10[%dma_start3A_99, %dma_start3A_100] : memref<10240x64xf32, #tpu.memory_space<vmem_shared>> -> memref<10240x64xf32, #tpu.memory_space<vmem_shared>>
          tpu.enqueue_indirect_dma source(%arg8 : memref<128x64xf32, #tpu.memory_space<vmem>>) target(%dma_start3A_101 : memref<10240x64xf32, #tpu.memory_space<vmem_shared>>) offsets(%dma_start3A_98 : memref<128xi32, #tpu.memory_space<vmem>>) semaphore(%run_scoped3A : memref<!tpu.dma_semaphore, #tpu.memory_space<semaphore_mem>>) {add = true}
          %dma_wait3A_102 = arith.constant 0 : i32
          %dma_wait3A_103 = tpu.memref_slice %arg7[%add3A_67, %dma_wait3A_102] : memref<80x128xi32, #tpu.memory_space<vmem>> -> memref<1x128xi32, #tpu.memory_space<vmem>>
          %dma_wait3A_104 = tpu.memref_squeeze %dma_wait3A_103 : memref<1x128xi32, #tpu.memory_space<vmem>> -> memref<128xi32, #tpu.memory_space<vmem>>
          %dma_wait3A_105 = arith.constant 0 : i32
          %dma_wait3A_106 = arith.constant 0 : i32
          %dma_wait3A_107 = tpu.memref_slice %arg10[%dma_wait3A_105, %dma_wait3A_106] : memref<10240x64xf32, #tpu.memory_space<vmem_shared>> -> memref<10240x64xf32, #tpu.memory_space<vmem_shared>>
          tpu.wait_indirect_dma semaphore(%run_scoped3A : memref<!tpu.dma_semaphore, #tpu.memory_space<semaphore_mem>>) src(%arg8 : memref<128x64xf32, #tpu.memory_space<vmem>>) dst(%dma_wait3A_107 : memref<10240x64xf32, #tpu.memory_space<vmem_shared>>)
          tpu.yield
        }) : () -> ()
        %add3A_73 = arith.constant 2 : i32
        %add3A_74 = arith.addi %add3A_67, %add3A_73 : i32
        %lt3A = arith.constant 80 : i32
        %lt3A_75 = arith.cmpi slt, %add3A_74, %lt3A : i32
        %convert_element_type3A_76 = arith.extui %lt3A_75 : i1 to i32
        %cond3A_77 = arith.constant 0 : i32
        %cond3A_78 = arith.cmpi ne, %convert_element_type3A_76, %cond3A_77 : i32
        scf.if %cond3A_78 {
          %add3A_96 = arith.constant 2 : i32
          %add3A_97 = arith.addi %add3A_67, %add3A_96 : i32
          %dma_start3A_98 = arith.constant 0 : i32
          %dma_start3A_99 = tpu.memref_slice %arg6[%add3A_97, %dma_start3A_98] : memref<80x128xi32, #tpu.memory_space<vmem>> -> memref<1x128xi32, #tpu.memory_space<vmem>>
          %dma_start3A_100 = tpu.memref_squeeze %dma_start3A_99 : memref<1x128xi32, #tpu.memory_space<vmem>> -> memref<128xi32, #tpu.memory_space<vmem>>
          %dma_start3A_101 = arith.constant 0 : i32
          %dma_start3A_102 = arith.constant 0 : i32
          %dma_start3A_103 = tpu.memref_slice %arg11[%dma_start3A_101, %dma_start3A_102] : memref<10240x64xf32, #tpu.memory_space<vmem_shared>> -> memref<10240x64xf32, #tpu.memory_space<vmem_shared>>
          tpu.enqueue_indirect_dma source(%dma_start3A_103 : memref<10240x64xf32, #tpu.memory_space<vmem_shared>>) target(%arg8 : memref<128x64xf32, #tpu.memory_space<vmem>>) offsets(%dma_start3A_100 : memref<128xi32, #tpu.memory_space<vmem>>) semaphore(%arg12 : memref<!tpu.dma_semaphore, #tpu.memory_space<semaphore_mem>>)
        } else {
        }
        %mul3A_79 = arith.constant 2 : i32
        %mul3A_80 = arith.muli %scan3A_63, %mul3A_79 : i32
        %add3A_81 = arith.constant 1 : i32
        %add3A_82 = arith.addi %mul3A_80, %add3A_81 : i32
        %dma_wait3A_83 = arith.constant 0 : i32
        %dma_wait3A_84 = tpu.memref_slice %arg6[%add3A_82, %dma_wait3A_83] : memref<80x128xi32, #tpu.memory_space<vmem>> -> memref<1x128xi32, #tpu.memory_space<vmem>>
        %dma_wait3A_85 = tpu.memref_squeeze %dma_wait3A_84 : memref<1x128xi32, #tpu.memory_space<vmem>> -> memref<128xi32, #tpu.memory_space<vmem>>
        %dma_wait3A_86 = arith.constant 0 : i32
        %dma_wait3A_87 = arith.constant 0 : i32
        %dma_wait3A_88 = tpu.memref_slice %arg11[%dma_wait3A_86, %dma_wait3A_87] : memref<10240x64xf32, #tpu.memory_space<vmem_shared>> -> memref<10240x64xf32, #tpu.memory_space<vmem_shared>>
        tpu.wait_indirect_dma semaphore(%arg13 : memref<!tpu.dma_semaphore, #tpu.memory_space<semaphore_mem>>) src(%dma_wait3A_88 : memref<10240x64xf32, #tpu.memory_space<vmem_shared>>) dst(%arg9 : memref<128x64xf32, #tpu.memory_space<vmem>>)
        "tpu.region"() ({
          %run_scoped3A = tpu.sem_alloc : memref<!tpu.dma_semaphore, #tpu.memory_space<semaphore_mem>>
          %dma_start3A_96 = arith.constant 0 : i32
          %dma_start3A_97 = tpu.memref_slice %arg7[%add3A_82, %dma_start3A_96] : memref<80x128xi32, #tpu.memory_space<vmem>> -> memref<1x128xi32, #tpu.memory_space<vmem>>
          %dma_start3A_98 = tpu.memref_squeeze %dma_start3A_97 : memref<1x128xi32, #tpu.memory_space<vmem>> -> memref<128xi32, #tpu.memory_space<vmem>>
          %dma_start3A_99 = arith.constant 0 : i32
          %dma_start3A_100 = arith.constant 0 : i32
          %dma_start3A_101 = tpu.memref_slice %arg10[%dma_start3A_99, %dma_start3A_100] : memref<10240x64xf32, #tpu.memory_space<vmem_shared>> -> memref<10240x64xf32, #tpu.memory_space<vmem_shared>>
          tpu.enqueue_indirect_dma source(%arg9 : memref<128x64xf32, #tpu.memory_space<vmem>>) target(%dma_start3A_101 : memref<10240x64xf32, #tpu.memory_space<vmem_shared>>) offsets(%dma_start3A_98 : memref<128xi32, #tpu.memory_space<vmem>>) semaphore(%run_scoped3A : memref<!tpu.dma_semaphore, #tpu.memory_space<semaphore_mem>>) {add = true}
          %dma_wait3A_102 = arith.constant 0 : i32
          %dma_wait3A_103 = tpu.memref_slice %arg7[%add3A_82, %dma_wait3A_102] : memref<80x128xi32, #tpu.memory_space<vmem>> -> memref<1x128xi32, #tpu.memory_space<vmem>>
          %dma_wait3A_104 = tpu.memref_squeeze %dma_wait3A_103 : memref<1x128xi32, #tpu.memory_space<vmem>> -> memref<128xi32, #tpu.memory_space<vmem>>
          %dma_wait3A_105 = arith.constant 0 : i32
          %dma_wait3A_106 = arith.constant 0 : i32
          %dma_wait3A_107 = tpu.memref_slice %arg10[%dma_wait3A_105, %dma_wait3A_106] : memref<10240x64xf32, #tpu.memory_space<vmem_shared>> -> memref<10240x64xf32, #tpu.memory_space<vmem_shared>>
          tpu.wait_indirect_dma semaphore(%run_scoped3A : memref<!tpu.dma_semaphore, #tpu.memory_space<semaphore_mem>>) src(%arg9 : memref<128x64xf32, #tpu.memory_space<vmem>>) dst(%dma_wait3A_107 : memref<10240x64xf32, #tpu.memory_space<vmem_shared>>)
          tpu.yield
        }) : () -> ()
        %add3A_89 = arith.constant 2 : i32
        %add3A_90 = arith.addi %add3A_82, %add3A_89 : i32
        %lt3A_91 = arith.constant 80 : i32
        %lt3A_92 = arith.cmpi slt, %add3A_90, %lt3A_91 : i32
        %convert_element_type3A_93 = arith.extui %lt3A_92 : i1 to i32
        %cond3A_94 = arith.constant 0 : i32
        %cond3A_95 = arith.cmpi ne, %convert_element_type3A_93, %cond3A_94 : i32
        scf.if %cond3A_95 {
          %add3A_96 = arith.constant 2 : i32
          %add3A_97 = arith.addi %add3A_82, %add3A_96 : i32
          %dma_start3A_98 = arith.constant 0 : i32
          %dma_start3A_99 = tpu.memref_slice %arg6[%add3A_97, %dma_start3A_98] : memref<80x128xi32, #tpu.memory_space<vmem>> -> memref<1x128xi32, #tpu.memory_space<vmem>>
          %dma_start3A_100 = tpu.memref_squeeze %dma_start3A_99 : memref<1x128xi32, #tpu.memory_space<vmem>> -> memref<128xi32, #tpu.memory_space<vmem>>
          %dma_start3A_101 = arith.constant 0 : i32
          %dma_start3A_102 = arith.constant 0 : i32
          %dma_start3A_103 = tpu.memref_slice %arg11[%dma_start3A_101, %dma_start3A_102] : memref<10240x64xf32, #tpu.memory_space<vmem_shared>> -> memref<10240x64xf32, #tpu.memory_space<vmem_shared>>
          tpu.enqueue_indirect_dma source(%dma_start3A_103 : memref<10240x64xf32, #tpu.memory_space<vmem_shared>>) target(%arg9 : memref<128x64xf32, #tpu.memory_space<vmem>>) offsets(%dma_start3A_100 : memref<128xi32, #tpu.memory_space<vmem>>) semaphore(%arg13 : memref<!tpu.dma_semaphore, #tpu.memory_space<semaphore_mem>>)
        } else {
        }
      }
      %scan3A_62 = arith.constant 40 : i32
    } else {
    }
    %barrier3A_35 = arith.constant 0 : index
    tpu.barrier barrier_id(%barrier3A_35)
    %mul3A_36 = arith.constant 640 : i32
    %mul3A_37 = arith.muli %arg1, %mul3A_36 : i32
    %mul3A_38 = arith.constant 640 : i32
    %mul3A_39 = arith.muli %arg1, %mul3A_38 : i32
    "tpu.region"() ({
      %run_scoped3A = tpu.sem_alloc : memref<!tpu.dma_semaphore, #tpu.memory_space<semaphore_mem>>
      %dma_start3A = arith.constant 0 : i32
      %dma_start3A_40 = tpu.memref_slice %arg5[%arg0, %mul3A_39, %dma_start3A] : memref<2x10240x64xf32, #tpu.memory_space<hbm>> -> memref<1x640x64xf32, #tpu.memory_space<hbm>>
      %dma_start3A_41 = tpu.memref_squeeze %dma_start3A_40 : memref<1x640x64xf32, #tpu.memory_space<hbm>> -> memref<640x64xf32, #tpu.memory_space<hbm>>
      %dma_start3A_42 = arith.constant 0 : i32
      %dma_start3A_43 = tpu.memref_slice %arg10[%mul3A_37, %dma_start3A_42] : memref<10240x64xf32, #tpu.memory_space<vmem_shared>> -> memref<640x64xf32, #tpu.memory_space<vmem_shared>>
      tpu.enqueue_dma source(%dma_start3A_43 : memref<640x64xf32, #tpu.memory_space<vmem_shared>>) target(%dma_start3A_41 : memref<640x64xf32, #tpu.memory_space<hbm>>) target_semaphore(%run_scoped3A : memref<!tpu.dma_semaphore, #tpu.memory_space<semaphore_mem>>)
      %dma_wait3A = arith.constant 0 : i32
      %dma_wait3A_44 = tpu.memref_slice %arg5[%arg0, %mul3A_39, %dma_wait3A] : memref<2x10240x64xf32, #tpu.memory_space<hbm>> -> memref<1x640x64xf32, #tpu.memory_space<hbm>>
      %dma_wait3A_45 = tpu.memref_squeeze %dma_wait3A_44 : memref<1x640x64xf32, #tpu.memory_space<hbm>> -> memref<640x64xf32, #tpu.memory_space<hbm>>
      %dma_wait3A_46 = arith.constant 0 : i32
      %dma_wait3A_47 = tpu.memref_slice %arg10[%mul3A_37, %dma_wait3A_46] : memref<10240x64xf32, #tpu.memory_space<vmem_shared>> -> memref<640x64xf32, #tpu.memory_space<vmem_shared>>
      tpu.wait_dma2 semaphore(%run_scoped3A : memref<!tpu.dma_semaphore, #tpu.memory_space<semaphore_mem>>) src(%dma_wait3A_47 : memref<640x64xf32, #tpu.memory_space<vmem_shared>>) dst(%dma_wait3A_45 : memref<640x64xf32, #tpu.memory_space<hbm>>)
      tpu.yield
    }) : () -> ()
    return
  }
}

#map = affine_map<(d0, d1) -> (0, 0)>
#map1 = affine_map<(d0, d1) -> (0, 0, 0)>
module attributes {stable_mosaic.version = 14 : i64} {
  func.func @k(%arg0: i32, %arg1: i32, %arg2: memref<10240x64xf32, #tpu.memory_space<hbm>>, %arg3: memref<2560x128xi32, #tpu.memory_space<hbm>>, %arg4: memref<2560x128xi32, #tpu.memory_space<hbm>>, %arg5: memref<2x10240x64xf32, #tpu.memory_space<hbm>>, %arg6: memref<80x128xi32, #tpu.memory_space<vmem>>, %arg7: memref<80x128xi32, #tpu.memory_space<vmem>>, %arg8: memref<128x64xf32, #tpu.memory_space<vmem>>, %arg9: memref<128x64xf32, #tpu.memory_space<vmem>>, %arg10: memref<10240x64xf32, #tpu.memory_space<vmem_shared>>, %arg11: memref<10240x64xf32, #tpu.memory_space<vmem_shared>>, %arg12: memref<!tpu.dma_semaphore, #tpu.memory_space<semaphore_mem>>, %arg13: memref<!tpu.dma_semaphore, #tpu.memory_space<semaphore_mem>>) attributes {dimension_semantics = [#tpu.dimension_semantics<core_parallel>, #tpu.dimension_semantics<subcore_parallel>], iteration_bounds = array<i64: 2, 16>, scalar_prefetch = 0 : i64, scratch_operands = 8 : i64, tpu.core_type = #tpu.core_type<sc_vector_subcore>, window_params = [{transform_indices = #map}, {transform_indices = #map}, {transform_indices = #map}, {transform_indices = #map1}]} {
    %mul3A = arith.constant 640 : i32
    %mul3A_0 = arith.muli %arg1, %mul3A : i32
    %mul3A_1 = arith.constant 640 : i32
    %mul3A_2 = arith.muli %arg1, %mul3A_1 : i32
    "tpu.region"() ({
      %run_scoped3A = tpu.sem_alloc : memref<!tpu.dma_semaphore, #tpu.memory_space<semaphore_mem>>
      %dma_start3A = arith.constant 0 : i32
      %dma_start3A_40 = tpu.memref_slice %arg11[%mul3A_2, %dma_start3A] : memref<10240x64xf32, #tpu.memory_space<vmem_shared>> -> memref<640x64xf32, #tpu.memory_space<vmem_shared>>
      %dma_start3A_41 = arith.constant 0 : i32
      %dma_start3A_42 = tpu.memref_slice %arg2[%mul3A_0, %dma_start3A_41] : memref<10240x64xf32, #tpu.memory_space<hbm>> -> memref<640x64xf32, #tpu.memory_space<hbm>>
      tpu.enqueue_dma source(%dma_start3A_42 : memref<640x64xf32, #tpu.memory_space<hbm>>) target(%dma_start3A_40 : memref<640x64xf32, #tpu.memory_space<vmem_shared>>) target_semaphore(%run_scoped3A : memref<!tpu.dma_semaphore, #tpu.memory_space<semaphore_mem>>)
      %dma_wait3A = arith.constant 0 : i32
      %dma_wait3A_43 = tpu.memref_slice %arg11[%mul3A_2, %dma_wait3A] : memref<10240x64xf32, #tpu.memory_space<vmem_shared>> -> memref<640x64xf32, #tpu.memory_space<vmem_shared>>
      %dma_wait3A_44 = arith.constant 0 : i32
      %dma_wait3A_45 = tpu.memref_slice %arg2[%mul3A_0, %dma_wait3A_44] : memref<10240x64xf32, #tpu.memory_space<hbm>> -> memref<640x64xf32, #tpu.memory_space<hbm>>
      tpu.wait_dma2 semaphore(%run_scoped3A : memref<!tpu.dma_semaphore, #tpu.memory_space<semaphore_mem>>) src(%dma_wait3A_45 : memref<640x64xf32, #tpu.memory_space<hbm>>) dst(%dma_wait3A_43 : memref<640x64xf32, #tpu.memory_space<vmem_shared>>)
      tpu.yield
    }) : () -> ()
    %broadcast_in_dim3A = arith.constant 0.000000e+00 : f32
    %broadcast_in_dim3A_3 = vector.broadcast %broadcast_in_dim3A : f32 to vector<16xf32>
    %scan3A = arith.constant 0 : i32
    %scan3A_4 = arith.constant 0 : i32
    %scan3A_5 = arith.constant 128 : i32
    %scan3A_6 = arith.addi %scan3A_4, %scan3A_5 : i32
    %scan3A_7 = arith.constant 1 : i32
    scf.for %scan3A_40 = %scan3A_4 to %scan3A_6 step %scan3A_7  : i32 {
      %swap3A = arith.index_cast %scan3A_40 : i32 to index
      %swap3A_41 = arith.constant 0 : index
      %swap3A_42 = tpu.vector_load %arg8[%swap3A, %swap3A_41] {strides = array<i32>} : memref<128x64xf32, #tpu.memory_space<vmem>>, vector<1x16xf32>,
      %swap3A_43 = vector.shape_cast %swap3A_42 : vector<1x16xf32> to vector<16xf32>
      %swap3A_44 = vector.shape_cast %broadcast_in_dim3A_3 : vector<16xf32> to vector<1x16xf32>
      tpu.vector_store %arg8[%swap3A, %swap3A_41], %swap3A_44 {strides = array<i32>} : memref<128x64xf32, #tpu.memory_space<vmem>>, vector<1x16xf32>,
      %swap3A_45 = arith.index_cast %scan3A_40 : i32 to index
      %swap3A_46 = arith.constant 16 : index
      %swap3A_47 = tpu.vector_load %arg8[%swap3A_45, %swap3A_46] {strides = array<i32>} : memref<128x64xf32, #tpu.memory_space<vmem>>, vector<1x16xf32>,
      %swap3A_48 = vector.shape_cast %swap3A_47 : vector<1x16xf32> to vector<16xf32>
      %swap3A_49 = vector.shape_cast %broadcast_in_dim3A_3 : vector<16xf32> to vector<1x16xf32>
      tpu.vector_store %arg8[%swap3A_45, %swap3A_46], %swap3A_49 {strides = array<i32>} : memref<128x64xf32, #tpu.memory_space<vmem>>, vector<1x16xf32>,
      %swap3A_50 = arith.index_cast %scan3A_40 : i32 to index
      %swap3A_51 = arith.constant 32 : index
      %swap3A_52 = tpu.vector_load %arg8[%swap3A_50, %swap3A_51] {strides = array<i32>} : memref<128x64xf32, #tpu.memory_space<vmem>>, vector<1x16xf32>,
      %swap3A_53 = vector.shape_cast %swap3A_52 : vector<1x16xf32> to vector<16xf32>
      %swap3A_54 = vector.shape_cast %broadcast_in_dim3A_3 : vector<16xf32> to vector<1x16xf32>
      tpu.vector_store %arg8[%swap3A_50, %swap3A_51], %swap3A_54 {strides = array<i32>} : memref<128x64xf32, #tpu.memory_space<vmem>>, vector<1x16xf32>,
      %swap3A_55 = arith.index_cast %scan3A_40 : i32 to index
      %swap3A_56 = arith.constant 48 : index
      %swap3A_57 = tpu.vector_load %arg8[%swap3A_55, %swap3A_56] {strides = array<i32>} : memref<128x64xf32, #tpu.memory_space<vmem>>, vector<1x16xf32>,
      %swap3A_58 = vector.shape_cast %swap3A_57 : vector<1x16xf32> to vector<16xf32>
      %swap3A_59 = vector.shape_cast %broadcast_in_dim3A_3 : vector<16xf32> to vector<1x16xf32>
      tpu.vector_store %arg8[%swap3A_55, %swap3A_56], %swap3A_59 {strides = array<i32>} : memref<128x64xf32, #tpu.memory_space<vmem>>, vector<1x16xf32>,
    }
    %scan3A_8 = arith.constant 128 : i32
    %mul3A_9 = arith.constant 640 : i32
    %mul3A_10 = arith.muli %arg1, %mul3A_9 : i32
    %add3A = arith.constant 0 : i32
    %add3A_11 = arith.addi %mul3A_10, %add3A : i32
    "tpu.region"() ({
      %run_scoped3A = tpu.sem_alloc : memref<!tpu.dma_semaphore, #tpu.memory_space<semaphore_mem>>
      %dma_start3A = arith.constant 0 : i32
      %dma_start3A_40 = tpu.memref_slice %arg10[%add3A_11, %dma_start3A] : memref<10240x64xf32, #tpu.memory_space<vmem_shared>> -> memref<128x64xf32, #tpu.memory_space<vmem_shared>>
      %dma_start3A_41 = arith.constant 0 : i32
      %dma_start3A_42 = tpu.memref_slice %arg10[%add3A_11, %dma_start3A_41] : memref<10240x64xf32, #tpu.memory_space<vmem_shared>> -> memref<128x64xf32, #tpu.memory_space<vmem_shared>>
      tpu.enqueue_dma source(%arg8 : memref<128x64xf32, #tpu.memory_space<vmem>>) target(%dma_start3A_42 : memref<128x64xf32, #tpu.memory_space<vmem_shared>>) target_semaphore(%run_scoped3A : memref<!tpu.dma_semaphore, #tpu.memory_space<semaphore_mem>>)
      %dma_wait3A = arith.constant 0 : i32
      %dma_wait3A_43 = tpu.memref_slice %arg10[%add3A_11, %dma_wait3A] : memref<10240x64xf32, #tpu.memory_space<vmem_shared>> -> memref<128x64xf32, #tpu.memory_space<vmem_shared>>
      %dma_wait3A_44 = arith.constant 0 : i32
      %dma_wait3A_45 = tpu.memref_slice %arg10[%add3A_11, %dma_wait3A_44] : memref<10240x64xf32, #tpu.memory_space<vmem_shared>> -> memref<128x64xf32, #tpu.memory_space<vmem_shared>>
      tpu.wait_dma2 semaphore(%run_scoped3A : memref<!tpu.dma_semaphore, #tpu.memory_space<semaphore_mem>>) src(%arg8 : memref<128x64xf32, #tpu.memory_space<vmem>>) dst(%dma_wait3A_45 : memref<128x64xf32, #tpu.memory_space<vmem_shared>>)
      tpu.yield
    }) : () -> ()
    %mul3A_12 = arith.constant 640 : i32
    %mul3A_13 = arith.muli %arg1, %mul3A_12 : i32
    %add3A_14 = arith.constant 128 : i32
    %add3A_15 = arith.addi %mul3A_13, %add3A_14 : i32
    "tpu.region"() ({
      %run_scoped3A = tpu.sem_alloc : memref<!tpu.dma_semaphore, #tpu.memory_space<semaphore_mem>>
      %dma_start3A = arith.constant 0 : i32
      %dma_start3A_40 = tpu.memref_slice %arg10[%add3A_15, %dma_start3A] : memref<10240x64xf32, #tpu.memory_space<vmem_shared>> -> memref<128x64xf32, #tpu.memory_space<vmem_shared>>
      %dma_start3A_41 = arith.constant 0 : i32
      %dma_start3A_42 = tpu.memref_slice %arg10[%add3A_15, %dma_start3A_41] : memref<10240x64xf32, #tpu.memory_space<vmem_shared>> -> memref<128x64xf32, #tpu.memory_space<vmem_shared>>
      tpu.enqueue_dma source(%arg8 : memref<128x64xf32, #tpu.memory_space<vmem>>) target(%dma_start3A_42 : memref<128x64xf32, #tpu.memory_space<vmem_shared>>) target_semaphore(%run_scoped3A : memref<!tpu.dma_semaphore, #tpu.memory_space<semaphore_mem>>)
      %dma_wait3A = arith.constant 0 : i32
      %dma_wait3A_43 = tpu.memref_slice %arg10[%add3A_15, %dma_wait3A] : memref<10240x64xf32, #tpu.memory_space<vmem_shared>> -> memref<128x64xf32, #tpu.memory_space<vmem_shared>>
      %dma_wait3A_44 = arith.constant 0 : i32
      %dma_wait3A_45 = tpu.memref_slice %arg10[%add3A_15, %dma_wait3A_44] : memref<10240x64xf32, #tpu.memory_space<vmem_shared>> -> memref<128x64xf32, #tpu.memory_space<vmem_shared>>
      tpu.wait_dma2 semaphore(%run_scoped3A : memref<!tpu.dma_semaphore, #tpu.memory_space<semaphore_mem>>) src(%arg8 : memref<128x64xf32, #tpu.memory_space<vmem>>) dst(%dma_wait3A_45 : memref<128x64xf32, #tpu.memory_space<vmem_shared>>)
      tpu.yield
    }) : () -> ()
    %mul3A_16 = arith.constant 640 : i32
    %mul3A_17 = arith.muli %arg1, %mul3A_16 : i32
    %add3A_18 = arith.constant 256 : i32
    %add3A_19 = arith.addi %mul3A_17, %add3A_18 : i32
    "tpu.region"() ({
      %run_scoped3A = tpu.sem_alloc : memref<!tpu.dma_semaphore, #tpu.memory_space<semaphore_mem>>
      %dma_start3A = arith.constant 0 : i32
      %dma_start3A_40 = tpu.memref_slice %arg10[%add3A_19, %dma_start3A] : memref<10240x64xf32, #tpu.memory_space<vmem_shared>> -> memref<128x64xf32, #tpu.memory_space<vmem_shared>>
      %dma_start3A_41 = arith.constant 0 : i32
      %dma_start3A_42 = tpu.memref_slice %arg10[%add3A_19, %dma_start3A_41] : memref<10240x64xf32, #tpu.memory_space<vmem_shared>> -> memref<128x64xf32, #tpu.memory_space<vmem_shared>>
      tpu.enqueue_dma source(%arg8 : memref<128x64xf32, #tpu.memory_space<vmem>>) target(%dma_start3A_42 : memref<128x64xf32, #tpu.memory_space<vmem_shared>>) target_semaphore(%run_scoped3A : memref<!tpu.dma_semaphore, #tpu.memory_space<semaphore_mem>>)
      %dma_wait3A = arith.constant 0 : i32
      %dma_wait3A_43 = tpu.memref_slice %arg10[%add3A_19, %dma_wait3A] : memref<10240x64xf32, #tpu.memory_space<vmem_shared>> -> memref<128x64xf32, #tpu.memory_space<vmem_shared>>
      %dma_wait3A_44 = arith.constant 0 : i32
      %dma_wait3A_45 = tpu.memref_slice %arg10[%add3A_19, %dma_wait3A_44] : memref<10240x64xf32, #tpu.memory_space<vmem_shared>> -> memref<128x64xf32, #tpu.memory_space<vmem_shared>>
      tpu.wait_dma2 semaphore(%run_scoped3A : memref<!tpu.dma_semaphore, #tpu.memory_space<semaphore_mem>>) src(%arg8 : memref<128x64xf32, #tpu.memory_space<vmem>>) dst(%dma_wait3A_45 : memref<128x64xf32, #tpu.memory_space<vmem_shared>>)
      tpu.yield
    }) : () -> ()
    %mul3A_20 = arith.constant 640 : i32
    %mul3A_21 = arith.muli %arg1, %mul3A_20 : i32
    %add3A_22 = arith.constant 384 : i32
    %add3A_23 = arith.addi %mul3A_21, %add3A_22 : i32
    "tpu.region"() ({
      %run_scoped3A = tpu.sem_alloc : memref<!tpu.dma_semaphore, #tpu.memory_space<semaphore_mem>>
      %dma_start3A = arith.constant 0 : i32
      %dma_start3A_40 = tpu.memref_slice %arg10[%add3A_23, %dma_start3A] : memref<10240x64xf32, #tpu.memory_space<vmem_shared>> -> memref<128x64xf32, #tpu.memory_space<vmem_shared>>
      %dma_start3A_41 = arith.constant 0 : i32
      %dma_start3A_42 = tpu.memref_slice %arg10[%add3A_23, %dma_start3A_41] : memref<10240x64xf32, #tpu.memory_space<vmem_shared>> -> memref<128x64xf32, #tpu.memory_space<vmem_shared>>
      tpu.enqueue_dma source(%arg8 : memref<128x64xf32, #tpu.memory_space<vmem>>) target(%dma_start3A_42 : memref<128x64xf32, #tpu.memory_space<vmem_shared>>) target_semaphore(%run_scoped3A : memref<!tpu.dma_semaphore, #tpu.memory_space<semaphore_mem>>)
      %dma_wait3A = arith.constant 0 : i32
      %dma_wait3A_43 = tpu.memref_slice %arg10[%add3A_23, %dma_wait3A] : memref<10240x64xf32, #tpu.memory_space<vmem_shared>> -> memref<128x64xf32, #tpu.memory_space<vmem_shared>>
      %dma_wait3A_44 = arith.constant 0 : i32
      %dma_wait3A_45 = tpu.memref_slice %arg10[%add3A_23, %dma_wait3A_44] : memref<10240x64xf32, #tpu.memory_space<vmem_shared>> -> memref<128x64xf32, #tpu.memory_space<vmem_shared>>
      tpu.wait_dma2 semaphore(%run_scoped3A : memref<!tpu.dma_semaphore, #tpu.memory_space<semaphore_mem>>) src(%arg8 : memref<128x64xf32, #tpu.memory_space<vmem>>) dst(%dma_wait3A_45 : memref<128x64xf32, #tpu.memory_space<vmem_shared>>)
      tpu.yield
    }) : () -> ()
    %mul3A_24 = arith.constant 640 : i32
    %mul3A_25 = arith.muli %arg1, %mul3A_24 : i32
    %add3A_26 = arith.constant 512 : i32
    %add3A_27 = arith.addi %mul3A_25, %add3A_26 : i32
    "tpu.region"() ({
      %run_scoped3A = tpu.sem_alloc : memref<!tpu.dma_semaphore, #tpu.memory_space<semaphore_mem>>
      %dma_start3A = arith.constant 0 : i32
      %dma_start3A_40 = tpu.memref_slice %arg10[%add3A_27, %dma_start3A] : memref<10240x64xf32, #tpu.memory_space<vmem_shared>> -> memref<128x64xf32, #tpu.memory_space<vmem_shared>>
      %dma_start3A_41 = arith.constant 0 : i32
      %dma_start3A_42 = tpu.memref_slice %arg10[%add3A_27, %dma_start3A_41] : memref<10240x64xf32, #tpu.memory_space<vmem_shared>> -> memref<128x64xf32, #tpu.memory_space<vmem_shared>>
      tpu.enqueue_dma source(%arg8 : memref<128x64xf32, #tpu.memory_space<vmem>>) target(%dma_start3A_42 : memref<128x64xf32, #tpu.memory_space<vmem_shared>>) target_semaphore(%run_scoped3A : memref<!tpu.dma_semaphore, #tpu.memory_space<semaphore_mem>>)
      %dma_wait3A = arith.constant 0 : i32
      %dma_wait3A_43 = tpu.memref_slice %arg10[%add3A_27, %dma_wait3A] : memref<10240x64xf32, #tpu.memory_space<vmem_shared>> -> memref<128x64xf32, #tpu.memory_space<vmem_shared>>
      %dma_wait3A_44 = arith.constant 0 : i32
      %dma_wait3A_45 = tpu.memref_slice %arg10[%add3A_27, %dma_wait3A_44] : memref<10240x64xf32, #tpu.memory_space<vmem_shared>> -> memref<128x64xf32, #tpu.memory_space<vmem_shared>>
      tpu.wait_dma2 semaphore(%run_scoped3A : memref<!tpu.dma_semaphore, #tpu.memory_space<semaphore_mem>>) src(%arg8 : memref<128x64xf32, #tpu.memory_space<vmem>>) dst(%dma_wait3A_45 : memref<128x64xf32, #tpu.memory_space<vmem_shared>>)
      tpu.yield
    }) : () -> ()
    %barrier3A = arith.constant 0 : index
    tpu.barrier barrier_id(%barrier3A)
    %eq3A = arith.constant 0 : i32
    %eq3A_28 = arith.cmpi eq, %arg0, %eq3A : i32
    %convert_element_type3A = arith.extui %eq3A_28 : i1 to i32
    %cond3A = arith.constant 0 : i32
    %cond3A_29 = arith.cmpi ne, %convert_element_type3A, %cond3A : i32
    scf.if %cond3A_29 {
      %mul3A_40 = arith.constant 80 : i32
      %mul3A_41 = arith.muli %arg1, %mul3A_40 : i32
      "tpu.region"() ({
        %run_scoped3A = tpu.sem_alloc : memref<!tpu.dma_semaphore, #tpu.memory_space<semaphore_mem>>
        %dma_start3A_61 = arith.constant 0 : i32
        %dma_start3A_62 = arith.constant 0 : i32
        %dma_start3A_63 = tpu.memref_slice %arg6[%dma_start3A_61, %dma_start3A_62] : memref<80x128xi32, #tpu.memory_space<vmem>> -> memref<80x128xi32, #tpu.memory_space<vmem>>
        %dma_start3A_64 = arith.constant 0 : i32
        %dma_start3A_65 = tpu.memref_slice %arg3[%mul3A_41, %dma_start3A_64] : memref<2560x128xi32, #tpu.memory_space<hbm>> -> memref<80x128xi32, #tpu.memory_space<hbm>>
        %dma_start3A_66 = arith.constant 0 : i32
        %dma_start3A_67 = arith.constant 0 : i32
        %dma_start3A_68 = tpu.memref_slice %arg6[%dma_start3A_66, %dma_start3A_67] : memref<80x128xi32, #tpu.memory_space<vmem>> -> memref<80x128xi32, #tpu.memory_space<vmem>>
        %dma_start3A_69 = arith.constant 0 : i32
        %dma_start3A_70 = tpu.memref_slice %arg3[%mul3A_41, %dma_start3A_69] : memref<2560x128xi32, #tpu.memory_space<hbm>> -> memref<80x128xi32, #tpu.memory_space<hbm>>
        tpu.enqueue_dma source(%dma_start3A_70 : memref<80x128xi32, #tpu.memory_space<hbm>>) target(%dma_start3A_68 : memref<80x128xi32, #tpu.memory_space<vmem>>) target_semaphore(%run_scoped3A : memref<!tpu.dma_semaphore, #tpu.memory_space<semaphore_mem>>)
        %dma_wait3A = arith.constant 0 : i32
        %dma_wait3A_71 = arith.constant 0 : i32
        %dma_wait3A_72 = tpu.memref_slice %arg6[%dma_wait3A, %dma_wait3A_71] : memref<80x128xi32, #tpu.memory_space<vmem>> -> memref<80x128xi32, #tpu.memory_space<vmem>>
        %dma_wait3A_73 = arith.constant 0 : i32
        %dma_wait3A_74 = tpu.memref_slice %arg3[%mul3A_41, %dma_wait3A_73] : memref<2560x128xi32, #tpu.memory_space<hbm>> -> memref<80x128xi32, #tpu.memory_space<hbm>>
        %dma_wait3A_75 = arith.constant 0 : i32
        %dma_wait3A_76 = arith.constant 0 : i32
        %dma_wait3A_77 = tpu.memref_slice %arg6[%dma_wait3A_75, %dma_wait3A_76] : memref<80x128xi32, #tpu.memory_space<vmem>> -> memref<80x128xi32, #tpu.memory_space<vmem>>
        %dma_wait3A_78 = arith.constant 0 : i32
        %dma_wait3A_79 = tpu.memref_slice %arg3[%mul3A_41, %dma_wait3A_78] : memref<2560x128xi32, #tpu.memory_space<hbm>> -> memref<80x128xi32, #tpu.memory_space<hbm>>
        tpu.wait_dma2 semaphore(%run_scoped3A : memref<!tpu.dma_semaphore, #tpu.memory_space<semaphore_mem>>) src(%dma_wait3A_79 : memref<80x128xi32, #tpu.memory_space<hbm>>) dst(%dma_wait3A_77 : memref<80x128xi32, #tpu.memory_space<vmem>>)
        tpu.yield
      }) : () -> ()
      "tpu.region"() ({
        %run_scoped3A = tpu.sem_alloc : memref<!tpu.dma_semaphore, #tpu.memory_space<semaphore_mem>>
        %dma_start3A_61 = arith.constant 0 : i32
        %dma_start3A_62 = arith.constant 0 : i32
        %dma_start3A_63 = tpu.memref_slice %arg7[%dma_start3A_61, %dma_start3A_62] : memref<80x128xi32, #tpu.memory_space<vmem>> -> memref<80x128xi32, #tpu.memory_space<vmem>>
        %dma_start3A_64 = arith.constant 0 : i32
        %dma_start3A_65 = tpu.memref_slice %arg4[%mul3A_41, %dma_start3A_64] : memref<2560x128xi32, #tpu.memory_space<hbm>> -> memref<80x128xi32, #tpu.memory_space<hbm>>
        %dma_start3A_66 = arith.constant 0 : i32
        %dma_start3A_67 = arith.constant 0 : i32
        %dma_start3A_68 = tpu.memref_slice %arg7[%dma_start3A_66, %dma_start3A_67] : memref<80x128xi32, #tpu.memory_space<vmem>> -> memref<80x128xi32, #tpu.memory_space<vmem>>
        %dma_start3A_69 = arith.constant 0 : i32
        %dma_start3A_70 = tpu.memref_slice %arg4[%mul3A_41, %dma_start3A_69] : memref<2560x128xi32, #tpu.memory_space<hbm>> -> memref<80x128xi32, #tpu.memory_space<hbm>>
        tpu.enqueue_dma source(%dma_start3A_70 : memref<80x128xi32, #tpu.memory_space<hbm>>) target(%dma_start3A_68 : memref<80x128xi32, #tpu.memory_space<vmem>>) target_semaphore(%run_scoped3A : memref<!tpu.dma_semaphore, #tpu.memory_space<semaphore_mem>>)
        %dma_wait3A = arith.constant 0 : i32
        %dma_wait3A_71 = arith.constant 0 : i32
        %dma_wait3A_72 = tpu.memref_slice %arg7[%dma_wait3A, %dma_wait3A_71] : memref<80x128xi32, #tpu.memory_space<vmem>> -> memref<80x128xi32, #tpu.memory_space<vmem>>
        %dma_wait3A_73 = arith.constant 0 : i32
        %dma_wait3A_74 = tpu.memref_slice %arg4[%mul3A_41, %dma_wait3A_73] : memref<2560x128xi32, #tpu.memory_space<hbm>> -> memref<80x128xi32, #tpu.memory_space<hbm>>
        %dma_wait3A_75 = arith.constant 0 : i32
        %dma_wait3A_76 = arith.constant 0 : i32
        %dma_wait3A_77 = tpu.memref_slice %arg7[%dma_wait3A_75, %dma_wait3A_76] : memref<80x128xi32, #tpu.memory_space<vmem>> -> memref<80x128xi32, #tpu.memory_space<vmem>>
        %dma_wait3A_78 = arith.constant 0 : i32
        %dma_wait3A_79 = tpu.memref_slice %arg4[%mul3A_41, %dma_wait3A_78] : memref<2560x128xi32, #tpu.memory_space<hbm>> -> memref<80x128xi32, #tpu.memory_space<hbm>>
        tpu.wait_dma2 semaphore(%run_scoped3A : memref<!tpu.dma_semaphore, #tpu.memory_space<semaphore_mem>>) src(%dma_wait3A_79 : memref<80x128xi32, #tpu.memory_space<hbm>>) dst(%dma_wait3A_77 : memref<80x128xi32, #tpu.memory_space<vmem>>)
        tpu.yield
      }) : () -> ()
      %dma_start3A = arith.constant 0 : i32
      %dma_start3A_42 = arith.constant 0 : i32
      %dma_start3A_43 = tpu.memref_slice %arg6[%dma_start3A, %dma_start3A_42] : memref<80x128xi32, #tpu.memory_space<vmem>> -> memref<1x128xi32, #tpu.memory_space<vmem>>
      %dma_start3A_44 = tpu.memref_squeeze %dma_start3A_43 : memref<1x128xi32, #tpu.memory_space<vmem>> -> memref<128xi32, #tpu.memory_space<vmem>>
      %dma_start3A_45 = arith.constant 0 : i32
      %dma_start3A_46 = arith.constant 0 : i32
      %dma_start3A_47 = tpu.memref_slice %arg11[%dma_start3A_45, %dma_start3A_46] : memref<10240x64xf32, #tpu.memory_space<vmem_shared>> -> memref<10240x64xf32, #tpu.memory_space<vmem_shared>>
      tpu.enqueue_indirect_dma source(%dma_start3A_47 : memref<10240x64xf32, #tpu.memory_space<vmem_shared>>) target(%arg8 : memref<128x64xf32, #tpu.memory_space<vmem>>) offsets(%dma_start3A_44 : memref<128xi32, #tpu.memory_space<vmem>>) semaphore(%arg12 : memref<!tpu.dma_semaphore, #tpu.memory_space<semaphore_mem>>)
      %dma_start3A_48 = arith.constant 1 : i32
      %dma_start3A_49 = arith.constant 0 : i32
      %dma_start3A_50 = tpu.memref_slice %arg6[%dma_start3A_48, %dma_start3A_49] : memref<80x128xi32, #tpu.memory_space<vmem>> -> memref<1x128xi32, #tpu.memory_space<vmem>>
      %dma_start3A_51 = tpu.memref_squeeze %dma_start3A_50 : memref<1x128xi32, #tpu.memory_space<vmem>> -> memref<128xi32, #tpu.memory_space<vmem>>
      %dma_start3A_52 = arith.constant 0 : i32
      %dma_start3A_53 = arith.constant 0 : i32
      %dma_start3A_54 = tpu.memref_slice %arg11[%dma_start3A_52, %dma_start3A_53] : memref<10240x64xf32, #tpu.memory_space<vmem_shared>> -> memref<10240x64xf32, #tpu.memory_space<vmem_shared>>
      tpu.enqueue_indirect_dma source(%dma_start3A_54 : memref<10240x64xf32, #tpu.memory_space<vmem_shared>>) target(%arg9 : memref<128x64xf32, #tpu.memory_space<vmem>>) offsets(%dma_start3A_51 : memref<128xi32, #tpu.memory_space<vmem>>) semaphore(%arg13 : memref<!tpu.dma_semaphore, #tpu.memory_space<semaphore_mem>>)
      %scan3A_55 = arith.constant 0 : i32
      %scan3A_56 = arith.constant 0 : i32
      %scan3A_57 = arith.constant 40 : i32
      %scan3A_58 = arith.addi %scan3A_56, %scan3A_57 : i32
      %scan3A_59 = arith.constant 1 : i32
      scf.for %scan3A_61 = %scan3A_56 to %scan3A_58 step %scan3A_59  : i32 {
        %mul3A_62 = arith.constant 2 : i32
        %mul3A_63 = arith.muli %scan3A_61, %mul3A_62 : i32
        %add3A_64 = arith.constant 0 : i32
        %add3A_65 = arith.addi %mul3A_63, %add3A_64 : i32
        %dma_wait3A = arith.constant 0 : i32
        %dma_wait3A_66 = tpu.memref_slice %arg6[%add3A_65, %dma_wait3A] : memref<80x128xi32, #tpu.memory_space<vmem>> -> memref<1x128xi32, #tpu.memory_space<vmem>>
        %dma_wait3A_67 = tpu.memref_squeeze %dma_wait3A_66 : memref<1x128xi32, #tpu.memory_space<vmem>> -> memref<128xi32, #tpu.memory_space<vmem>>
        %dma_wait3A_68 = arith.constant 0 : i32
        %dma_wait3A_69 = arith.constant 0 : i32
        %dma_wait3A_70 = tpu.memref_slice %arg11[%dma_wait3A_68, %dma_wait3A_69] : memref<10240x64xf32, #tpu.memory_space<vmem_shared>> -> memref<10240x64xf32, #tpu.memory_space<vmem_shared>>
        tpu.wait_indirect_dma semaphore(%arg12 : memref<!tpu.dma_semaphore, #tpu.memory_space<semaphore_mem>>) src(%dma_wait3A_70 : memref<10240x64xf32, #tpu.memory_space<vmem_shared>>) dst(%arg8 : memref<128x64xf32, #tpu.memory_space<vmem>>)
        "tpu.region"() ({
          %run_scoped3A = tpu.sem_alloc : memref<!tpu.dma_semaphore, #tpu.memory_space<semaphore_mem>>
          %dma_start3A_94 = arith.constant 0 : i32
          %dma_start3A_95 = tpu.memref_slice %arg7[%add3A_65, %dma_start3A_94] : memref<80x128xi32, #tpu.memory_space<vmem>> -> memref<1x128xi32, #tpu.memory_space<vmem>>
          %dma_start3A_96 = tpu.memref_squeeze %dma_start3A_95 : memref<1x128xi32, #tpu.memory_space<vmem>> -> memref<128xi32, #tpu.memory_space<vmem>>
          %dma_start3A_97 = arith.constant 0 : i32
          %dma_start3A_98 = arith.constant 0 : i32
          %dma_start3A_99 = tpu.memref_slice %arg10[%dma_start3A_97, %dma_start3A_98] : memref<10240x64xf32, #tpu.memory_space<vmem_shared>> -> memref<10240x64xf32, #tpu.memory_space<vmem_shared>>
          tpu.enqueue_indirect_dma source(%arg8 : memref<128x64xf32, #tpu.memory_space<vmem>>) target(%dma_start3A_99 : memref<10240x64xf32, #tpu.memory_space<vmem_shared>>) offsets(%dma_start3A_96 : memref<128xi32, #tpu.memory_space<vmem>>) semaphore(%run_scoped3A : memref<!tpu.dma_semaphore, #tpu.memory_space<semaphore_mem>>) {add = true}
          %dma_wait3A_100 = arith.constant 0 : i32
          %dma_wait3A_101 = tpu.memref_slice %arg7[%add3A_65, %dma_wait3A_100] : memref<80x128xi32, #tpu.memory_space<vmem>> -> memref<1x128xi32, #tpu.memory_space<vmem>>
          %dma_wait3A_102 = tpu.memref_squeeze %dma_wait3A_101 : memref<1x128xi32, #tpu.memory_space<vmem>> -> memref<128xi32, #tpu.memory_space<vmem>>
          %dma_wait3A_103 = arith.constant 0 : i32
          %dma_wait3A_104 = arith.constant 0 : i32
          %dma_wait3A_105 = tpu.memref_slice %arg10[%dma_wait3A_103, %dma_wait3A_104] : memref<10240x64xf32, #tpu.memory_space<vmem_shared>> -> memref<10240x64xf32, #tpu.memory_space<vmem_shared>>
          tpu.wait_indirect_dma semaphore(%run_scoped3A : memref<!tpu.dma_semaphore, #tpu.memory_space<semaphore_mem>>) src(%arg8 : memref<128x64xf32, #tpu.memory_space<vmem>>) dst(%dma_wait3A_105 : memref<10240x64xf32, #tpu.memory_space<vmem_shared>>)
          tpu.yield
        }) : () -> ()
        %add3A_71 = arith.constant 2 : i32
        %add3A_72 = arith.addi %add3A_65, %add3A_71 : i32
        %lt3A = arith.constant 80 : i32
        %lt3A_73 = arith.cmpi slt, %add3A_72, %lt3A : i32
        %convert_element_type3A_74 = arith.extui %lt3A_73 : i1 to i32
        %cond3A_75 = arith.constant 0 : i32
        %cond3A_76 = arith.cmpi ne, %convert_element_type3A_74, %cond3A_75 : i32
        scf.if %cond3A_76 {
          %add3A_94 = arith.constant 2 : i32
          %add3A_95 = arith.addi %add3A_65, %add3A_94 : i32
          %dma_start3A_96 = arith.constant 0 : i32
          %dma_start3A_97 = tpu.memref_slice %arg6[%add3A_95, %dma_start3A_96] : memref<80x128xi32, #tpu.memory_space<vmem>> -> memref<1x128xi32, #tpu.memory_space<vmem>>
          %dma_start3A_98 = tpu.memref_squeeze %dma_start3A_97 : memref<1x128xi32, #tpu.memory_space<vmem>> -> memref<128xi32, #tpu.memory_space<vmem>>
          %dma_start3A_99 = arith.constant 0 : i32
          %dma_start3A_100 = arith.constant 0 : i32
          %dma_start3A_101 = tpu.memref_slice %arg11[%dma_start3A_99, %dma_start3A_100] : memref<10240x64xf32, #tpu.memory_space<vmem_shared>> -> memref<10240x64xf32, #tpu.memory_space<vmem_shared>>
          tpu.enqueue_indirect_dma source(%dma_start3A_101 : memref<10240x64xf32, #tpu.memory_space<vmem_shared>>) target(%arg8 : memref<128x64xf32, #tpu.memory_space<vmem>>) offsets(%dma_start3A_98 : memref<128xi32, #tpu.memory_space<vmem>>) semaphore(%arg12 : memref<!tpu.dma_semaphore, #tpu.memory_space<semaphore_mem>>)
        } else {
        }
        %mul3A_77 = arith.constant 2 : i32
        %mul3A_78 = arith.muli %scan3A_61, %mul3A_77 : i32
        %add3A_79 = arith.constant 1 : i32
        %add3A_80 = arith.addi %mul3A_78, %add3A_79 : i32
        %dma_wait3A_81 = arith.constant 0 : i32
        %dma_wait3A_82 = tpu.memref_slice %arg6[%add3A_80, %dma_wait3A_81] : memref<80x128xi32, #tpu.memory_space<vmem>> -> memref<1x128xi32, #tpu.memory_space<vmem>>
        %dma_wait3A_83 = tpu.memref_squeeze %dma_wait3A_82 : memref<1x128xi32, #tpu.memory_space<vmem>> -> memref<128xi32, #tpu.memory_space<vmem>>
        %dma_wait3A_84 = arith.constant 0 : i32
        %dma_wait3A_85 = arith.constant 0 : i32
        %dma_wait3A_86 = tpu.memref_slice %arg11[%dma_wait3A_84, %dma_wait3A_85] : memref<10240x64xf32, #tpu.memory_space<vmem_shared>> -> memref<10240x64xf32, #tpu.memory_space<vmem_shared>>
        tpu.wait_indirect_dma semaphore(%arg13 : memref<!tpu.dma_semaphore, #tpu.memory_space<semaphore_mem>>) src(%dma_wait3A_86 : memref<10240x64xf32, #tpu.memory_space<vmem_shared>>) dst(%arg9 : memref<128x64xf32, #tpu.memory_space<vmem>>)
        "tpu.region"() ({
          %run_scoped3A = tpu.sem_alloc : memref<!tpu.dma_semaphore, #tpu.memory_space<semaphore_mem>>
          %dma_start3A_94 = arith.constant 0 : i32
          %dma_start3A_95 = tpu.memref_slice %arg7[%add3A_80, %dma_start3A_94] : memref<80x128xi32, #tpu.memory_space<vmem>> -> memref<1x128xi32, #tpu.memory_space<vmem>>
          %dma_start3A_96 = tpu.memref_squeeze %dma_start3A_95 : memref<1x128xi32, #tpu.memory_space<vmem>> -> memref<128xi32, #tpu.memory_space<vmem>>
          %dma_start3A_97 = arith.constant 0 : i32
          %dma_start3A_98 = arith.constant 0 : i32
          %dma_start3A_99 = tpu.memref_slice %arg10[%dma_start3A_97, %dma_start3A_98] : memref<10240x64xf32, #tpu.memory_space<vmem_shared>> -> memref<10240x64xf32, #tpu.memory_space<vmem_shared>>
          tpu.enqueue_indirect_dma source(%arg9 : memref<128x64xf32, #tpu.memory_space<vmem>>) target(%dma_start3A_99 : memref<10240x64xf32, #tpu.memory_space<vmem_shared>>) offsets(%dma_start3A_96 : memref<128xi32, #tpu.memory_space<vmem>>) semaphore(%run_scoped3A : memref<!tpu.dma_semaphore, #tpu.memory_space<semaphore_mem>>) {add = true}
          %dma_wait3A_100 = arith.constant 0 : i32
          %dma_wait3A_101 = tpu.memref_slice %arg7[%add3A_80, %dma_wait3A_100] : memref<80x128xi32, #tpu.memory_space<vmem>> -> memref<1x128xi32, #tpu.memory_space<vmem>>
          %dma_wait3A_102 = tpu.memref_squeeze %dma_wait3A_101 : memref<1x128xi32, #tpu.memory_space<vmem>> -> memref<128xi32, #tpu.memory_space<vmem>>
          %dma_wait3A_103 = arith.constant 0 : i32
          %dma_wait3A_104 = arith.constant 0 : i32
          %dma_wait3A_105 = tpu.memref_slice %arg10[%dma_wait3A_103, %dma_wait3A_104] : memref<10240x64xf32, #tpu.memory_space<vmem_shared>> -> memref<10240x64xf32, #tpu.memory_space<vmem_shared>>
          tpu.wait_indirect_dma semaphore(%run_scoped3A : memref<!tpu.dma_semaphore, #tpu.memory_space<semaphore_mem>>) src(%arg9 : memref<128x64xf32, #tpu.memory_space<vmem>>) dst(%dma_wait3A_105 : memref<10240x64xf32, #tpu.memory_space<vmem_shared>>)
          tpu.yield
        }) : () -> ()
        %add3A_87 = arith.constant 2 : i32
        %add3A_88 = arith.addi %add3A_80, %add3A_87 : i32
        %lt3A_89 = arith.constant 80 : i32
        %lt3A_90 = arith.cmpi slt, %add3A_88, %lt3A_89 : i32
        %convert_element_type3A_91 = arith.extui %lt3A_90 : i1 to i32
        %cond3A_92 = arith.constant 0 : i32
        %cond3A_93 = arith.cmpi ne, %convert_element_type3A_91, %cond3A_92 : i32
        scf.if %cond3A_93 {
          %add3A_94 = arith.constant 2 : i32
          %add3A_95 = arith.addi %add3A_80, %add3A_94 : i32
          %dma_start3A_96 = arith.constant 0 : i32
          %dma_start3A_97 = tpu.memref_slice %arg6[%add3A_95, %dma_start3A_96] : memref<80x128xi32, #tpu.memory_space<vmem>> -> memref<1x128xi32, #tpu.memory_space<vmem>>
          %dma_start3A_98 = tpu.memref_squeeze %dma_start3A_97 : memref<1x128xi32, #tpu.memory_space<vmem>> -> memref<128xi32, #tpu.memory_space<vmem>>
          %dma_start3A_99 = arith.constant 0 : i32
          %dma_start3A_100 = arith.constant 0 : i32
          %dma_start3A_101 = tpu.memref_slice %arg11[%dma_start3A_99, %dma_start3A_100] : memref<10240x64xf32, #tpu.memory_space<vmem_shared>> -> memref<10240x64xf32, #tpu.memory_space<vmem_shared>>
          tpu.enqueue_indirect_dma source(%dma_start3A_101 : memref<10240x64xf32, #tpu.memory_space<vmem_shared>>) target(%arg9 : memref<128x64xf32, #tpu.memory_space<vmem>>) offsets(%dma_start3A_98 : memref<128xi32, #tpu.memory_space<vmem>>) semaphore(%arg13 : memref<!tpu.dma_semaphore, #tpu.memory_space<semaphore_mem>>)
        } else {
        }
      }
      %scan3A_60 = arith.constant 40 : i32
    } else {
    }
    %eq3A_30 = arith.constant 1 : i32
    %eq3A_31 = arith.cmpi eq, %arg0, %eq3A_30 : i32
    %convert_element_type3A_32 = arith.extui %eq3A_31 : i1 to i32
    %cond3A_33 = arith.constant 0 : i32
    %cond3A_34 = arith.cmpi ne, %convert_element_type3A_32, %cond3A_33 : i32
    scf.if %cond3A_34 {
      %mul3A_40 = arith.constant 80 : i32
      %mul3A_41 = arith.muli %arg1, %mul3A_40 : i32
      %add3A_42 = arith.constant 1280 : i32
      %add3A_43 = arith.addi %add3A_42, %mul3A_41 : i32
      "tpu.region"() ({
        %run_scoped3A = tpu.sem_alloc : memref<!tpu.dma_semaphore, #tpu.memory_space<semaphore_mem>>
        %dma_start3A_63 = arith.constant 0 : i32
        %dma_start3A_64 = arith.constant 0 : i32
        %dma_start3A_65 = tpu.memref_slice %arg6[%dma_start3A_63, %dma_start3A_64] : memref<80x128xi32, #tpu.memory_space<vmem>> -> memref<80x128xi32, #tpu.memory_space<vmem>>
        %dma_start3A_66 = arith.constant 0 : i32
        %dma_start3A_67 = tpu.memref_slice %arg3[%add3A_43, %dma_start3A_66] : memref<2560x128xi32, #tpu.memory_space<hbm>> -> memref<80x128xi32, #tpu.memory_space<hbm>>
        %dma_start3A_68 = arith.constant 0 : i32
        %dma_start3A_69 = arith.constant 0 : i32
        %dma_start3A_70 = tpu.memref_slice %arg6[%dma_start3A_68, %dma_start3A_69] : memref<80x128xi32, #tpu.memory_space<vmem>> -> memref<80x128xi32, #tpu.memory_space<vmem>>
        %dma_start3A_71 = arith.constant 0 : i32
        %dma_start3A_72 = tpu.memref_slice %arg3[%add3A_43, %dma_start3A_71] : memref<2560x128xi32, #tpu.memory_space<hbm>> -> memref<80x128xi32, #tpu.memory_space<hbm>>
        tpu.enqueue_dma source(%dma_start3A_72 : memref<80x128xi32, #tpu.memory_space<hbm>>) target(%dma_start3A_70 : memref<80x128xi32, #tpu.memory_space<vmem>>) target_semaphore(%run_scoped3A : memref<!tpu.dma_semaphore, #tpu.memory_space<semaphore_mem>>)
        %dma_wait3A = arith.constant 0 : i32
        %dma_wait3A_73 = arith.constant 0 : i32
        %dma_wait3A_74 = tpu.memref_slice %arg6[%dma_wait3A, %dma_wait3A_73] : memref<80x128xi32, #tpu.memory_space<vmem>> -> memref<80x128xi32, #tpu.memory_space<vmem>>
        %dma_wait3A_75 = arith.constant 0 : i32
        %dma_wait3A_76 = tpu.memref_slice %arg3[%add3A_43, %dma_wait3A_75] : memref<2560x128xi32, #tpu.memory_space<hbm>> -> memref<80x128xi32, #tpu.memory_space<hbm>>
        %dma_wait3A_77 = arith.constant 0 : i32
        %dma_wait3A_78 = arith.constant 0 : i32
        %dma_wait3A_79 = tpu.memref_slice %arg6[%dma_wait3A_77, %dma_wait3A_78] : memref<80x128xi32, #tpu.memory_space<vmem>> -> memref<80x128xi32, #tpu.memory_space<vmem>>
        %dma_wait3A_80 = arith.constant 0 : i32
        %dma_wait3A_81 = tpu.memref_slice %arg3[%add3A_43, %dma_wait3A_80] : memref<2560x128xi32, #tpu.memory_space<hbm>> -> memref<80x128xi32, #tpu.memory_space<hbm>>
        tpu.wait_dma2 semaphore(%run_scoped3A : memref<!tpu.dma_semaphore, #tpu.memory_space<semaphore_mem>>) src(%dma_wait3A_81 : memref<80x128xi32, #tpu.memory_space<hbm>>) dst(%dma_wait3A_79 : memref<80x128xi32, #tpu.memory_space<vmem>>)
        tpu.yield
      }) : () -> ()
      "tpu.region"() ({
        %run_scoped3A = tpu.sem_alloc : memref<!tpu.dma_semaphore, #tpu.memory_space<semaphore_mem>>
        %dma_start3A_63 = arith.constant 0 : i32
        %dma_start3A_64 = arith.constant 0 : i32
        %dma_start3A_65 = tpu.memref_slice %arg7[%dma_start3A_63, %dma_start3A_64] : memref<80x128xi32, #tpu.memory_space<vmem>> -> memref<80x128xi32, #tpu.memory_space<vmem>>
        %dma_start3A_66 = arith.constant 0 : i32
        %dma_start3A_67 = tpu.memref_slice %arg4[%add3A_43, %dma_start3A_66] : memref<2560x128xi32, #tpu.memory_space<hbm>> -> memref<80x128xi32, #tpu.memory_space<hbm>>
        %dma_start3A_68 = arith.constant 0 : i32
        %dma_start3A_69 = arith.constant 0 : i32
        %dma_start3A_70 = tpu.memref_slice %arg7[%dma_start3A_68, %dma_start3A_69] : memref<80x128xi32, #tpu.memory_space<vmem>> -> memref<80x128xi32, #tpu.memory_space<vmem>>
        %dma_start3A_71 = arith.constant 0 : i32
        %dma_start3A_72 = tpu.memref_slice %arg4[%add3A_43, %dma_start3A_71] : memref<2560x128xi32, #tpu.memory_space<hbm>> -> memref<80x128xi32, #tpu.memory_space<hbm>>
        tpu.enqueue_dma source(%dma_start3A_72 : memref<80x128xi32, #tpu.memory_space<hbm>>) target(%dma_start3A_70 : memref<80x128xi32, #tpu.memory_space<vmem>>) target_semaphore(%run_scoped3A : memref<!tpu.dma_semaphore, #tpu.memory_space<semaphore_mem>>)
        %dma_wait3A = arith.constant 0 : i32
        %dma_wait3A_73 = arith.constant 0 : i32
        %dma_wait3A_74 = tpu.memref_slice %arg7[%dma_wait3A, %dma_wait3A_73] : memref<80x128xi32, #tpu.memory_space<vmem>> -> memref<80x128xi32, #tpu.memory_space<vmem>>
        %dma_wait3A_75 = arith.constant 0 : i32
        %dma_wait3A_76 = tpu.memref_slice %arg4[%add3A_43, %dma_wait3A_75] : memref<2560x128xi32, #tpu.memory_space<hbm>> -> memref<80x128xi32, #tpu.memory_space<hbm>>
        %dma_wait3A_77 = arith.constant 0 : i32
        %dma_wait3A_78 = arith.constant 0 : i32
        %dma_wait3A_79 = tpu.memref_slice %arg7[%dma_wait3A_77, %dma_wait3A_78] : memref<80x128xi32, #tpu.memory_space<vmem>> -> memref<80x128xi32, #tpu.memory_space<vmem>>
        %dma_wait3A_80 = arith.constant 0 : i32
        %dma_wait3A_81 = tpu.memref_slice %arg4[%add3A_43, %dma_wait3A_80] : memref<2560x128xi32, #tpu.memory_space<hbm>> -> memref<80x128xi32, #tpu.memory_space<hbm>>
        tpu.wait_dma2 semaphore(%run_scoped3A : memref<!tpu.dma_semaphore, #tpu.memory_space<semaphore_mem>>) src(%dma_wait3A_81 : memref<80x128xi32, #tpu.memory_space<hbm>>) dst(%dma_wait3A_79 : memref<80x128xi32, #tpu.memory_space<vmem>>)
        tpu.yield
      }) : () -> ()
      %dma_start3A = arith.constant 0 : i32
      %dma_start3A_44 = arith.constant 0 : i32
      %dma_start3A_45 = tpu.memref_slice %arg6[%dma_start3A, %dma_start3A_44] : memref<80x128xi32, #tpu.memory_space<vmem>> -> memref<1x128xi32, #tpu.memory_space<vmem>>
      %dma_start3A_46 = tpu.memref_squeeze %dma_start3A_45 : memref<1x128xi32, #tpu.memory_space<vmem>> -> memref<128xi32, #tpu.memory_space<vmem>>
      %dma_start3A_47 = arith.constant 0 : i32
      %dma_start3A_48 = arith.constant 0 : i32
      %dma_start3A_49 = tpu.memref_slice %arg11[%dma_start3A_47, %dma_start3A_48] : memref<10240x64xf32, #tpu.memory_space<vmem_shared>> -> memref<10240x64xf32, #tpu.memory_space<vmem_shared>>
      tpu.enqueue_indirect_dma source(%dma_start3A_49 : memref<10240x64xf32, #tpu.memory_space<vmem_shared>>) target(%arg8 : memref<128x64xf32, #tpu.memory_space<vmem>>) offsets(%dma_start3A_46 : memref<128xi32, #tpu.memory_space<vmem>>) semaphore(%arg12 : memref<!tpu.dma_semaphore, #tpu.memory_space<semaphore_mem>>)
      %dma_start3A_50 = arith.constant 1 : i32
      %dma_start3A_51 = arith.constant 0 : i32
      %dma_start3A_52 = tpu.memref_slice %arg6[%dma_start3A_50, %dma_start3A_51] : memref<80x128xi32, #tpu.memory_space<vmem>> -> memref<1x128xi32, #tpu.memory_space<vmem>>
      %dma_start3A_53 = tpu.memref_squeeze %dma_start3A_52 : memref<1x128xi32, #tpu.memory_space<vmem>> -> memref<128xi32, #tpu.memory_space<vmem>>
      %dma_start3A_54 = arith.constant 0 : i32
      %dma_start3A_55 = arith.constant 0 : i32
      %dma_start3A_56 = tpu.memref_slice %arg11[%dma_start3A_54, %dma_start3A_55] : memref<10240x64xf32, #tpu.memory_space<vmem_shared>> -> memref<10240x64xf32, #tpu.memory_space<vmem_shared>>
      tpu.enqueue_indirect_dma source(%dma_start3A_56 : memref<10240x64xf32, #tpu.memory_space<vmem_shared>>) target(%arg9 : memref<128x64xf32, #tpu.memory_space<vmem>>) offsets(%dma_start3A_53 : memref<128xi32, #tpu.memory_space<vmem>>) semaphore(%arg13 : memref<!tpu.dma_semaphore, #tpu.memory_space<semaphore_mem>>)
      %scan3A_57 = arith.constant 0 : i32
      %scan3A_58 = arith.constant 0 : i32
      %scan3A_59 = arith.constant 40 : i32
      %scan3A_60 = arith.addi %scan3A_58, %scan3A_59 : i32
      %scan3A_61 = arith.constant 1 : i32
      scf.for %scan3A_63 = %scan3A_58 to %scan3A_60 step %scan3A_61  : i32 {
        %mul3A_64 = arith.constant 2 : i32
        %mul3A_65 = arith.muli %scan3A_63, %mul3A_64 : i32
        %add3A_66 = arith.constant 0 : i32
        %add3A_67 = arith.addi %mul3A_65, %add3A_66 : i32
        %dma_wait3A = arith.constant 0 : i32
        %dma_wait3A_68 = tpu.memref_slice %arg6[%add3A_67, %dma_wait3A] : memref<80x128xi32, #tpu.memory_space<vmem>> -> memref<1x128xi32, #tpu.memory_space<vmem>>
        %dma_wait3A_69 = tpu.memref_squeeze %dma_wait3A_68 : memref<1x128xi32, #tpu.memory_space<vmem>> -> memref<128xi32, #tpu.memory_space<vmem>>
        %dma_wait3A_70 = arith.constant 0 : i32
        %dma_wait3A_71 = arith.constant 0 : i32
        %dma_wait3A_72 = tpu.memref_slice %arg11[%dma_wait3A_70, %dma_wait3A_71] : memref<10240x64xf32, #tpu.memory_space<vmem_shared>> -> memref<10240x64xf32, #tpu.memory_space<vmem_shared>>
        tpu.wait_indirect_dma semaphore(%arg12 : memref<!tpu.dma_semaphore, #tpu.memory_space<semaphore_mem>>) src(%dma_wait3A_72 : memref<10240x64xf32, #tpu.memory_space<vmem_shared>>) dst(%arg8 : memref<128x64xf32, #tpu.memory_space<vmem>>)
        "tpu.region"() ({
          %run_scoped3A = tpu.sem_alloc : memref<!tpu.dma_semaphore, #tpu.memory_space<semaphore_mem>>
          %dma_start3A_96 = arith.constant 0 : i32
          %dma_start3A_97 = tpu.memref_slice %arg7[%add3A_67, %dma_start3A_96] : memref<80x128xi32, #tpu.memory_space<vmem>> -> memref<1x128xi32, #tpu.memory_space<vmem>>
          %dma_start3A_98 = tpu.memref_squeeze %dma_start3A_97 : memref<1x128xi32, #tpu.memory_space<vmem>> -> memref<128xi32, #tpu.memory_space<vmem>>
          %dma_start3A_99 = arith.constant 0 : i32
          %dma_start3A_100 = arith.constant 0 : i32
          %dma_start3A_101 = tpu.memref_slice %arg10[%dma_start3A_99, %dma_start3A_100] : memref<10240x64xf32, #tpu.memory_space<vmem_shared>> -> memref<10240x64xf32, #tpu.memory_space<vmem_shared>>
          tpu.enqueue_indirect_dma source(%arg8 : memref<128x64xf32, #tpu.memory_space<vmem>>) target(%dma_start3A_101 : memref<10240x64xf32, #tpu.memory_space<vmem_shared>>) offsets(%dma_start3A_98 : memref<128xi32, #tpu.memory_space<vmem>>) semaphore(%run_scoped3A : memref<!tpu.dma_semaphore, #tpu.memory_space<semaphore_mem>>) {add = true}
          %dma_wait3A_102 = arith.constant 0 : i32
          %dma_wait3A_103 = tpu.memref_slice %arg7[%add3A_67, %dma_wait3A_102] : memref<80x128xi32, #tpu.memory_space<vmem>> -> memref<1x128xi32, #tpu.memory_space<vmem>>
          %dma_wait3A_104 = tpu.memref_squeeze %dma_wait3A_103 : memref<1x128xi32, #tpu.memory_space<vmem>> -> memref<128xi32, #tpu.memory_space<vmem>>
          %dma_wait3A_105 = arith.constant 0 : i32
          %dma_wait3A_106 = arith.constant 0 : i32
          %dma_wait3A_107 = tpu.memref_slice %arg10[%dma_wait3A_105, %dma_wait3A_106] : memref<10240x64xf32, #tpu.memory_space<vmem_shared>> -> memref<10240x64xf32, #tpu.memory_space<vmem_shared>>
          tpu.wait_indirect_dma semaphore(%run_scoped3A : memref<!tpu.dma_semaphore, #tpu.memory_space<semaphore_mem>>) src(%arg8 : memref<128x64xf32, #tpu.memory_space<vmem>>) dst(%dma_wait3A_107 : memref<10240x64xf32, #tpu.memory_space<vmem_shared>>)
          tpu.yield
        }) : () -> ()
        %add3A_73 = arith.constant 2 : i32
        %add3A_74 = arith.addi %add3A_67, %add3A_73 : i32
        %lt3A = arith.constant 80 : i32
        %lt3A_75 = arith.cmpi slt, %add3A_74, %lt3A : i32
        %convert_element_type3A_76 = arith.extui %lt3A_75 : i1 to i32
        %cond3A_77 = arith.constant 0 : i32
        %cond3A_78 = arith.cmpi ne, %convert_element_type3A_76, %cond3A_77 : i32
        scf.if %cond3A_78 {
          %add3A_96 = arith.constant 2 : i32
          %add3A_97 = arith.addi %add3A_67, %add3A_96 : i32
          %dma_start3A_98 = arith.constant 0 : i32
          %dma_start3A_99 = tpu.memref_slice %arg6[%add3A_97, %dma_start3A_98] : memref<80x128xi32, #tpu.memory_space<vmem>> -> memref<1x128xi32, #tpu.memory_space<vmem>>
          %dma_start3A_100 = tpu.memref_squeeze %dma_start3A_99 : memref<1x128xi32, #tpu.memory_space<vmem>> -> memref<128xi32, #tpu.memory_space<vmem>>
          %dma_start3A_101 = arith.constant 0 : i32
          %dma_start3A_102 = arith.constant 0 : i32
          %dma_start3A_103 = tpu.memref_slice %arg11[%dma_start3A_101, %dma_start3A_102] : memref<10240x64xf32, #tpu.memory_space<vmem_shared>> -> memref<10240x64xf32, #tpu.memory_space<vmem_shared>>
          tpu.enqueue_indirect_dma source(%dma_start3A_103 : memref<10240x64xf32, #tpu.memory_space<vmem_shared>>) target(%arg8 : memref<128x64xf32, #tpu.memory_space<vmem>>) offsets(%dma_start3A_100 : memref<128xi32, #tpu.memory_space<vmem>>) semaphore(%arg12 : memref<!tpu.dma_semaphore, #tpu.memory_space<semaphore_mem>>)
        } else {
        }
        %mul3A_79 = arith.constant 2 : i32
        %mul3A_80 = arith.muli %scan3A_63, %mul3A_79 : i32
        %add3A_81 = arith.constant 1 : i32
        %add3A_82 = arith.addi %mul3A_80, %add3A_81 : i32
        %dma_wait3A_83 = arith.constant 0 : i32
        %dma_wait3A_84 = tpu.memref_slice %arg6[%add3A_82, %dma_wait3A_83] : memref<80x128xi32, #tpu.memory_space<vmem>> -> memref<1x128xi32, #tpu.memory_space<vmem>>
        %dma_wait3A_85 = tpu.memref_squeeze %dma_wait3A_84 : memref<1x128xi32, #tpu.memory_space<vmem>> -> memref<128xi32, #tpu.memory_space<vmem>>
        %dma_wait3A_86 = arith.constant 0 : i32
        %dma_wait3A_87 = arith.constant 0 : i32
        %dma_wait3A_88 = tpu.memref_slice %arg11[%dma_wait3A_86, %dma_wait3A_87] : memref<10240x64xf32, #tpu.memory_space<vmem_shared>> -> memref<10240x64xf32, #tpu.memory_space<vmem_shared>>
        tpu.wait_indirect_dma semaphore(%arg13 : memref<!tpu.dma_semaphore, #tpu.memory_space<semaphore_mem>>) src(%dma_wait3A_88 : memref<10240x64xf32, #tpu.memory_space<vmem_shared>>) dst(%arg9 : memref<128x64xf32, #tpu.memory_space<vmem>>)
        "tpu.region"() ({
          %run_scoped3A = tpu.sem_alloc : memref<!tpu.dma_semaphore, #tpu.memory_space<semaphore_mem>>
          %dma_start3A_96 = arith.constant 0 : i32
          %dma_start3A_97 = tpu.memref_slice %arg7[%add3A_82, %dma_start3A_96] : memref<80x128xi32, #tpu.memory_space<vmem>> -> memref<1x128xi32, #tpu.memory_space<vmem>>
          %dma_start3A_98 = tpu.memref_squeeze %dma_start3A_97 : memref<1x128xi32, #tpu.memory_space<vmem>> -> memref<128xi32, #tpu.memory_space<vmem>>
          %dma_start3A_99 = arith.constant 0 : i32
          %dma_start3A_100 = arith.constant 0 : i32
          %dma_start3A_101 = tpu.memref_slice %arg10[%dma_start3A_99, %dma_start3A_100] : memref<10240x64xf32, #tpu.memory_space<vmem_shared>> -> memref<10240x64xf32, #tpu.memory_space<vmem_shared>>
          tpu.enqueue_indirect_dma source(%arg9 : memref<128x64xf32, #tpu.memory_space<vmem>>) target(%dma_start3A_101 : memref<10240x64xf32, #tpu.memory_space<vmem_shared>>) offsets(%dma_start3A_98 : memref<128xi32, #tpu.memory_space<vmem>>) semaphore(%run_scoped3A : memref<!tpu.dma_semaphore, #tpu.memory_space<semaphore_mem>>) {add = true}
          %dma_wait3A_102 = arith.constant 0 : i32
          %dma_wait3A_103 = tpu.memref_slice %arg7[%add3A_82, %dma_wait3A_102] : memref<80x128xi32, #tpu.memory_space<vmem>> -> memref<1x128xi32, #tpu.memory_space<vmem>>
          %dma_wait3A_104 = tpu.memref_squeeze %dma_wait3A_103 : memref<1x128xi32, #tpu.memory_space<vmem>> -> memref<128xi32, #tpu.memory_space<vmem>>
          %dma_wait3A_105 = arith.constant 0 : i32
          %dma_wait3A_106 = arith.constant 0 : i32
          %dma_wait3A_107 = tpu.memref_slice %arg10[%dma_wait3A_105, %dma_wait3A_106] : memref<10240x64xf32, #tpu.memory_space<vmem_shared>> -> memref<10240x64xf32, #tpu.memory_space<vmem_shared>>
          tpu.wait_indirect_dma semaphore(%run_scoped3A : memref<!tpu.dma_semaphore, #tpu.memory_space<semaphore_mem>>) src(%arg9 : memref<128x64xf32, #tpu.memory_space<vmem>>) dst(%dma_wait3A_107 : memref<10240x64xf32, #tpu.memory_space<vmem_shared>>)
          tpu.yield
        }) : () -> ()
        %add3A_89 = arith.constant 2 : i32
        %add3A_90 = arith.addi %add3A_82, %add3A_89 : i32
        %lt3A_91 = arith.constant 80 : i32
        %lt3A_92 = arith.cmpi slt, %add3A_90, %lt3A_91 : i32
        %convert_element_type3A_93 = arith.extui %lt3A_92 : i1 to i32
        %cond3A_94 = arith.constant 0 : i32
        %cond3A_95 = arith.cmpi ne, %convert_element_type3A_93, %cond3A_94 : i32
        scf.if %cond3A_95 {
          %add3A_96 = arith.constant 2 : i32
          %add3A_97 = arith.addi %add3A_82, %add3A_96 : i32
          %dma_start3A_98 = arith.constant 0 : i32
          %dma_start3A_99 = tpu.memref_slice %arg6[%add3A_97, %dma_start3A_98] : memref<80x128xi32, #tpu.memory_space<vmem>> -> memref<1x128xi32, #tpu.memory_space<vmem>>
          %dma_start3A_100 = tpu.memref_squeeze %dma_start3A_99 : memref<1x128xi32, #tpu.memory_space<vmem>> -> memref<128xi32, #tpu.memory_space<vmem>>
          %dma_start3A_101 = arith.constant 0 : i32
          %dma_start3A_102 = arith.constant 0 : i32
          %dma_start3A_103 = tpu.memref_slice %arg11[%dma_start3A_101, %dma_start3A_102] : memref<10240x64xf32, #tpu.memory_space<vmem_shared>> -> memref<10240x64xf32, #tpu.memory_space<vmem_shared>>
          tpu.enqueue_indirect_dma source(%dma_start3A_103 : memref<10240x64xf32, #tpu.memory_space<vmem_shared>>) target(%arg9 : memref<128x64xf32, #tpu.memory_space<vmem>>) offsets(%dma_start3A_100 : memref<128xi32, #tpu.memory_space<vmem>>) semaphore(%arg13 : memref<!tpu.dma_semaphore, #tpu.memory_space<semaphore_mem>>)
        } else {
        }
      }
      %scan3A_62 = arith.constant 40 : i32
    } else {
    }
    %barrier3A_35 = arith.constant 0 : index
    tpu.barrier barrier_id(%barrier3A_35)
    %mul3A_36 = arith.constant 640 : i32
    %mul3A_37 = arith.muli %arg1, %mul3A_36 : i32
    %mul3A_38 = arith.constant 640 : i32
    %mul3A_39 = arith.muli %arg1, %mul3A_38 : i32
    "tpu.region"() ({
      %run_scoped3A = tpu.sem_alloc : memref<!tpu.dma_semaphore, #tpu.memory_space<semaphore_mem>>
      %dma_start3A = arith.constant 0 : i32
      %dma_start3A_40 = tpu.memref_slice %arg5[%arg0, %mul3A_39, %dma_start3A] : memref<2x10240x64xf32, #tpu.memory_space<hbm>> -> memref<1x640x64xf32, #tpu.memory_space<hbm>>
      %dma_start3A_41 = tpu.memref_squeeze %dma_start3A_40 : memref<1x640x64xf32, #tpu.memory_space<hbm>> -> memref<640x64xf32, #tpu.memory_space<hbm>>
      %dma_start3A_42 = arith.constant 0 : i32
      %dma_start3A_43 = tpu.memref_slice %arg10[%mul3A_37, %dma_start3A_42] : memref<10240x64xf32, #tpu.memory_space<vmem_shared>> -> memref<640x64xf32, #tpu.memory_space<vmem_shared>>
      tpu.enqueue_dma source(%dma_start3A_43 : memref<640x64xf32, #tpu.memory_space<vmem_shared>>) target(%dma_start3A_41 : memref<640x64xf32, #tpu.memory_space<hbm>>) target_semaphore(%run_scoped3A : memref<!tpu.dma_semaphore, #tpu.memory_space<semaphore_mem>>)
      %dma_wait3A = arith.constant 0 : i32
      %dma_wait3A_44 = tpu.memref_slice %arg5[%arg0, %mul3A_39, %dma_wait3A] : memref<2x10240x64xf32, #tpu.memory_space<hbm>> -> memref<1x640x64xf32, #tpu.memory_space<hbm>>
      %dma_wait3A_45 = tpu.memref_squeeze %dma_wait3A_44 : memref<1x640x64xf32, #tpu.memory_space<hbm>> -> memref<640x64xf32, #tpu.memory_space<hbm>>
      %dma_wait3A_46 = arith.constant 0 : i32
      %dma_wait3A_47 = tpu.memref_slice %arg10[%mul3A_37, %dma_wait3A_46] : memref<10240x64xf32, #tpu.memory_space<vmem_shared>> -> memref<640x64xf32, #tpu.memory_space<vmem_shared>>
      tpu.wait_dma2 semaphore(%run_scoped3A : memref<!tpu.dma_semaphore, #tpu.memory_space<semaphore_mem>>) src(%dma_wait3A_47 : memref<640x64xf32, #tpu.memory_space<vmem_shared>>) dst(%dma_wait3A_45 : memref<640x64xf32, #tpu.memory_space<hbm>>)
      tpu.yield
    }) : () -> ()
    return
  }
}

module attributes {stable_mosaic.version = 14 : i64} {
  func.func @_prep1_body(%arg0: i32, %arg1: memref<5120x128xf32, #tpu.memory_space<vmem>>, %arg2: memref<128x64xf32, #tpu.memory_space<vmem>>, %arg3: memref<2x5120x16xf32, #tpu.memory_space<vmem>>, %arg4: memref<5120x64xf32, #tpu.memory_space<vmem>>, %arg5: memref<5120x1xf32, #tpu.memory_space<vmem>>) attributes {dimension_semantics = [#tpu.dimension_semantics<arbitrary>], iteration_bounds = array<i64: 2>, scalar_prefetch = 0 : i64, scratch_operands = 0 : i64, tpu.core_type = #tpu.core_type<tc>, window_params = [{transform_indices = @transform_0, window_bounds = array<i64: 5120, 128>}, {pipeline_mode = #tpu.pipeline_mode<synchronous>, transform_indices = @transform_1, window_bounds = array<i64: 128, 64>}, {transform_indices = @transform_2, window_bounds = array<i64: 2, 5120, 16>}, {transform_indices = @transform_3, window_bounds = array<i64: 5120, 64>}, {transform_indices = @transform_4, window_bounds = array<i64: 5120, 1>}]} {
    %get3A = arith.constant 0 : index
    %get3A_0 = arith.constant 0 : index
    %get3A_1 = arith.constant 0 : index
    %get3A_2 = vector.load %arg3[%get3A, %get3A_0, %get3A_1] : memref<2x5120x16xf32, #tpu.memory_space<vmem>>, vector<1x5120x1xf32>
    %get3A_3 = vector.shape_cast %get3A_2 : vector<1x5120x1xf32> to vector<5120x1xf32>
    %get3A_4 = arith.constant 1 : index
    %get3A_5 = arith.constant 0 : index
    %get3A_6 = arith.constant 0 : index
    %get3A_7 = vector.load %arg3[%get3A_4, %get3A_5, %get3A_6] : memref<2x5120x16xf32, #tpu.memory_space<vmem>>, vector<1x5120x1xf32>
    %get3A_8 = vector.shape_cast %get3A_7 : vector<1x5120x1xf32> to vector<5120x1xf32>
    %add3A = arith.addf %get3A_3, %get3A_8 : vector<5120x1xf32>
    %add3A_9 = arith.constant 1.000000e+00 : f32
    %add3A_10 = vector.broadcast %add3A_9 : f32 to vector<5120x1xf32>
    %add3A_11 = arith.addf %add3A, %add3A_10 : vector<5120x1xf32>
    %iota3A = tpu.iota {dimensions = array<i32: 0>} : vector<5120x1xi32>
    %mul3A = arith.constant 5120 : i32
    %mul3A_12 = arith.muli %arg0, %mul3A : i32
    %add3A_13 = vector.broadcast %mul3A_12 : i32 to vector<5120x1xi32>
    %add3A_14 = arith.addi %iota3A, %add3A_13 : vector<5120x1xi32>
    %lt3A = arith.constant 10000 : i32
    %lt3A_15 = vector.broadcast %lt3A : i32 to vector<5120x1xi32>
    %lt3A_16 = arith.cmpi slt, %add3A_14, %lt3A_15 : vector<5120x1xi32>
    %rsqrt3A = math.rsqrt %add3A_11 : vector<5120x1xf32>
    %jit3A = arith.constant 0.000000e+00 : f32
    %broadcast_in_dim3A = vector.broadcast %jit3A : f32 to vector<5120x1xf32>
    %select_n3A = arith.select %lt3A_16, %rsqrt3A, %broadcast_in_dim3A : vector<5120x1xi1>, vector<5120x1xf32>
    %swap3A = arith.constant 0 : index
    %swap3A_17 = arith.constant 0 : index
    %swap3A_18 = vector.load %arg5[%swap3A, %swap3A_17] : memref<5120x1xf32, #tpu.memory_space<vmem>>, vector<5120x1xf32>
    tpu.vector_store %arg5[%swap3A, %swap3A_17], %select_n3A {strides = array<i32>} : memref<5120x1xf32, #tpu.memory_space<vmem>>, vector<5120x1xf32>,
    %get3A_19 = arith.constant 0 : index
    %get3A_20 = arith.constant 0 : index
    %get3A_21 = vector.load %arg1[%get3A_19, %get3A_20] : memref<5120x128xf32, #tpu.memory_space<vmem>>, vector<5120x128xf32>
    %get3A_22 = arith.constant 0 : index
    %get3A_23 = arith.constant 0 : index
    %get3A_24 = vector.load %arg2[%get3A_22, %get3A_23] : memref<128x64xf32, #tpu.memory_space<vmem>>, vector<128x64xf32>
    %dot_general3A = arith.constant dense<0.000000e+00> : vector<5120x64xf32>
    %dot_general3A_25 = tpu.matmul %get3A_21, %get3A_24, %dot_general3A {dimension_numbers = #tpu.dot_dimension_numbers<[1], [0], [0], [1], [0, 0, 1, 1], [], []>, transpose_lhs_hint = false} : vector<5120x128xf32>, vector<128x64xf32>, vector<5120x64xf32> -> vector<5120x64xf32>
    %mul3A_26 = vector.broadcast %select_n3A : vector<5120x1xf32> to vector<5120x64xf32>
    %mul3A_27 = arith.mulf %mul3A_26, %dot_general3A_25 : vector<5120x64xf32>
    %swap3A_28 = arith.constant 0 : index
    %swap3A_29 = arith.constant 0 : index
    %swap3A_30 = vector.load %arg4[%swap3A_28, %swap3A_29] : memref<5120x64xf32, #tpu.memory_space<vmem>>, vector<5120x64xf32>
    tpu.vector_store %arg4[%swap3A_28, %swap3A_29], %mul3A_27 {strides = array<i32>} : memref<5120x64xf32, #tpu.memory_space<vmem>>, vector<5120x64xf32>,
    return
  }
  func.func @transform_0(%arg0: i32) -> (i32, i32) {
    %c0_i32 = arith.constant 0 : i32
    %c0_i32_0 = arith.constant 0 : i32
    return %arg0, %c0_i32 : i32, i32
  }
  func.func @transform_1(%arg0: i32) -> (i32, i32) {
    %c0_i32 = arith.constant 0 : i32
    %c0_i32_0 = arith.constant 0 : i32
    %c0_i32_1 = arith.constant 0 : i32
    return %c0_i32, %c0_i32_0 : i32, i32
  }
  func.func @transform_2(%arg0: i32) -> (i32, i32, i32) {
    %c0_i32 = arith.constant 0 : i32
    %c0_i32_0 = arith.constant 0 : i32
    %c0_i32_1 = arith.constant 0 : i32
    return %c0_i32, %arg0, %c0_i32_0 : i32, i32, i32
  }
  func.func @transform_3(%arg0: i32) -> (i32, i32) {
    %c0_i32 = arith.constant 0 : i32
    %c0_i32_0 = arith.constant 0 : i32
    return %arg0, %c0_i32 : i32, i32
  }
  func.func @transform_4(%arg0: i32) -> (i32, i32) {
    %c0_i32 = arith.constant 0 : i32
    %c0_i32_0 = arith.constant 0 : i32
    return %arg0, %c0_i32 : i32, i32
  }
}

module attributes {stable_mosaic.version = 14 : i64} {
  func.func @_comb_body(%arg0: i32, %arg1: memref<2x5120x64xf32, #tpu.memory_space<vmem>>, %arg2: memref<5120x64xf32, #tpu.memory_space<vmem>>, %arg3: memref<5120x1xf32, #tpu.memory_space<vmem>>, %arg4: memref<1x64xf32, #tpu.memory_space<vmem>>, %arg5: memref<64x64xf32, #tpu.memory_space<vmem>>, %arg6: memref<5120x64xf32, #tpu.memory_space<vmem>>) attributes {dimension_semantics = [#tpu.dimension_semantics<arbitrary>], iteration_bounds = array<i64: 2>, scalar_prefetch = 0 : i64, scratch_operands = 0 : i64, tpu.core_type = #tpu.core_type<tc>, window_params = [{transform_indices = @transform_0, window_bounds = array<i64: 2, 5120, 64>}, {transform_indices = @transform_1, window_bounds = array<i64: 5120, 64>}, {transform_indices = @transform_2, window_bounds = array<i64: 5120, 1>}, {pipeline_mode = #tpu.pipeline_mode<synchronous>, transform_indices = @transform_3, window_bounds = array<i64: 1, 64>}, {pipeline_mode = #tpu.pipeline_mode<synchronous>, transform_indices = @transform_4, window_bounds = array<i64: 64, 64>}, {transform_indices = @transform_5, window_bounds = array<i64: 5120, 64>}]} {
    %get3A = arith.constant 0 : index
    %get3A_0 = arith.constant 0 : index
    %get3A_1 = vector.load %arg3[%get3A, %get3A_0] : memref<5120x1xf32, #tpu.memory_space<vmem>>, vector<5120x1xf32>
    %get3A_2 = arith.constant 0 : index
    %get3A_3 = arith.constant 0 : index
    %get3A_4 = arith.constant 0 : index
    %get3A_5 = vector.load %arg1[%get3A_2, %get3A_3, %get3A_4] : memref<2x5120x64xf32, #tpu.memory_space<vmem>>, vector<1x5120x64xf32>
    %get3A_6 = vector.shape_cast %get3A_5 : vector<1x5120x64xf32> to vector<5120x64xf32>
    %get3A_7 = arith.constant 1 : index
    %get3A_8 = arith.constant 0 : index
    %get3A_9 = arith.constant 0 : index
    %get3A_10 = vector.load %arg1[%get3A_7, %get3A_8, %get3A_9] : memref<2x5120x64xf32, #tpu.memory_space<vmem>>, vector<1x5120x64xf32>
    %get3A_11 = vector.shape_cast %get3A_10 : vector<1x5120x64xf32> to vector<5120x64xf32>
    %add3A = arith.addf %get3A_6, %get3A_11 : vector<5120x64xf32>
    %get3A_12 = arith.constant 0 : index
    %get3A_13 = arith.constant 0 : index
    %get3A_14 = vector.load %arg2[%get3A_12, %get3A_13] : memref<5120x64xf32, #tpu.memory_space<vmem>>, vector<5120x64xf32>
    %add3A_15 = arith.addf %add3A, %get3A_14 : vector<5120x64xf32>
    %mul3A = vector.broadcast %get3A_1 : vector<5120x1xf32> to vector<5120x64xf32>
    %mul3A_16 = arith.mulf %mul3A, %add3A_15 : vector<5120x64xf32>
    %get3A_17 = arith.constant 0 : index
    %get3A_18 = arith.constant 0 : index
    %get3A_19 = vector.load %arg4[%get3A_17, %get3A_18] : memref<1x64xf32, #tpu.memory_space<vmem>>, vector<1x64xf32>
    %add3A_20 = vector.broadcast %get3A_19 : vector<1x64xf32> to vector<5120x64xf32>
    %add3A_21 = arith.addf %mul3A_16, %add3A_20 : vector<5120x64xf32>
    %max3A = arith.constant 0.000000e+00 : f32
    %max3A_22 = vector.broadcast %max3A : f32 to vector<5120x64xf32>
    %max3A_23 = arith.maximumf %add3A_21, %max3A_22 : vector<5120x64xf32>
    %get3A_24 = arith.constant 0 : index
    %get3A_25 = arith.constant 0 : index
    %get3A_26 = vector.load %arg5[%get3A_24, %get3A_25] : memref<64x64xf32, #tpu.memory_space<vmem>>, vector<64x64xf32>
    %dot_general3A = arith.constant dense<0.000000e+00> : vector<5120x64xf32>
    %dot_general3A_27 = tpu.matmul %max3A_23, %get3A_26, %dot_general3A {dimension_numbers = #tpu.dot_dimension_numbers<[1], [0], [0], [1], [0, 0, 1, 1], [], []>, transpose_lhs_hint = false} : vector<5120x64xf32>, vector<64x64xf32>, vector<5120x64xf32> -> vector<5120x64xf32>
    %mul3A_28 = vector.broadcast %get3A_1 : vector<5120x1xf32> to vector<5120x64xf32>
    %mul3A_29 = arith.mulf %mul3A_28, %dot_general3A_27 : vector<5120x64xf32>
    %swap3A = arith.constant 0 : index
    %swap3A_30 = arith.constant 0 : index
    %swap3A_31 = vector.load %arg6[%swap3A, %swap3A_30] : memref<5120x64xf32, #tpu.memory_space<vmem>>, vector<5120x64xf32>
    tpu.vector_store %arg6[%swap3A, %swap3A_30], %mul3A_29 {strides = array<i32>} : memref<5120x64xf32, #tpu.memory_space<vmem>>, vector<5120x64xf32>,
    return
  }
  func.func @transform_0(%arg0: i32) -> (i32, i32, i32) {
    %c0_i32 = arith.constant 0 : i32
    %c0_i32_0 = arith.constant 0 : i32
    %c0_i32_1 = arith.constant 0 : i32
    return %c0_i32, %arg0, %c0_i32_0 : i32, i32, i32
  }
  func.func @transform_1(%arg0: i32) -> (i32, i32) {
    %c0_i32 = arith.constant 0 : i32
    %c0_i32_0 = arith.constant 0 : i32
    return %arg0, %c0_i32 : i32, i32
  }
  func.func @transform_2(%arg0: i32) -> (i32, i32) {
    %c0_i32 = arith.constant 0 : i32
    %c0_i32_0 = arith.constant 0 : i32
    return %arg0, %c0_i32 : i32, i32
  }
  func.func @transform_3(%arg0: i32) -> (i32, i32) {
    %c0_i32 = arith.constant 0 : i32
    %c0_i32_0 = arith.constant 0 : i32
    %c0_i32_1 = arith.constant 0 : i32
    return %c0_i32, %c0_i32_0 : i32, i32
  }
  func.func @transform_4(%arg0: i32) -> (i32, i32) {
    %c0_i32 = arith.constant 0 : i32
    %c0_i32_0 = arith.constant 0 : i32
    %c0_i32_1 = arith.constant 0 : i32
    return %c0_i32, %c0_i32_0 : i32, i32
  }
  func.func @transform_5(%arg0: i32) -> (i32, i32) {
    %c0_i32 = arith.constant 0 : i32
    %c0_i32_0 = arith.constant 0 : i32
    return %arg0, %c0_i32 : i32, i32
  }
}

module attributes {stable_mosaic.version = 14 : i64} {
  func.func @_comb_body(%arg0: i32, %arg1: memref<2x5120x64xf32, #tpu.memory_space<vmem>>, %arg2: memref<5120x64xf32, #tpu.memory_space<vmem>>, %arg3: memref<5120x1xf32, #tpu.memory_space<vmem>>, %arg4: memref<1x64xf32, #tpu.memory_space<vmem>>, %arg5: memref<64x32xf32, #tpu.memory_space<vmem>>, %arg6: memref<5120x32xf32, #tpu.memory_space<vmem>>) attributes {dimension_semantics = [#tpu.dimension_semantics<arbitrary>], iteration_bounds = array<i64: 2>, scalar_prefetch = 0 : i64, scratch_operands = 0 : i64, tpu.core_type = #tpu.core_type<tc>, window_params = [{transform_indices = @transform_0, window_bounds = array<i64: 2, 5120, 64>}, {transform_indices = @transform_1, window_bounds = array<i64: 5120, 64>}, {transform_indices = @transform_2, window_bounds = array<i64: 5120, 1>}, {pipeline_mode = #tpu.pipeline_mode<synchronous>, transform_indices = @transform_3, window_bounds = array<i64: 1, 64>}, {pipeline_mode = #tpu.pipeline_mode<synchronous>, transform_indices = @transform_4, window_bounds = array<i64: 64, 32>}, {transform_indices = @transform_5, window_bounds = array<i64: 5120, 32>}]} {
    %get3A = arith.constant 0 : index
    %get3A_0 = arith.constant 0 : index
    %get3A_1 = vector.load %arg3[%get3A, %get3A_0] : memref<5120x1xf32, #tpu.memory_space<vmem>>, vector<5120x1xf32>
    %get3A_2 = arith.constant 0 : index
    %get3A_3 = arith.constant 0 : index
    %get3A_4 = arith.constant 0 : index
    %get3A_5 = vector.load %arg1[%get3A_2, %get3A_3, %get3A_4] : memref<2x5120x64xf32, #tpu.memory_space<vmem>>, vector<1x5120x64xf32>
    %get3A_6 = vector.shape_cast %get3A_5 : vector<1x5120x64xf32> to vector<5120x64xf32>
    %get3A_7 = arith.constant 1 : index
    %get3A_8 = arith.constant 0 : index
    %get3A_9 = arith.constant 0 : index
    %get3A_10 = vector.load %arg1[%get3A_7, %get3A_8, %get3A_9] : memref<2x5120x64xf32, #tpu.memory_space<vmem>>, vector<1x5120x64xf32>
    %get3A_11 = vector.shape_cast %get3A_10 : vector<1x5120x64xf32> to vector<5120x64xf32>
    %add3A = arith.addf %get3A_6, %get3A_11 : vector<5120x64xf32>
    %get3A_12 = arith.constant 0 : index
    %get3A_13 = arith.constant 0 : index
    %get3A_14 = vector.load %arg2[%get3A_12, %get3A_13] : memref<5120x64xf32, #tpu.memory_space<vmem>>, vector<5120x64xf32>
    %add3A_15 = arith.addf %add3A, %get3A_14 : vector<5120x64xf32>
    %mul3A = vector.broadcast %get3A_1 : vector<5120x1xf32> to vector<5120x64xf32>
    %mul3A_16 = arith.mulf %mul3A, %add3A_15 : vector<5120x64xf32>
    %get3A_17 = arith.constant 0 : index
    %get3A_18 = arith.constant 0 : index
    %get3A_19 = vector.load %arg4[%get3A_17, %get3A_18] : memref<1x64xf32, #tpu.memory_space<vmem>>, vector<1x64xf32>
    %add3A_20 = vector.broadcast %get3A_19 : vector<1x64xf32> to vector<5120x64xf32>
    %add3A_21 = arith.addf %mul3A_16, %add3A_20 : vector<5120x64xf32>
    %max3A = arith.constant 0.000000e+00 : f32
    %max3A_22 = vector.broadcast %max3A : f32 to vector<5120x64xf32>
    %max3A_23 = arith.maximumf %add3A_21, %max3A_22 : vector<5120x64xf32>
    %get3A_24 = arith.constant 0 : index
    %get3A_25 = arith.constant 0 : index
    %get3A_26 = vector.load %arg5[%get3A_24, %get3A_25] : memref<64x32xf32, #tpu.memory_space<vmem>>, vector<64x32xf32>
    %dot_general3A = arith.constant dense<0.000000e+00> : vector<5120x32xf32>
    %dot_general3A_27 = tpu.matmul %max3A_23, %get3A_26, %dot_general3A {dimension_numbers = #tpu.dot_dimension_numbers<[1], [0], [0], [1], [0, 0, 1, 1], [], []>, transpose_lhs_hint = false} : vector<5120x64xf32>, vector<64x32xf32>, vector<5120x32xf32> -> vector<5120x32xf32>
    %mul3A_28 = vector.broadcast %get3A_1 : vector<5120x1xf32> to vector<5120x32xf32>
    %mul3A_29 = arith.mulf %mul3A_28, %dot_general3A_27 : vector<5120x32xf32>
    %swap3A = arith.constant 0 : index
    %swap3A_30 = arith.constant 0 : index
    %swap3A_31 = vector.load %arg6[%swap3A, %swap3A_30] : memref<5120x32xf32, #tpu.memory_space<vmem>>, vector<5120x32xf32>
    tpu.vector_store %arg6[%swap3A, %swap3A_30], %mul3A_29 {strides = array<i32>} : memref<5120x32xf32, #tpu.memory_space<vmem>>, vector<5120x32xf32>,
    return
  }
  func.func @transform_0(%arg0: i32) -> (i32, i32, i32) {
    %c0_i32 = arith.constant 0 : i32
    %c0_i32_0 = arith.constant 0 : i32
    %c0_i32_1 = arith.constant 0 : i32
    return %c0_i32, %arg0, %c0_i32_0 : i32, i32, i32
  }
  func.func @transform_1(%arg0: i32) -> (i32, i32) {
    %c0_i32 = arith.constant 0 : i32
    %c0_i32_0 = arith.constant 0 : i32
    return %arg0, %c0_i32 : i32, i32
  }
  func.func @transform_2(%arg0: i32) -> (i32, i32) {
    %c0_i32 = arith.constant 0 : i32
    %c0_i32_0 = arith.constant 0 : i32
    return %arg0, %c0_i32 : i32, i32
  }
  func.func @transform_3(%arg0: i32) -> (i32, i32) {
    %c0_i32 = arith.constant 0 : i32
    %c0_i32_0 = arith.constant 0 : i32
    %c0_i32_1 = arith.constant 0 : i32
    return %c0_i32, %c0_i32_0 : i32, i32
  }
  func.func @transform_4(%arg0: i32) -> (i32, i32) {
    %c0_i32 = arith.constant 0 : i32
    %c0_i32_0 = arith.constant 0 : i32
    %c0_i32_1 = arith.constant 0 : i32
    return %c0_i32, %c0_i32_0 : i32, i32
  }
  func.func @transform_5(%arg0: i32) -> (i32, i32) {
    %c0_i32 = arith.constant 0 : i32
    %c0_i32_0 = arith.constant 0 : i32
    return %arg0, %c0_i32 : i32, i32
  }
}

module attributes {stable_mosaic.version = 14 : i64} {
  func.func @_final_body(%arg0: memref<2x10240x32xf32, #tpu.memory_space<vmem>>, %arg1: memref<10240x32xf32, #tpu.memory_space<vmem>>, %arg2: memref<10240x1xf32, #tpu.memory_space<vmem>>, %arg3: memref<1x32xf32, #tpu.memory_space<vmem>>, %arg4: memref<1x10240xi32, #tpu.memory_space<vmem>>, %arg5: memref<32x32xf32, #tpu.memory_space<vmem>>, %arg6: memref<1x32xf32, #tpu.memory_space<vmem>>, %arg7: memref<32x10xf32, #tpu.memory_space<vmem>>, %arg8: memref<1x10xf32, #tpu.memory_space<vmem>>, %arg9: memref<64x10xf32, #tpu.memory_space<vmem>>) attributes {dimension_semantics = [], scalar_prefetch = 0 : i64, scratch_operands = 0 : i64, tpu.core_type = #tpu.core_type<tc>} {
    %get3A = arith.constant 0 : index
    %get3A_0 = arith.constant 0 : index
    %get3A_1 = vector.load %arg2[%get3A, %get3A_0] : memref<10240x1xf32, #tpu.memory_space<vmem>>, vector<10240x1xf32>
    %get3A_2 = arith.constant 0 : index
    %get3A_3 = arith.constant 0 : index
    %get3A_4 = arith.constant 0 : index
    %get3A_5 = vector.load %arg0[%get3A_2, %get3A_3, %get3A_4] : memref<2x10240x32xf32, #tpu.memory_space<vmem>>, vector<1x10240x32xf32>
    %get3A_6 = vector.shape_cast %get3A_5 : vector<1x10240x32xf32> to vector<10240x32xf32>
    %get3A_7 = arith.constant 1 : index
    %get3A_8 = arith.constant 0 : index
    %get3A_9 = arith.constant 0 : index
    %get3A_10 = vector.load %arg0[%get3A_7, %get3A_8, %get3A_9] : memref<2x10240x32xf32, #tpu.memory_space<vmem>>, vector<1x10240x32xf32>
    %get3A_11 = vector.shape_cast %get3A_10 : vector<1x10240x32xf32> to vector<10240x32xf32>
    %add3A = arith.addf %get3A_6, %get3A_11 : vector<10240x32xf32>
    %get3A_12 = arith.constant 0 : index
    %get3A_13 = arith.constant 0 : index
    %get3A_14 = vector.load %arg1[%get3A_12, %get3A_13] : memref<10240x32xf32, #tpu.memory_space<vmem>>, vector<10240x32xf32>
    %add3A_15 = arith.addf %add3A, %get3A_14 : vector<10240x32xf32>
    %mul3A = vector.broadcast %get3A_1 : vector<10240x1xf32> to vector<10240x32xf32>
    %mul3A_16 = arith.mulf %mul3A, %add3A_15 : vector<10240x32xf32>
    %get3A_17 = arith.constant 0 : index
    %get3A_18 = arith.constant 0 : index
    %get3A_19 = vector.load %arg3[%get3A_17, %get3A_18] : memref<1x32xf32, #tpu.memory_space<vmem>>, vector<1x32xf32>
    %add3A_20 = vector.broadcast %get3A_19 : vector<1x32xf32> to vector<10240x32xf32>
    %add3A_21 = arith.addf %mul3A_16, %add3A_20 : vector<10240x32xf32>
    %max3A = arith.constant 0.000000e+00 : f32
    %max3A_22 = vector.broadcast %max3A : f32 to vector<10240x32xf32>
    %max3A_23 = arith.maximumf %add3A_21, %max3A_22 : vector<10240x32xf32>
    %iota3A = tpu.iota {dimensions = array<i32: 0>} : vector<64x10240xi32>
    %get3A_24 = arith.constant 0 : index
    %get3A_25 = arith.constant 0 : index
    %get3A_26 = vector.load %arg4[%get3A_24, %get3A_25] : memref<1x10240xi32, #tpu.memory_space<vmem>>, vector<1x10240xi32>
    %eq3A = vector.broadcast %get3A_26 : vector<1x10240xi32> to vector<64x10240xi32>
    %eq3A_27 = arith.cmpi eq, %eq3A, %iota3A : vector<64x10240xi32>
    %convert_element_type3A = arith.extui %eq3A_27 : vector<64x10240xi1> to vector<64x10240xi32>
    %convert_element_type3A_28 = arith.sitofp %convert_element_type3A : vector<64x10240xi32> to vector<64x10240xf32>
    %dot_general3A = arith.constant dense<0.000000e+00> : vector<64x32xf32>
    %dot_general3A_29 = tpu.matmul %convert_element_type3A_28, %max3A_23, %dot_general3A {dimension_numbers = #tpu.dot_dimension_numbers<[1], [0], [0], [1], [0, 0, 1, 1], [], []>, transpose_lhs_hint = false} : vector<64x10240xf32>, vector<10240x32xf32>, vector<64x32xf32> -> vector<64x32xf32>
    %reduce_sum3A = arith.constant dense<0.000000e+00> : vector<64xf32>
    %reduce_sum3A_30 = vector.multi_reduction <add>, %convert_element_type3A_28, %reduce_sum3A [1] : vector<64x10240xf32> to vector<64xf32>
    %broadcast_in_dim3A = vector.shape_cast %reduce_sum3A_30 : vector<64xf32> to vector<64x1xf32>
    %max3A_31 = arith.constant 1.000000e+00 : f32
    %max3A_32 = vector.broadcast %max3A_31 : f32 to vector<64x1xf32>
    %max3A_33 = arith.maximumf %broadcast_in_dim3A, %max3A_32 : vector<64x1xf32>
    %div3A = vector.broadcast %max3A_33 : vector<64x1xf32> to vector<64x32xf32>
    %div3A_34 = arith.divf %dot_general3A_29, %div3A : vector<64x32xf32>
    %get3A_35 = arith.constant 0 : index
    %get3A_36 = arith.constant 0 : index
    %get3A_37 = vector.load %arg5[%get3A_35, %get3A_36] : memref<32x32xf32, #tpu.memory_space<vmem>>, vector<32x32xf32>
    %dot_general3A_38 = arith.constant dense<0.000000e+00> : vector<64x32xf32>
    %dot_general3A_39 = tpu.matmul %div3A_34, %get3A_37, %dot_general3A_38 {dimension_numbers = #tpu.dot_dimension_numbers<[1], [0], [0], [1], [0, 0, 1, 1], [], []>, transpose_lhs_hint = false} : vector<64x32xf32>, vector<32x32xf32>, vector<64x32xf32> -> vector<64x32xf32>
    %get3A_40 = arith.constant 0 : index
    %get3A_41 = arith.constant 0 : index
    %get3A_42 = vector.load %arg6[%get3A_40, %get3A_41] : memref<1x32xf32, #tpu.memory_space<vmem>>, vector<1x32xf32>
    %add3A_43 = vector.broadcast %get3A_42 : vector<1x32xf32> to vector<64x32xf32>
    %add3A_44 = arith.addf %dot_general3A_39, %add3A_43 : vector<64x32xf32>
    %max3A_45 = arith.constant 0.000000e+00 : f32
    %max3A_46 = vector.broadcast %max3A_45 : f32 to vector<64x32xf32>
    %max3A_47 = arith.maximumf %add3A_44, %max3A_46 : vector<64x32xf32>
    %get3A_48 = arith.constant 0 : index
    %get3A_49 = arith.constant 0 : index
    %get3A_50 = vector.load %arg7[%get3A_48, %get3A_49] : memref<32x10xf32, #tpu.memory_space<vmem>>, vector<32x10xf32>
    %dot_general3A_51 = arith.constant dense<0.000000e+00> : vector<64x10xf32>
    %dot_general3A_52 = tpu.matmul %max3A_47, %get3A_50, %dot_general3A_51 {dimension_numbers = #tpu.dot_dimension_numbers<[1], [0], [0], [1], [0, 0, 1, 1], [], []>, transpose_lhs_hint = false} : vector<64x32xf32>, vector<32x10xf32>, vector<64x10xf32> -> vector<64x10xf32>
    %get3A_53 = arith.constant 0 : index
    %get3A_54 = arith.constant 0 : index
    %get3A_55 = vector.load %arg8[%get3A_53, %get3A_54] : memref<1x10xf32, #tpu.memory_space<vmem>>, vector<1x10xf32>
    %add3A_56 = vector.broadcast %get3A_55 : vector<1x10xf32> to vector<64x10xf32>
    %add3A_57 = arith.addf %dot_general3A_52, %add3A_56 : vector<64x10xf32>
    %swap3A = arith.constant 0 : index
    %swap3A_58 = arith.constant 0 : index
    %swap3A_59 = vector.load %arg9[%swap3A, %swap3A_58] : memref<64x10xf32, #tpu.memory_space<vmem>>, vector<64x10xf32>
    tpu.vector_store %arg9[%swap3A, %swap3A_58], %add3A_57 {strides = array<i32>} : memref<64x10xf32, #tpu.memory_space<vmem>>, vector<64x10xf32>,
    return
  }
}

</mosaic_0001>

<sc_bundles>
// kernel: kernel.10.cloned.1.call-start
scs
__scs_entry_jumppad:
0x0: {  	(pc) =	sbr.rel $0x88, $3  }
0x1: {  	(tag) =	ssettag $0x0;
	lr =	simm.s32 $0x1  }
0x2: {  	[smem:$0x3F94] =	sst lr;
	_ =	strace $0xD0000000  }
0x3: {  	_ = 	snop  }
0x4: {  	_ = 	snop  }
0x5: {  	_ = 	snop  }
0x6: {  	_ = 	snop  }
0x7: {  	_ = 	snop  }
__scs_overlays_trampoline_lowered:
0x8: {  	[smem:$0x3FA3] =	sst s0  }
0x9: {  	[smem:$0x3FA4] =	sst s1  }
0xa: {  	[smem:$0x3FA5] =	sst s2  }
0xb: {  	[smem:$0x3FA6] =	sst s3  }
0xc: {  	[smem:$0x3FA7] =	sst s4  }
0xd: {  	[smem:$0x3FA8] =	sst s5  }
0xe: {  	[smem:$0x3FA9] =	sst s6  }
0xf: {  	[smem:$0x3FAA] =	sst s7  }
0x10: {  	[smem:$0x3FAB] =	sst s8  }
0x11: {  	[smem:$0x3FAC] =	sst s9;
	s0 =	simm.s32 @!p0 $0x0  }
0x12: {  	s1 =	sld [smem:$0x3F92];
	s0 =	simm.s32 @p0 $0x1  }
0x13: {  	[smem:$0x3FAD] =	sst s0;
	s0 =	simm.s32 @!p1 $0x0  }
0x14: {  	s2 =	sld [smem:$0x3F91];
	s0 =	simm.s32 @p1 $0x1  }
0x15: {  	[smem:$0x3FAE] =	sst s0;
	s0 =	simm.s32 @!p2 $0x0  }
0x16: {  	s3 =	sld [smem:$0x3FDB];
	s0 =	simm.s32 @p2 $0x1  }
0x17: {  	s4 =	simm.s32 $0x1BF5;
	[smem:$0x3FB0] =	sst s0  }
0x18: {  	s0 =	sld [smem:$0x3F93];
	_ =	swait.ge [sflag:s4], $0x0  }
0x19: {  	s7 =	sld [smem:$0x3F94]  }
0x1a: {  	s8 =	sadd.s32 $0xFFFFE003, lr  }
0x1b: {  	s9 =	sadd.s32 $0xFFFFFEF7, lr;
	s5 =	simm.s32 $0xFFFFFFFF;
	p2 =	slt.u32 s8, $0xFFFFF086  }
0x1c: {  	p1 =	slt.u32 s9, $0xF7A;
	s5 =	simm.s32 @!p2 $0x0  }
0x1d: {  	s5 =	simm.s32 @p1 $0x1;
	p0 =	seq.s32 s7, s2  }
0x1e: {  	s7 =	smul.u32 @!p0 $0xF7A, s2;
	p2 =	seq.s32 @!p0 s5, $0x0  }
0x1f: {  	s9 =	smul.u32 $0xF7A, s1;
	s8 =	simm.s32 @!p0 $0x1BF5;
	p2 =	por !p2, p0  }
0x20: {  	[sflag:s8] =	ssyncset.s32 @!p0 $0xFFFFF086;
	s6 =	sadd.s32 @!p0 s3, s7;
	s7 =	simm.s32 @!p0 $0x108  }
0x21: {  	s3 =	sadd.s32 s3, s9;
	s6 =	sadd.s32 @!p0 $0x88, s6;
	s7 =	simm.s32 @p2 $0x1082  }
0x22: {  	[simem:s7], [sflag:s8] =	dma.local @!p0 [hbm:s6], $0xF7A  }
0x23: {  	s9 =	sor.u32 $0xD0000000, s2;
	s6 =	simm.s32 $0x108;
	_ =	swait.ge @!p0 [sflag:s8], $0x0  }
0x24: {  	s3 =	sadd.s32 $0x88, s3;
	s6 =	simm.s32 @!p1 $0x1082;
	[sflag:s4] =	ssyncset.s32 $0xFFFFF086  }
0x25: {  	[simem:s6], [sflag:s4] =	dma.local [hbm:s3], $0xF7A  }
0x26: {  	[smem:$0x3F94] =	sst s1;
	(tag) =	ssettag s2;
	_ =	strace s9  }
0x27: {  	s1 =	sld [smem:$0x3FA4]  }
0x28: {  	s2 =	sld [smem:$0x3FA5]  }
0x29: {  	s4 =	sld [smem:$0x3FA7]  }
0x2a: {  	p0 =	seq.s32 s5, $0x0;
	s5 =	sld [smem:$0x3FA8]  }
0x2b: {  	s6 =	sld [smem:$0x3FA9]  }
0x2c: {  	s7 =	sld [smem:$0x3FAA]  }
0x2d: {  	s3 =	simm.s32 $0x108;
	s8 =	sld [smem:$0x3FAB]  }
0x2e: {  	s3 =	simm.s32 @!p0 $0x1082;
	s9 =	sld [smem:$0x3FAC]  }
0x2f: {  	lr =	sadd.s32 s0, s3;
	s0 =	sld [smem:$0x3FA3]  }
0x30: {  	s3 =	sld [smem:$0x3FA6]  }
0x31: {  	[smem:$0x3FAF] =	sst s10  }
0x32: {  	s10 =	sld [smem:$0x3FAD];
	_ =	sdelay $0x3  }
0x33: {  	p0 =	seq.s32 s10, $0x1;
	s10 =	sld [smem:$0x3FAF];
	_ =	sdelay $0x3  }
0x34: {  	[smem:$0x3FAF] =	sst s10  }
0x35: {  	s10 =	sld [smem:$0x3FAE];
	_ =	sdelay $0x3  }
0x36: {  	p1 =	seq.s32 s10, $0x1;
	s10 =	sld [smem:$0x3FAF];
	_ =	sdelay $0x3  }
0x37: {  	[smem:$0x3FAF] =	sst s10  }
0x38: {  	s10 =	sld [smem:$0x3FB0]  }
0x39: {  	_ = 	snop;
	(pc) =	sbr.ind lr, $3  }
0x3a: {  	_ = 	snop  }
0x3b: {  	_ = 	snop  }
0x3c: {  	p2 =	seq.s32 s10, $0x1;
	s10 =	sld [smem:$0x3FAF]  }
0x3d: {  	_ =	shalt  }
0x3e: {  	_ =	shalt  }
0x3f: {  	_ =	shalt  }
0x40: {  	_ =	shalt  }
0x41: {  	_ =	shalt  }
0x42: {  	_ =	shalt  }
0x43: {  	_ =	shalt  }
0x44: {  	_ =	shalt  }
0x45: {  	_ =	shalt  }
0x46: {  	_ =	shalt  }
0x47: {  	_ =	shalt  }
0x48: {  	_ =	shalt  }
0x49: {  	_ =	shalt  }
0x4a: {  	_ =	shalt  }
0x4b: {  	_ =	shalt  }
0x4c: {  	_ =	shalt  }
0x4d: {  	_ =	shalt  }
0x4e: {  	_ =	shalt  }
0x4f: {  	_ =	shalt  }
0x50: {  	_ =	shalt  }
0x51: {  	_ =	shalt  }
0x52: {  	_ =	shalt  }
0x53: {  	_ =	shalt  }
0x54: {  	_ =	shalt  }
0x55: {  	_ =	shalt  }
0x56: {  	_ =	shalt  }
0x57: {  	_ =	shalt  }
0x58: {  	_ =	shalt  }
0x59: {  	_ =	shalt  }
0x5a: {  	_ =	shalt  }
0x5b: {  	_ =	shalt  }
0x5c: {  	_ =	shalt  }
0x5d: {  	_ =	shalt  }
0x5e: {  	_ =	shalt  }
0x5f: {  	_ =	shalt  }
0x60: {  	_ =	shalt  }
0x61: {  	_ =	shalt  }
0x62: {  	_ =	shalt  }
0x63: {  	_ =	shalt  }
0x64: {  	_ =	shalt  }
0x65: {  	_ =	shalt  }
0x66: {  	_ =	shalt  }
0x67: {  	_ =	shalt  }
0x68: {  	_ =	shalt  }
0x69: {  	_ =	shalt  }
0x6a: {  	_ =	shalt  }
0x6b: {  	_ =	shalt  }
0x6c: {  	_ =	shalt  }
0x6d: {  	_ =	shalt  }
0x6e: {  	_ =	shalt  }
0x6f: {  	_ =	shalt  }
0x70: {  	_ =	shalt  }
0x71: {  	_ =	shalt  }
0x72: {  	_ =	shalt  }
0x73: {  	_ =	shalt  }
0x74: {  	_ =	shalt  }
0x75: {  	_ =	shalt  }
0x76: {  	_ =	shalt  }
0x77: {  	_ =	shalt  }
0x78: {  	_ =	shalt  }
0x79: {  	_ =	shalt  }
0x7a: {  	_ =	shalt  }
0x7b: {  	_ =	shalt  }
0x7c: {  	_ =	shalt  }
0x7d: {  	_ =	shalt  }
0x7e: {  	_ =	shalt  }
0x7f: {  	_ =	shalt  }
0x80: {  	_ =	shalt  }
0x81: {  	_ =	shalt  }
0x82: {  	_ =	shalt  }
0x83: {  	_ =	shalt  }
0x84: {  	_ =	shalt  }
0x85: {  	_ =	shalt  }
0x86: {  	_ =	shalt  }
0x87: {  	_ =	shalt  }
.Lfunc_end0:
.L_simem_size_0:
called_computation_lowered:
.L_overlay_start_0:
0x88: {  	s2 =	sld [smem:$0x3FD9]  }
0x89: {  	s3 =	sld [smem:$0x3FFE];
	_ =	sdelay $0x1  }
0x8a: {  	s1 =	srdreg.scid  }
0x8b: {  	s0 =	sand.u32 $0x1, s1  }
0x8c: {  	s16 =	sshll.u32 s0, $0xA;
	s2 =	sadd.s32 s3, s2  }
0x8d: {  	s2 =	sadd.s32 s2, s16  }
0x8e: {  	[smem:$0x3FBB] =	sst s2  }
0x8f: {  	_ = 	snop  }
0x90: {  	(tm) =	ssettm $0x1  }
0x91: {  	s17 =	sld [smem:$0x3FFB];
	_ =	sdelay $0x3  }
0x92: {  	_ =	strace s17  }
0x93: {  	s2 =	sld [smem:$0x3FFC];
	_ =	sdelay $0x3  }
0x94: {  	_ =	strace s2  }
0x95: {  	s2 =	sld [smem:$0x3FFD];
	_ =	sdelay $0x3  }
0x96: {  	_ =	strace s2  }
0x97: {  	_ =	strace $0x8FFFFFFF  }
0x98: {  	s18 =	sld [smem:$0x3FDB];
	_ =	sdelay $0x1  }
0x99: {  	s19 =	simm.s32 $_scs_section_size  }
0x9a: {  	s4 =	simm.s32 $_size__tile_overlayer_lowered;
	s5 =	simm.s32 $_tile_overlayer_lowered  }
0x9b: {  	s22 =	simm.s32 $0x1BFF;
	s21 =	sshll.u32 s5, $0x1;
	s2 =	sadd.s32 s19, s18  }
0x9c: {  	s6 =	simm.s32 $0x0;
	s20 =	sshll.u32 s4, $0x1;
	s4 =	sadd.s32 s21, s2  }
0x9d: {  	[timem:s6], [sflag:s22] =	dma.local [hbm:s4], s20  }
0x9e: {  	_ =	swait.ge [sflag:s22], s20  }
0x9f: {  	s3 =	ssub.s32 $0x0, s20;
	[sflag:s22] =	ssyncset.done $0x0  }
0xa0: {  	[sflag:s22] =	ssyncadd.s32 s3;
	_ =	sdelay $0x1  }
0xa1: {  	s23 =	simm.s32 $0x1B8B  }
0xa2: {  	_ =	swait.ge [sflag:s23], $0x1  }
0xa3: {  	[sflag:s23] =	ssyncset.done $0x0  }
0xa4: {  	s25 =	simm.s32 $0x1B8E;
	s24 =	sld [smem:$0x3FFE];
	[sflag:s23] =	ssyncadd.s32 $0xFFFFFFFF  }
0xa5: {  	s26 =	simm.s32 $execute0_lowered;
	[smem:$0x3FD2] =	sst s25  }
0xa6: {  	s4 =	sshll.u32 s26, $0x1;
	_ =	strace $0x80000046;
	[dreg:$0x1] =	wrdreg $0xFFFFFFFF  }
0xa7: {  	s28 =	simm.s32 $_size_execute0_lowered;
	s2 =	sadd.s32 s2, s4;
	[dreg:$0x0] =	wrdreg $0x0  }
0xa8: {  	s4 =	sshll.u32 s28, $0x1;
	[dreg:$0x2] =	wrdreg s2  }
0xa9: {  	[dreg:$0x3] =	wrdreg s4  }
0xaa: {  	[dreg:$0x4] =	wrdreg $0xC0  }
0xab: {  	_ =	task [dreg:s6], $0x5FFFF  }
0xac: {  	[dreg:$0x1] =	wrdreg $0xFFFFFFFF  }
0xad: {  	[dreg:$0x0] =	wrdreg $0x60  }
0xae: {  	[dreg:$0x2] =	wrdreg s24  }
0xaf: {  	[dreg:$0x3] =	wrdreg $0x30000  }
0xb0: {  	[dreg:$0x4] =	wrdreg $0x9  }
0xb1: {  	_ =	task.clear_ibuf [dreg:s6], $0x5FFFF;
	_ =	strace $0x90000046  }
0xb2: {  	s29 =	simm.s32 $0x9;
	_ =	strace $0x80000048  }
0xb3: {  	_ =	swait.ge [sflag:s29], $0x1  }
0xb4: {  	[sflag:s29] =	ssyncadd.s32 $0xFFFFFFFF  }
0xb5: {  	_ =	strace $0x90000048  }
0xb6: {  	_ =	sfence  }
0xb7: {  	s30 =	sld [smem:$0x0];
	_ =	sdelay $0x2  }
0xb8: {  	s31 =	sshll.u32 s1, $0xD;
	s1 =	sshrl.u32 s1, $0x2  }
0xb9: {  	s3 =	sand.u32 $0x4000, s31;
	s1 =	sadd.s32 s1, s30  }
0xba: {  	s0 =	sor.u32 s3, s0;
	s1 =	sshll.u32 s1, $0x11  }
0xbb: {  	s0 =	sor.u32 s1, s0  }
0xbc: {  	s0 =	sadd.s32 $0x8F2B, s0  }
0xbd: {  	[sflag:s0] =	ssyncadd.remote.s32 $0x1  }
0xbe: {  	_ =	sfence.sel $0xFFFF  }
0xbf: {  	[dreg:$0x0] =	wrdreg $0xFFFFFFFF;
	(pc) =	sbr.abs _section_cstart, $3  }
0xc0: {  	[dreg:$0x1] =	wrdreg $0xFFFFFFFF  }
0xc1: {  	_ =	task.clear_ibuf [dreg:s6], $0x2FFFF;
	_ =	strace $0x9FFFFFFF  }
0xc2: {  	(tm) =	ssettm $0x7FFFFFFF  }
0xc3: {  	_ =	shalt  }
tec
execute0_lowered:
.L_overlay_start_1:
0x0: {  	(tag) =	ssettag $0x1  }
0x1: {  	s5 =	rddreg [dreg:$0x0]  }
0x2: {  	s0 =	srdreg.scid;
	s2 =	rddreg [dreg:$0x1]  }
0x3: {  	s3 =	simm.s32 $0x0;
	s4 =	sand.u32 $0x1, s0;
	s0 =	stileid.u32  }
0x4: {  	s13 =	simm.s32 $0x2800;
	s14 =	simm.s32 $0x80;
	s7 =	smul.u32 $0x2800, s0  }
0x5: {  	s17 =	simm.s32 $0x0;
	[smem:$0x7FF] =	sst s3;
	s8 =	smul.u32 $0x28000, s4  }
0x6: {  	s1 =	sshll.u32 s4, $0x4;
	s9 =	smul.u32 $0xA000, s0;
	s4 =	ssub.s32 $0x2, s4  }
0x7: {  	s15 =	sshll.u32 s0, $0x6;
	s1 =	sor.u32 s0, s1;
	s10 =	sshrl.u32 s4, $0x1  }
0x8: {  	s15 =	sor.u32 $0x1C01, s15;
	s6 =	smul.u32 $0x500, s1;
	s1 =	rddreg [dreg:$0x2]  }
0x9: {  	_ =	strace $0x80000047;
	s8 =	sadd.s32 s7, s8;
	s9 =	sshrl.u32 s9, $0x2  }
0xa: {  	s12 =	ssub.s32 s4, s10;
	s8 =	sshrl.u32 s8, $0x3;
	s9 =	sadd.s32 s9, s2  }
0xb: {  	s6 =	sadd.s32 s6, s5;
	s11 =	sadd.s32 s8, s5;
	s5 =	sadd.s32 s7, s2  }
0xc: {  	s7 =	sadd.s32 $0x1000, s9;
	s8 =	sadd.s32 $0x1800, s9;
	s4 =	sadd.s32 $0x2200, s6  }
0xd: {  	s6 =	sadd.s32 $0x800, s9;
	s9 =	sadd.s32 $0x2000, s9;
	s10 =	sadd.s32 $0xC200, s11  }
0xe: {  	v0 =	vimm.f32 $0.0e+00;
	v1 =	vimm.f32 $1.000000000e+00;
	s11 =	smax.u32 s12, $0x1;
	s12 =	simm.s32 $0x1;
	s16 =	sshrl.u32 s5, $0x3  }
.LBB2_1:
0xf: {  	[tilespmem:s3], [sflag:$0x1] =	stream.linear.gather [hbm4b:s4+s3], $0x2800, $0x38;
	[tilespmem:$0x5800] =	vst v63  }
0x10: {  	_ =	swait.ge [sflag:s12], $0x2800  }
0x11: {  	[sflag:s12] =	ssyncset.done $0x0  }
0x12: {  	s18 =	simm.s32 $0x40;
	s19 =	simm.s32 $0x0;
	[sflag:s12] =	ssyncadd.s32 $0xFFFFD800  }
.LBB2_2:
0x13: {  	p0 =	sne.s32 s18, $0x1FC0;
	[tilespmem:s19+$0x2800] =	vst v0;
	s19 =	smov.u32 s18;
	s18 =	sadd.s32 $0x40, s18  }
.Ltmp0:
0x14: {  	(pc) =	sbr.rel @p0 .LBB2_2-.Ltmp0, $2  }
0x15: {  	_ =	sdelay $0x2  }
0x16: {  	s19 =	sshra.s32 s19, $0x2  }
0x17: {  	[tilespmem:s19+$0x2800] =	vst v0  }
0x18: {  	[spmem:s5] =	stream.linear.scatter [tilespmem:s13], [sflag:$0x1], $0x800, $0x38;
	[tilespmem:$0x5800] =	vst v63  }
0x19: {  	_ =	swait.ge [sflag:s12], $0x800  }
0x1a: {  	[sflag:s12] =	ssyncset.done $0x0  }
0x1b: {  	[sflag:s12] =	ssyncadd.s32 $0xFFFFF800  }
0x1c: {  	[spmem:s6] =	stream.linear.scatter [tilespmem:s13], [sflag:$0x1], $0x800, $0x38;
	[tilespmem:$0x5800] =	vst v63  }
0x1d: {  	_ =	swait.ge [sflag:s12], $0x800  }
0x1e: {  	[sflag:s12] =	ssyncset.done $0x0  }
0x1f: {  	[sflag:s12] =	ssyncadd.s32 $0xFFFFF800  }
0x20: {  	[spmem:s7] =	stream.linear.scatter [tilespmem:s13], [sflag:$0x1], $0x800, $0x38;
	[tilespmem:$0x5800] =	vst v63  }
0x21: {  	_ =	swait.ge [sflag:s12], $0x800  }
0x22: {  	[sflag:s12] =	ssyncset.done $0x0  }
0x23: {  	[sflag:s12] =	ssyncadd.s32 $0xFFFFF800  }
0x24: {  	[spmem:s8] =	stream.linear.scatter [tilespmem:s13], [sflag:$0x1], $0x800, $0x38;
	[tilespmem:$0x5800] =	vst v63  }
0x25: {  	_ =	swait.ge [sflag:s12], $0x800  }
0x26: {  	[sflag:s12] =	ssyncset.done $0x0  }
0x27: {  	[sflag:s12] =	ssyncadd.s32 $0xFFFFF800  }
0x28: {  	[spmem:s9] =	stream.linear.scatter [tilespmem:s13], [sflag:$0x1], $0x800, $0x38;
	[tilespmem:$0x5800] =	vst v63  }
0x29: {  	_ =	swait.ge [sflag:s12], $0x800  }
0x2a: {  	[sflag:s12] =	ssyncset.done $0x0  }
0x2b: {  	s18 =	simm.s32 $0x40;
	s19 =	simm.s32 $0x0;
	[sflag:s12] =	ssyncadd.s32 $0xFFFFF800  }
.LBB2_4:
0x2c: {  	p0 =	sne.s32 s18, $0x1FC0;
	[tilespmem:s19+$0x2800] =	vst v1;
	s19 =	smov.u32 s18;
	s18 =	sadd.s32 $0x40, s18  }
.Ltmp1:
0x2d: {  	(pc) =	sbr.rel @p0 .LBB2_4-.Ltmp1, $2  }
0x2e: {  	_ =	sdelay $0x2  }
0x2f: {  	s19 =	sshra.s32 s19, $0x2  }
0x30: {  	[tilespmem:s19+$0x2800] =	vst v1  }
0x31: {  	s18 =	simm.s32 $0x0;
	[bflag:$0x0] =	sbarrier.arrive $0xFFFF  }
0x32: {  	[spmem:s2] =	stream.indirect.scatter.add.f32 [tilespmem:s13], [sflag:$0x1], $0x10, s18, s14, $0xb8;
	[tilespmem:$0x5800] =	vst v63  }
0x33: {  	_ =	swait.ge [sflag:s12], $0x800  }
0x34: {  	s18 =	simm.s32 $0x200;
	[sflag:s12] =	ssyncset.done $0x0  }
.LBB2_6:
0x35: {  	s19 =	sshra.s32 s18, $0x2;
	[sflag:s12] =	ssyncadd.s32 $0xFFFFF800;
	p0 =	sne.s32 s18, $0x9E00  }
0x36: {  	[spmem:s2] =	stream.indirect.scatter.add.f32 [tilespmem:s13], [sflag:$0x1], $0x10, s19, s14, $0xb8;
	[tilespmem:$0x5800] =	vst v63  }
.Ltmp2:
0x37: {  	_ = 	snop;
	(pc) =	sbr.rel @p0 .LBB2_6-.Ltmp2, $4  }
0x38: {  	_ = 	snop  }
0x39: {  	s18 =	sadd.s32 $0x200, s18  }
0x3a: {  	_ =	swait.ge [sflag:s12], $0x800  }
0x3b: {  	[sflag:s12] =	ssyncset.done $0x0  }
0x3c: {  	s17 =	sadd.s32 $0x1, s17  }
0x3d: {  	[sflag:s12] =	ssyncadd.s32 $0xFFFFF800;
	p0 =	sne.s32 s17, s11  }
.Ltmp3:
0x3e: {  	[bflag:$0x0] =	sbarrier.arrive $0xFFFF;
	(pc) =	sbr.rel @p0 .LBB2_1-.Ltmp3, $4  }
0x3f: {  	[hbm:s10], [sflag:s15] =	dma.local [spmem:s16], $0x500  }
0x40: {  	_ =	swait.ge [sflag:s12], $0x500  }
0x41: {  	[sflag:s12] =	ssyncset.done $0x0  }
0x42: {  	[sflag:s12] =	ssyncadd.s32 $0xFFFFFB00  }
0x43: {  	_ =	sfence.sel $0x180000  }
0x44: {  	[bflag:$0x0] =	sbarrier.arrive $0xFFFF  }
0x45: {  	p0 =	sne.s32 s0, $0x0;
	_ =	strace $0x90000047  }
0x46: {  	s0 =	sadd.s32 @!p0 $0x100000, s1;
	[bflag:$0x2] =	sbarrier.arrive $0xFFFF  }
0x47: {  	[sflag:s0] =	ssyncadd.tile.s32 @!p0 $0x1;
	_ =	shalt  }
.Lfunc_end2:
_tile_overlayer_lowered:
.L_overlay_start_2:
0x48: {  	(tag) =	ssettag $0x2  }
0x49: {  	s0 =	rddreg [dreg:$0x0];
	s2 =	stileid.u32  }
0x4a: {  	s1 =	rddreg [dreg:$0x1];
	p0 =	sne.s32 s2, $0x0  }
0x4b: {  	s3 =	rddreg [dreg:$0x2];
	[bflag:$0x3] =	sbarrier.arrive $0xFFFF;
	s2 =	simm.s32 @!p0 $0x1C01  }
0x4c: {  	[timem:s3], [sflag:s2] =	dma.local @!p0 [hbm:s0], s1  }
0x4d: {  	s0 =	simm.s32 @!p0 $0x1  }
0x4e: {  	_ =	swait.ge @!p0 [sflag:s0], s1  }
0x4f: {  	s1 =	ssub.s32 @!p0 $0x0, s1;
	[sflag:s0] =	ssyncset.done @!p0 $0x0  }
0x50: {  	[sflag:s0] =	ssyncadd.s32 @!p0 s1  }
0x51: {  	[bflag:$0x3] =	sbarrier.arrive $0xFFFF  }
0x52: {  	_ =	shalt  }

// kernel: kernel.13.cloned.1.call-start
scs
__scs_entry_jumppad:
0x0: {  	(pc) =	sbr.rel $0x88, $3  }
0x1: {  	(tag) =	ssettag $0x0;
	lr =	simm.s32 $0x1  }
0x2: {  	[smem:$0x3F94] =	sst lr;
	_ =	strace $0xD0000000  }
0x3: {  	_ = 	snop  }
0x4: {  	_ = 	snop  }
0x5: {  	_ = 	snop  }
0x6: {  	_ = 	snop  }
0x7: {  	_ = 	snop  }
__scs_overlays_trampoline_lowered:
0x8: {  	[smem:$0x3FA3] =	sst s0  }
0x9: {  	[smem:$0x3FA4] =	sst s1  }
0xa: {  	[smem:$0x3FA5] =	sst s2  }
0xb: {  	[smem:$0x3FA6] =	sst s3  }
0xc: {  	[smem:$0x3FA7] =	sst s4  }
0xd: {  	[smem:$0x3FA8] =	sst s5  }
0xe: {  	[smem:$0x3FA9] =	sst s6  }
0xf: {  	[smem:$0x3FAA] =	sst s7  }
0x10: {  	[smem:$0x3FAB] =	sst s8  }
0x11: {  	[smem:$0x3FAC] =	sst s9;
	s0 =	simm.s32 @!p0 $0x0  }
0x12: {  	s1 =	sld [smem:$0x3F92];
	s0 =	simm.s32 @p0 $0x1  }
0x13: {  	[smem:$0x3FAD] =	sst s0;
	s0 =	simm.s32 @!p1 $0x0  }
0x14: {  	s2 =	sld [smem:$0x3F91];
	s0 =	simm.s32 @p1 $0x1  }
0x15: {  	[smem:$0x3FAE] =	sst s0;
	s0 =	simm.s32 @!p2 $0x0  }
0x16: {  	s3 =	sld [smem:$0x3FDB];
	s0 =	simm.s32 @p2 $0x1  }
0x17: {  	s4 =	simm.s32 $0x1BF5;
	[smem:$0x3FB0] =	sst s0  }
0x18: {  	s0 =	sld [smem:$0x3F93];
	_ =	swait.ge [sflag:s4], $0x0  }
0x19: {  	s7 =	sld [smem:$0x3F94]  }
0x1a: {  	s8 =	sadd.s32 $0xFFFFE003, lr  }
0x1b: {  	s9 =	sadd.s32 $0xFFFFFEF7, lr;
	s5 =	simm.s32 $0xFFFFFFFF;
	p2 =	slt.u32 s8, $0xFFFFF086  }
0x1c: {  	p1 =	slt.u32 s9, $0xF7A;
	s5 =	simm.s32 @!p2 $0x0  }
0x1d: {  	s5 =	simm.s32 @p1 $0x1;
	p0 =	seq.s32 s7, s2  }
0x1e: {  	s7 =	smul.u32 @!p0 $0xF7A, s2;
	p2 =	seq.s32 @!p0 s5, $0x0  }
0x1f: {  	s9 =	smul.u32 $0xF7A, s1;
	s8 =	simm.s32 @!p0 $0x1BF5;
	p2 =	por !p2, p0  }
0x20: {  	[sflag:s8] =	ssyncset.s32 @!p0 $0xFFFFF086;
	s6 =	sadd.s32 @!p0 s3, s7;
	s7 =	simm.s32 @!p0 $0x108  }
0x21: {  	s3 =	sadd.s32 s3, s9;
	s6 =	sadd.s32 @!p0 $0x88, s6;
	s7 =	simm.s32 @p2 $0x1082  }
0x22: {  	[simem:s7], [sflag:s8] =	dma.local @!p0 [hbm:s6], $0xF7A  }
0x23: {  	s9 =	sor.u32 $0xD0000000, s2;
	s6 =	simm.s32 $0x108;
	_ =	swait.ge @!p0 [sflag:s8], $0x0  }
0x24: {  	s3 =	sadd.s32 $0x88, s3;
	s6 =	simm.s32 @!p1 $0x1082;
	[sflag:s4] =	ssyncset.s32 $0xFFFFF086  }
0x25: {  	[simem:s6], [sflag:s4] =	dma.local [hbm:s3], $0xF7A  }
0x26: {  	[smem:$0x3F94] =	sst s1;
	(tag) =	ssettag s2;
	_ =	strace s9  }
0x27: {  	s1 =	sld [smem:$0x3FA4]  }
0x28: {  	s2 =	sld [smem:$0x3FA5]  }
0x29: {  	s4 =	sld [smem:$0x3FA7]  }
0x2a: {  	p0 =	seq.s32 s5, $0x0;
	s5 =	sld [smem:$0x3FA8]  }
0x2b: {  	s6 =	sld [smem:$0x3FA9]  }
0x2c: {  	s7 =	sld [smem:$0x3FAA]  }
0x2d: {  	s3 =	simm.s32 $0x108;
	s8 =	sld [smem:$0x3FAB]  }
0x2e: {  	s3 =	simm.s32 @!p0 $0x1082;
	s9 =	sld [smem:$0x3FAC]  }
0x2f: {  	lr =	sadd.s32 s0, s3;
	s0 =	sld [smem:$0x3FA3]  }
0x30: {  	s3 =	sld [smem:$0x3FA6]  }
0x31: {  	[smem:$0x3FAF] =	sst s10  }
0x32: {  	s10 =	sld [smem:$0x3FAD];
	_ =	sdelay $0x3  }
0x33: {  	p0 =	seq.s32 s10, $0x1;
	s10 =	sld [smem:$0x3FAF];
	_ =	sdelay $0x3  }
0x34: {  	[smem:$0x3FAF] =	sst s10  }
0x35: {  	s10 =	sld [smem:$0x3FAE];
	_ =	sdelay $0x3  }
0x36: {  	p1 =	seq.s32 s10, $0x1;
	s10 =	sld [smem:$0x3FAF];
	_ =	sdelay $0x3  }
0x37: {  	[smem:$0x3FAF] =	sst s10  }
0x38: {  	s10 =	sld [smem:$0x3FB0]  }
0x39: {  	_ = 	snop;
	(pc) =	sbr.ind lr, $3  }
0x3a: {  	_ = 	snop  }
0x3b: {  	_ = 	snop  }
0x3c: {  	p2 =	seq.s32 s10, $0x1;
	s10 =	sld [smem:$0x3FAF]  }
0x3d: {  	_ =	shalt  }
0x3e: {  	_ =	shalt  }
0x3f: {  	_ =	shalt  }
0x40: {  	_ =	shalt  }
0x41: {  	_ =	shalt  }
0x42: {  	_ =	shalt  }
0x43: {  	_ =	shalt  }
0x44: {  	_ =	shalt  }
0x45: {  	_ =	shalt  }
0x46: {  	_ =	shalt  }
0x47: {  	_ =	shalt  }
0x48: {  	_ =	shalt  }
0x49: {  	_ =	shalt  }
0x4a: {  	_ =	shalt  }
0x4b: {  	_ =	shalt  }
0x4c: {  	_ =	shalt  }
0x4d: {  	_ =	shalt  }
0x4e: {  	_ =	shalt  }
0x4f: {  	_ =	shalt  }
0x50: {  	_ =	shalt  }
0x51: {  	_ =	shalt  }
0x52: {  	_ =	shalt  }
0x53: {  	_ =	shalt  }
0x54: {  	_ =	shalt  }
0x55: {  	_ =	shalt  }
0x56: {  	_ =	shalt  }
0x57: {  	_ =	shalt  }
0x58: {  	_ =	shalt  }
0x59: {  	_ =	shalt  }
0x5a: {  	_ =	shalt  }
0x5b: {  	_ =	shalt  }
0x5c: {  	_ =	shalt  }
0x5d: {  	_ =	shalt  }
0x5e: {  	_ =	shalt  }
0x5f: {  	_ =	shalt  }
0x60: {  	_ =	shalt  }
0x61: {  	_ =	shalt  }
0x62: {  	_ =	shalt  }
0x63: {  	_ =	shalt  }
0x64: {  	_ =	shalt  }
0x65: {  	_ =	shalt  }
0x66: {  	_ =	shalt  }
0x67: {  	_ =	shalt  }
0x68: {  	_ =	shalt  }
0x69: {  	_ =	shalt  }
0x6a: {  	_ =	shalt  }
0x6b: {  	_ =	shalt  }
0x6c: {  	_ =	shalt  }
0x6d: {  	_ =	shalt  }
0x6e: {  	_ =	shalt  }
0x6f: {  	_ =	shalt  }
0x70: {  	_ =	shalt  }
0x71: {  	_ =	shalt  }
0x72: {  	_ =	shalt  }
0x73: {  	_ =	shalt  }
0x74: {  	_ =	shalt  }
0x75: {  	_ =	shalt  }
0x76: {  	_ =	shalt  }
0x77: {  	_ =	shalt  }
0x78: {  	_ =	shalt  }
0x79: {  	_ =	shalt  }
0x7a: {  	_ =	shalt  }
0x7b: {  	_ =	shalt  }
0x7c: {  	_ =	shalt  }
0x7d: {  	_ =	shalt  }
0x7e: {  	_ =	shalt  }
0x7f: {  	_ =	shalt  }
0x80: {  	_ =	shalt  }
0x81: {  	_ =	shalt  }
0x82: {  	_ =	shalt  }
0x83: {  	_ =	shalt  }
0x84: {  	_ =	shalt  }
0x85: {  	_ =	shalt  }
0x86: {  	_ =	shalt  }
0x87: {  	_ =	shalt  }
.Lfunc_end0:
.L_simem_size_0:
called_computation.1_lowered:
.L_overlay_start_0:
0x88: {  	s2 =	sld [smem:$0x3FD9]  }
0x89: {  	s3 =	sld [smem:$0x3FFE];
	_ =	sdelay $0x1  }
0x8a: {  	s1 =	srdreg.scid  }
0x8b: {  	s0 =	sand.u32 $0x1, s1  }
0x8c: {  	s16 =	sshll.u32 s0, $0xA;
	s2 =	sadd.s32 s3, s2  }
0x8d: {  	s2 =	sadd.s32 s2, s16  }
0x8e: {  	[smem:$0x3FBB] =	sst s2  }
0x8f: {  	_ = 	snop  }
0x90: {  	(tm) =	ssettm $0x1  }
0x91: {  	s17 =	sld [smem:$0x3FFB];
	_ =	sdelay $0x3  }
0x92: {  	_ =	strace s17  }
0x93: {  	s2 =	sld [smem:$0x3FFC];
	_ =	sdelay $0x3  }
0x94: {  	_ =	strace s2  }
0x95: {  	s2 =	sld [smem:$0x3FFD];
	_ =	sdelay $0x3  }
0x96: {  	_ =	strace s2  }
0x97: {  	_ =	strace $0x8FFFFFFF  }
0x98: {  	s18 =	sld [smem:$0x3FDB];
	_ =	sdelay $0x1  }
0x99: {  	s19 =	simm.s32 $_scs_section_size  }
0x9a: {  	s4 =	simm.s32 $_size__tile_overlayer_lowered;
	s5 =	simm.s32 $_tile_overlayer_lowered  }
0x9b: {  	s22 =	simm.s32 $0x1BFF;
	s21 =	sshll.u32 s5, $0x1;
	s2 =	sadd.s32 s19, s18  }
0x9c: {  	s6 =	simm.s32 $0x0;
	s20 =	sshll.u32 s4, $0x1;
	s4 =	sadd.s32 s21, s2  }
0x9d: {  	[timem:s6], [sflag:s22] =	dma.local [hbm:s4], s20  }
0x9e: {  	_ =	swait.ge [sflag:s22], s20  }
0x9f: {  	s3 =	ssub.s32 $0x0, s20;
	[sflag:s22] =	ssyncset.done $0x0  }
0xa0: {  	[sflag:s22] =	ssyncadd.s32 s3;
	_ =	sdelay $0x1  }
0xa1: {  	s23 =	simm.s32 $0x1B8B  }
0xa2: {  	_ =	swait.ge [sflag:s23], $0x1  }
0xa3: {  	[sflag:s23] =	ssyncset.done $0x0  }
0xa4: {  	s25 =	simm.s32 $0x1B8E;
	s24 =	sld [smem:$0x3FFE];
	[sflag:s23] =	ssyncadd.s32 $0xFFFFFFFF  }
0xa5: {  	s26 =	simm.s32 $execute0_lowered;
	[smem:$0x3FD2] =	sst s25  }
0xa6: {  	s4 =	sshll.u32 s26, $0x1;
	_ =	strace $0x80000049;
	[dreg:$0x1] =	wrdreg $0xFFFFFFFF  }
0xa7: {  	s28 =	simm.s32 $_size_execute0_lowered;
	s2 =	sadd.s32 s2, s4;
	[dreg:$0x0] =	wrdreg $0x0  }
0xa8: {  	s4 =	sshll.u32 s28, $0x1;
	[dreg:$0x2] =	wrdreg s2  }
0xa9: {  	[dreg:$0x3] =	wrdreg s4  }
0xaa: {  	[dreg:$0x4] =	wrdreg $0xC0  }
0xab: {  	_ =	task [dreg:s6], $0x5FFFF  }
0xac: {  	[dreg:$0x1] =	wrdreg $0xFFFFFFFF  }
0xad: {  	[dreg:$0x0] =	wrdreg $0x60  }
0xae: {  	[dreg:$0x2] =	wrdreg s24  }
0xaf: {  	[dreg:$0x3] =	wrdreg $0x130000  }
0xb0: {  	[dreg:$0x4] =	wrdreg $0x90000  }
0xb1: {  	[dreg:$0x5] =	wrdreg $0x9  }
0xb2: {  	_ =	task.clear_ibuf [dreg:s6], $0x6FFFF;
	_ =	strace $0x90000049  }
0xb3: {  	s29 =	simm.s32 $0x9;
	_ =	strace $0x8000004B  }
0xb4: {  	_ =	swait.ge [sflag:s29], $0x1  }
0xb5: {  	[sflag:s29] =	ssyncadd.s32 $0xFFFFFFFF  }
0xb6: {  	_ =	strace $0x9000004B  }
0xb7: {  	_ =	sfence  }
0xb8: {  	s30 =	sld [smem:$0x0];
	_ =	sdelay $0x2  }
0xb9: {  	s31 =	sshll.u32 s1, $0xD;
	s1 =	sshrl.u32 s1, $0x2  }
0xba: {  	s3 =	sand.u32 $0x4000, s31;
	s1 =	sadd.s32 s1, s30  }
0xbb: {  	s0 =	sor.u32 s3, s0;
	s1 =	sshll.u32 s1, $0x11  }
0xbc: {  	s0 =	sor.u32 s1, s0  }
0xbd: {  	s0 =	sadd.s32 $0x8F2B, s0  }
0xbe: {  	[sflag:s0] =	ssyncadd.remote.s32 $0x1  }
0xbf: {  	_ =	sfence.sel $0xFFFF  }
0xc0: {  	[dreg:$0x0] =	wrdreg $0xFFFFFFFF;
	(pc) =	sbr.abs _section_cstart, $3  }
0xc1: {  	[dreg:$0x1] =	wrdreg $0xFFFFFFFF  }
0xc2: {  	_ =	task.clear_ibuf [dreg:s6], $0x2FFFF;
	_ =	strace $0x9FFFFFFF  }
0xc3: {  	(tm) =	ssettm $0x7FFFFFFF  }
tec
execute0_lowered:
.L_overlay_start_1:
0x0: {  	(tag) =	ssettag $0x1  }
0x1: {  	s5 =	rddreg [dreg:$0x0]  }
0x2: {  	s2 =	rddreg [dreg:$0x1]  }
0x3: {  	s3 =	rddreg [dreg:$0x2]  }
0x4: {  	s0 =	rddreg [dreg:$0x3];
	s1 =	stileid.u32  }
0x5: {  	s6 =	srdreg.scid;
	s4 =	simm.s32 $0x0;
	s21 =	simm.s32 $0x2800  }
0x6: {  	s22 =	simm.s32 $0x80;
	s23 =	simm.s32 $0x7000;
	s24 =	simm.s32 $0x1  }
0x7: {  	s25 =	simm.s32 $0x2;
	s26 =	simm.s32 $0x4F00;
	s7 =	smul.u32 $0xA000, s1  }
0x8: {  	s28 =	simm.s32 $0x4F80;
	s12 =	sand.u32 $0x1, s6;
	s10 =	smul.u32 $0x28000, s1  }
0x9: {  	[smem:$0x7FF] =	sst s4;
	s14 =	sadd.s32 $0x16200, s5;
	s13 =	smul.u32 $0x2800, s1  }
0xa: {  	s15 =	sadd.s32 $0x2200, s5;
	s30 =	sshll.u32 s1, $0x6;
	s19 =	smul.u32 $0x500, s1  }
0xb: {  	s6 =	smul.u32 $0xA0000, s12;
	_ =	strace $0x8000004A;
	s9 =	ssub.s32 $0x2, s12  }
0xc: {  	p0 =	seq.s32 s12, $0x1;
	s8 =	sshrl.u32 s7, $0x3;
	s29 =	sshrl.u32 s9, $0x1  }
0xd: {  	s18 =	sadd.s32 s7, s2;
	s31 =	sshrl.u32 s10, $0x2;
	s13 =	sshrl.u32 s13, $0x3  }
0xe: {  	s12 =	sadd.s32 s14, s19;
	s8 =	sadd.s32 s8, s5;
	s6 =	sadd.s32 s7, s6  }
0xf: {  	s17 =	ssub.s32 s9, s29;
	s7 =	sadd.s32 s7, s3;
	s11 =	sadd.s32 s31, s3  }
0x10: {  	s20 =	sadd.s32 $0x5000, s13;
	s13 =	sadd.s32 s15, s19;
	s18 =	sshrl.u32 s18, $0x3  }
.Ltmp0:
0x11: {  	s19 =	simm.s32 $0x3;
	s6 =	sshrl.u32 s6, $0x3;
	(pc) =	sbr.rel .LBB2_1-.Ltmp0, $4  }
0x12: {  	s9 =	sadd.s32 $0x4000, s11;
	s10 =	sadd.s32 $0x6000, s11;
	s14 =	sadd.s32 s14, s20  }
0x13: {  	s15 =	sadd.s32 s15, s20;
	s17 =	smax.u32 s17, $0x1;
	s20 =	simm.s32 $0x5000  }
0x14: {  	s16 =	sadd.s32 s6, s5;
	s5 =	sadd.s32 $0x20200, s8;
	s6 =	sor.u32 $0x1C03, s30  }
0x15: {  	v0 =	vimm.f32 $0.0e+00;
	s8 =	sadd.s32 $0x2000, s11;
	s11 =	sadd.s32 $0x8000, s11;
	s16 =	sadd.s32 $0x34200, s16  }
.LBB2_6:
0x16: {  	[tilespmem:s23], [sflag:$0x2] =	stream.indirect.gather [spmem:s2], $0x40, s30, s22, $0xb8;
	[tilespmem:$0x1D000] =	vst v63  }
.LBB2_10:
0x17: {  	_ =	swait.ge [sflag:s24], $0x2000  }
0x18: {  	[sflag:s24] =	ssyncset.done $0x0  }
0x19: {  	[sflag:s24] =	ssyncadd.s32 $0xFFFFE000  }
0x1a: {  	[spmem:s3] =	stream.indirect.scatter.add.f32 [tilespmem:s20], [sflag:$0x3], $0x40, s26, s22, $0xb8;
	[tilespmem:$0x1D000] =	vst v63  }
0x1b: {  	_ =	swait.ge [sflag:s19], $0x2000  }
0x1c: {  	[sflag:s19] =	ssyncset.done $0x0  }
0x1d: {  	[sflag:s19] =	ssyncadd.s32 $0xFFFFE000  }
0x1e: {  	_ =	swait.ge [sflag:s25], $0x2000  }
0x1f: {  	[sflag:s25] =	ssyncset.done $0x0  }
0x20: {  	[sflag:s25] =	ssyncadd.s32 $0xFFFFE000  }
0x21: {  	[spmem:s3] =	stream.indirect.scatter.add.f32 [tilespmem:s23], [sflag:$0x3], $0x40, s28, s22, $0xb8;
	[tilespmem:$0x1D000] =	vst v63  }
0x22: {  	_ =	swait.ge [sflag:s19], $0x2000  }
0x23: {  	s4 =	sadd.s32 $0x1, s4;
	[sflag:s19] =	ssyncset.done $0x0  }
0x24: {  	p1 =	sne.s32 s4, s17;
	[sflag:s19] =	ssyncadd.s32 $0xFFFFE000  }
.Ltmp1:
0x25: {  	s29 =	sshrl.u32 s7, $0x3;
	[bflag:$0x0] =	sbarrier.arrive $0xFFFF;
	(pc) =	sbr.rel @!p1 .LBB2_11-.Ltmp1, $4  }
0x26: {  	[hbm:s16], [sflag:s6] =	dma.local [spmem:s29], $0x1400  }
0x27: {  	_ =	swait.ge [sflag:s19], $0x1400  }
0x28: {  	[sflag:s19] =	ssyncset.done $0x0  }
0x29: {  	[sflag:s19] =	ssyncadd.s32 $0xFFFFEC00  }
.LBB2_1:
0x2a: {  	[spmem:s18], [sflag:s6] =	dma.local [hbm:s5], $0x1400  }
0x2b: {  	_ =	swait.ge [sflag:s19], $0x1400  }
0x2c: {  	[sflag:s19] =	ssyncset.done $0x0  }
0x2d: {  	s30 =	simm.s32 $0x100;
	s29 =	simm.s32 $0x0;
	[sflag:s19] =	ssyncadd.s32 $0xFFFFEC00  }
.LBB2_2:
0x2e: {  	p1 =	sne.s32 s30, $0x7F00;
	[tilespmem:s29+$0x5030] =	vst v0;
	s31 =	smov.u32 s30;
	s30 =	sadd.s32 $0x100, s30  }
.Ltmp2:
0x2f: {  	[tilespmem:s29+$0x5020] =	vst v0;
	(pc) =	sbr.rel @p1 .LBB2_2-.Ltmp2, $3  }
0x30: {  	[tilespmem:s29+$0x5000] =	vst v0  }
0x31: {  	[tilespmem:s29+$0x5010] =	vst v0;
	_ =	sdelay $0x1  }
0x32: {  	s29 =	sshra.s32 s31, $0x2  }
0x33: {  	[tilespmem:s29+$0x5030] =	vst v0  }
0x34: {  	[tilespmem:s29+$0x5020] =	vst v0  }
0x35: {  	[tilespmem:s29+$0x5000] =	vst v0  }
0x36: {  	[tilespmem:s29+$0x5010] =	vst v0  }
0x37: {  	[spmem:s7] =	stream.linear.scatter [tilespmem:s20], [sflag:$0x3], $0x2000, $0x38;
	[tilespmem:$0x1D000] =	vst v63  }
0x38: {  	_ =	swait.ge [sflag:s19], $0x2000  }
0x39: {  	[sflag:s19] =	ssyncset.done $0x0  }
0x3a: {  	[sflag:s19] =	ssyncadd.s32 $0xFFFFE000  }
0x3b: {  	[spmem:s8] =	stream.linear.scatter [tilespmem:s20], [sflag:$0x3], $0x2000, $0x38;
	[tilespmem:$0x1D000] =	vst v63  }
0x3c: {  	_ =	swait.ge [sflag:s19], $0x2000  }
0x3d: {  	[sflag:s19] =	ssyncset.done $0x0  }
0x3e: {  	[sflag:s19] =	ssyncadd.s32 $0xFFFFE000  }
0x3f: {  	[spmem:s9] =	stream.linear.scatter [tilespmem:s20], [sflag:$0x3], $0x2000, $0x38;
	[tilespmem:$0x1D000] =	vst v63  }
0x40: {  	_ =	swait.ge [sflag:s19], $0x2000  }
0x41: {  	[sflag:s19] =	ssyncset.done $0x0  }
0x42: {  	[sflag:s19] =	ssyncadd.s32 $0xFFFFE000  }
0x43: {  	[spmem:s10] =	stream.linear.scatter [tilespmem:s20], [sflag:$0x3], $0x2000, $0x38;
	[tilespmem:$0x1D000] =	vst v63  }
0x44: {  	_ =	swait.ge [sflag:s19], $0x2000  }
0x45: {  	[sflag:s19] =	ssyncset.done $0x0  }
0x46: {  	[sflag:s19] =	ssyncadd.s32 $0xFFFFE000  }
0x47: {  	[spmem:s11] =	stream.linear.scatter [tilespmem:s20], [sflag:$0x3], $0x2000, $0x38;
	[tilespmem:$0x1D000] =	vst v63  }
.Ltmp3:
0x48: {  	_ =	swait.ge [sflag:s19], $0x2000;
	(pc) =	sbr.rel @!p0 .LBB2_4-.Ltmp3, $4  }
0x49: {  	[sflag:s19] =	ssyncset.done $0x0  }
0x4a: {  	[sflag:s19] =	ssyncadd.s32 $0xFFFFE000  }
0x4b: {  	[bflag:$0x0] =	sbarrier.arrive $0xFFFF  }
0x4c: {  	s29 =	simm.s32 $0x0  }
0x4d: {  	[tilespmem:s29], [sflag:$0x3] =	stream.linear.gather [hbm4b:s14+s29], $0x2800, $0x38;
	[tilespmem:$0x1D000] =	vst v63  }
0x4e: {  	_ =	swait.ge [sflag:s19], $0x2800  }
0x4f: {  	[sflag:s19] =	ssyncset.done $0x0  }
0x50: {  	[sflag:s19] =	ssyncadd.s32 $0xFFFFD800  }
0x51: {  	[tilespmem:s21], [sflag:$0x3] =	stream.linear.gather [hbm4b:s15+s29], $0x2800, $0x38;
	[tilespmem:$0x1D000] =	vst v63  }
0x52: {  	_ =	swait.ge [sflag:s19], $0x2800  }
0x53: {  	[sflag:s19] =	ssyncset.done $0x0  }
0x54: {  	[sflag:s19] =	ssyncadd.s32 $0xFFFFD800  }
0x55: {  	[tilespmem:s20], [sflag:$0x1] =	stream.indirect.gather [spmem:s2], $0x40, s29, s22, $0xb8;
	[tilespmem:$0x1D000] =	vst v63  }
0x56: {  	_ = 	snop  }
0x57: {  	[tilespmem:s23], [sflag:$0x2] =	stream.indirect.gather [spmem:s2], $0x40, s22, s22, $0xb8;
	[tilespmem:$0x1D000] =	vst v63  }
0x58: {  	_ =	swait.ge [sflag:s24], $0x2000  }
0x59: {  	[sflag:s24] =	ssyncset.done $0x0  }
0x5a: {  	s29 =	simm.s32 $0x2800;
	[sflag:s24] =	ssyncadd.s32 $0xFFFFE000  }
0x5b: {  	[spmem:s3] =	stream.indirect.scatter.add.f32 [tilespmem:s20], [sflag:$0x3], $0x40, s29, s22, $0xb8;
	[tilespmem:$0x1D000] =	vst v63  }
0x5c: {  	_ =	swait.ge [sflag:s19], $0x2000  }
0x5d: {  	[sflag:s19] =	ssyncset.done $0x0  }
0x5e: {  	s29 =	simm.s32 $0x100;
	[sflag:s19] =	ssyncadd.s32 $0xFFFFE000  }
0x5f: {  	[tilespmem:s20], [sflag:$0x1] =	stream.indirect.gather [spmem:s2], $0x40, s29, s22, $0xb8;
	[tilespmem:$0x1D000] =	vst v63  }
0x60: {  	_ =	swait.ge [sflag:s25], $0x2000  }
0x61: {  	[sflag:s25] =	ssyncset.done $0x0  }
0x62: {  	s29 =	simm.s32 $0x2880;
	[sflag:s25] =	ssyncadd.s32 $0xFFFFE000  }
0x63: {  	[spmem:s3] =	stream.indirect.scatter.add.f32 [tilespmem:s23], [sflag:$0x3], $0x40, s29, s22, $0xb8;
	[tilespmem:$0x1D000] =	vst v63  }
0x64: {  	_ =	swait.ge [sflag:s19], $0x2000  }
0x65: {  	[sflag:s19] =	ssyncset.done $0x0  }
0x66: {  	s30 =	simm.s32 $0x180;
	s29 =	simm.s32 $0x400;
	[sflag:s19] =	ssyncadd.s32 $0xFFFFE000  }
.LBB2_8:
0x67: {  	[tilespmem:s23], [sflag:$0x2] =	stream.indirect.gather [spmem:s2], $0x40, s30, s22, $0xb8;
	[tilespmem:$0x1D000] =	vst v63  }
0x68: {  	s30 =	smov.u32 s29  }
0x69: {  	p1 =	sne.s32 s29, $0x9800;
	s29 =	sadd.s32 $0x400, s29;
	_ =	swait.ge [sflag:s24], $0x2000  }
0x6a: {  	s30 =	sshra.s32 s30, $0x2;
	[sflag:s24] =	ssyncset.done $0x0  }
0x6b: {  	s31 =	sadd.s32 $0x2800, s30;
	[sflag:s24] =	ssyncadd.s32 $0xFFFFE000  }
0x6c: {  	[spmem:s3] =	stream.indirect.scatter.add.f32 [tilespmem:s20], [sflag:$0x3], $0x40, s31, s22, $0xb8;
	[tilespmem:$0x1D000] =	vst v63  }
0x6d: {  	_ =	swait.ge [sflag:s19], $0x2000  }
0x6e: {  	[sflag:s19] =	ssyncset.done $0x0  }
0x6f: {  	s31 =	sadd.s32 $0x100, s30;
	[sflag:s19] =	ssyncadd.s32 $0xFFFFE000  }
0x70: {  	[tilespmem:s20], [sflag:$0x1] =	stream.indirect.gather [spmem:s2], $0x40, s31, s22, $0xb8;
	[tilespmem:$0x1D000] =	vst v63  }
0x71: {  	_ =	swait.ge [sflag:s25], $0x2000  }
0x72: {  	[sflag:s25] =	ssyncset.done $0x0  }
.Ltmp4:
0x73: {  	s31 =	sadd.s32 $0x2880, s30;
	[sflag:s25] =	ssyncadd.s32 $0xFFFFE000;
	(pc) =	sbr.rel @p1 .LBB2_8-.Ltmp4, $4  }
0x74: {  	[spmem:s3] =	stream.indirect.scatter.add.f32 [tilespmem:s23], [sflag:$0x3], $0x40, s31, s22, $0xb8;
	[tilespmem:$0x1D000] =	vst v63  }
0x75: {  	_ =	swait.ge [sflag:s19], $0x2000  }
0x76: {  	[sflag:s19] =	ssyncset.done $0x0  }
0x77: {  	s30 =	sadd.s32 $0x180, s30;
	[sflag:s19] =	ssyncadd.s32 $0xFFFFE000  }
.Ltmp5:
0x78: {  	(pc) =	sbr.rel .LBB2_10-.Ltmp5, $2  }
0x79: {  	_ =	sdelay $0x2  }
0x7a: {  	[tilespmem:s23], [sflag:$0x2] =	stream.indirect.gather [spmem:s2], $0x40, s30, s22, $0xb8;
	[tilespmem:$0x1D000] =	vst v63  }
.LBB2_4:
0x7b: {  	[tilespmem:s29], [sflag:$0x3] =	stream.linear.gather [hbm4b:s12+s29], $0x2800, $0x38;
	[tilespmem:$0x1D000] =	vst v63  }
0x7c: {  	_ =	swait.ge [sflag:s19], $0x2800  }
0x7d: {  	[sflag:s19] =	ssyncset.done $0x0  }
0x7e: {  	[sflag:s19] =	ssyncadd.s32 $0xFFFFD800  }
0x7f: {  	[tilespmem:s21], [sflag:$0x3] =	stream.linear.gather [hbm4b:s13+s29], $0x2800, $0x38;
	[tilespmem:$0x1D000] =	vst v63  }
0x80: {  	_ =	swait.ge [sflag:s19], $0x2800  }
0x81: {  	[sflag:s19] =	ssyncset.done $0x0  }
0x82: {  	[sflag:s19] =	ssyncadd.s32 $0xFFFFD800  }
0x83: {  	[tilespmem:s20], [sflag:$0x1] =	stream.indirect.gather [spmem:s2], $0x40, s29, s22, $0xb8;
	[tilespmem:$0x1D000] =	vst v63  }
0x84: {  	_ = 	snop  }
0x85: {  	[tilespmem:s23], [sflag:$0x2] =	stream.indirect.gather [spmem:s2], $0x40, s22, s22, $0xb8;
	[tilespmem:$0x1D000] =	vst v63  }
0x86: {  	_ =	swait.ge [sflag:s24], $0x2000  }
0x87: {  	[sflag:s24] =	ssyncset.done $0x0  }
0x88: {  	s29 =	simm.s32 $0x2800;
	[sflag:s24] =	ssyncadd.s32 $0xFFFFE000  }
0x89: {  	[spmem:s3] =	stream.indirect.scatter.add.f32 [tilespmem:s20], [sflag:$0x3], $0x40, s29, s22, $0xb8;
	[tilespmem:$0x1D000] =	vst v63  }
0x8a: {  	_ =	swait.ge [sflag:s19], $0x2000  }
0x8b: {  	[sflag:s19] =	ssyncset.done $0x0  }
0x8c: {  	s29 =	simm.s32 $0x100;
	[sflag:s19] =	ssyncadd.s32 $0xFFFFE000  }
0x8d: {  	[tilespmem:s20], [sflag:$0x1] =	stream.indirect.gather [spmem:s2], $0x40, s29, s22, $0xb8;
	[tilespmem:$0x1D000] =	vst v63  }
0x8e: {  	_ =	swait.ge [sflag:s25], $0x2000  }
0x8f: {  	[sflag:s25] =	ssyncset.done $0x0  }
0x90: {  	s29 =	simm.s32 $0x2880;
	[sflag:s25] =	ssyncadd.s32 $0xFFFFE000  }
0x91: {  	[spmem:s3] =	stream.indirect.scatter.add.f32 [tilespmem:s23], [sflag:$0x3], $0x40, s29, s22, $0xb8;
	[tilespmem:$0x1D000] =	vst v63  }
0x92: {  	_ =	swait.ge [sflag:s19], $0x2000  }
0x93: {  	[sflag:s19] =	ssyncset.done $0x0  }
0x94: {  	s30 =	simm.s32 $0x180;
	s29 =	simm.s32 $0x400;
	[sflag:s19] =	ssyncadd.s32 $0xFFFFE000  }
.LBB2_5:
0x95: {  	[tilespmem:s23], [sflag:$0x2] =	stream.indirect.gather [spmem:s2], $0x40, s30, s22, $0xb8;
	[tilespmem:$0x1D000] =	vst v63  }
0x96: {  	s30 =	smov.u32 s29  }
0x97: {  	p1 =	seq.s32 s29, $0x9800;
	s29 =	sadd.s32 $0x400, s29;
	_ =	swait.ge [sflag:s24], $0x2000  }
0x98: {  	s30 =	sshra.s32 s30, $0x2;
	[sflag:s24] =	ssyncset.done $0x0  }
0x99: {  	s31 =	sadd.s32 $0x2800, s30;
	[sflag:s24] =	ssyncadd.s32 $0xFFFFE000  }
0x9a: {  	[spmem:s3] =	stream.indirect.scatter.add.f32 [tilespmem:s20], [sflag:$0x3], $0x40, s31, s22, $0xb8;
	[tilespmem:$0x1D000] =	vst v63  }
0x9b: {  	_ =	swait.ge [sflag:s19], $0x2000  }
0x9c: {  	[sflag:s19] =	ssyncset.done $0x0  }
0x9d: {  	s31 =	sadd.s32 $0x100, s30;
	[sflag:s19] =	ssyncadd.s32 $0xFFFFE000  }
0x9e: {  	[tilespmem:s20], [sflag:$0x1] =	stream.indirect.gather [spmem:s2], $0x40, s31, s22, $0xb8;
	[tilespmem:$0x1D000] =	vst v63  }
0x9f: {  	_ =	swait.ge [sflag:s25], $0x2000  }
0xa0: {  	[sflag:s25] =	ssyncset.done $0x0  }
.Ltmp6:
0xa1: {  	s31 =	sadd.s32 $0x2880, s30;
	[sflag:s25] =	ssyncadd.s32 $0xFFFFE000;
	(pc) =	sbr.rel @!p1 .LBB2_5-.Ltmp6, $4  }
0xa2: {  	[spmem:s3] =	stream.indirect.scatter.add.f32 [tilespmem:s23], [sflag:$0x3], $0x40, s31, s22, $0xb8;
	[tilespmem:$0x1D000] =	vst v63  }
0xa3: {  	_ =	swait.ge [sflag:s19], $0x2000  }
0xa4: {  	[sflag:s19] =	ssyncset.done $0x0  }
0xa5: {  	s30 =	sadd.s32 $0x180, s30;
	[sflag:s19] =	ssyncadd.s32 $0xFFFFE000  }
.Ltmp7:
0xa6: {  	_ = 	snop;
	(pc) =	sbr.rel .LBB2_6-.Ltmp7, $1  }
0xa7: {  	_ =	sdelay $0x3  }
.LBB2_11:
0xa8: {  	_ =	sfence.sel $0x180000  }
0xa9: {  	[bflag:$0x0] =	sbarrier.arrive $0xFFFF  }
0xaa: {  	p0 =	sne.s32 s1, $0x0;
	_ =	strace $0x9000004A  }
0xab: {  	s0 =	sadd.s32 @!p0 $0x100000, s0;
	[bflag:$0x2] =	sbarrier.arrive $0xFFFF  }
0xac: {  	[sflag:s0] =	ssyncadd.tile.s32 @!p0 $0x1;
	_ =	shalt  }
.Lfunc_end2:
_tile_overlayer_lowered:
.L_overlay_start_2:
0xad: {  	(tag) =	ssettag $0x2  }
0xae: {  	s0 =	rddreg [dreg:$0x0];
	s2 =	stileid.u32  }
0xaf: {  	s1 =	rddreg [dreg:$0x1];
	p0 =	sne.s32 s2, $0x0  }
0xb0: {  	s3 =	rddreg [dreg:$0x2];
	[bflag:$0x3] =	sbarrier.arrive $0xFFFF;
	s2 =	simm.s32 @!p0 $0x1C03  }
0xb1: {  	[timem:s3], [sflag:s2] =	dma.local @!p0 [hbm:s0], s1  }
0xb2: {  	s0 =	simm.s32 @!p0 $0x3  }
0xb3: {  	_ =	swait.ge @!p0 [sflag:s0], s1  }
0xb4: {  	s1 =	ssub.s32 @!p0 $0x0, s1;
	[sflag:s0] =	ssyncset.done @!p0 $0x0  }
0xb5: {  	[sflag:s0] =	ssyncadd.s32 @!p0 s1  }
0xb6: {  	[bflag:$0x3] =	sbarrier.arrive $0xFFFF  }
0xb7: {  	_ =	shalt  }

// kernel: kernel.16.cloned.1.call-start
scs
__scs_entry_jumppad:
0x0: {  	(pc) =	sbr.rel $0x88, $3  }
0x1: {  	(tag) =	ssettag $0x0;
	lr =	simm.s32 $0x1  }
0x2: {  	[smem:$0x3F94] =	sst lr;
	_ =	strace $0xD0000000  }
0x3: {  	_ = 	snop  }
0x4: {  	_ = 	snop  }
0x5: {  	_ = 	snop  }
0x6: {  	_ = 	snop  }
0x7: {  	_ = 	snop  }
__scs_overlays_trampoline_lowered:
0x8: {  	[smem:$0x3FA3] =	sst s0  }
0x9: {  	[smem:$0x3FA4] =	sst s1  }
0xa: {  	[smem:$0x3FA5] =	sst s2  }
0xb: {  	[smem:$0x3FA6] =	sst s3  }
0xc: {  	[smem:$0x3FA7] =	sst s4  }
0xd: {  	[smem:$0x3FA8] =	sst s5  }
0xe: {  	[smem:$0x3FA9] =	sst s6  }
0xf: {  	[smem:$0x3FAA] =	sst s7  }
0x10: {  	[smem:$0x3FAB] =	sst s8  }
0x11: {  	[smem:$0x3FAC] =	sst s9;
	s0 =	simm.s32 @!p0 $0x0  }
0x12: {  	s1 =	sld [smem:$0x3F92];
	s0 =	simm.s32 @p0 $0x1  }
0x13: {  	[smem:$0x3FAD] =	sst s0;
	s0 =	simm.s32 @!p1 $0x0  }
0x14: {  	s2 =	sld [smem:$0x3F91];
	s0 =	simm.s32 @p1 $0x1  }
0x15: {  	[smem:$0x3FAE] =	sst s0;
	s0 =	simm.s32 @!p2 $0x0  }
0x16: {  	s3 =	sld [smem:$0x3FDB];
	s0 =	simm.s32 @p2 $0x1  }
0x17: {  	s4 =	simm.s32 $0x1BF5;
	[smem:$0x3FB0] =	sst s0  }
0x18: {  	s0 =	sld [smem:$0x3F93];
	_ =	swait.ge [sflag:s4], $0x0  }
0x19: {  	s7 =	sld [smem:$0x3F94]  }
0x1a: {  	s8 =	sadd.s32 $0xFFFFE003, lr  }
0x1b: {  	s9 =	sadd.s32 $0xFFFFFEF7, lr;
	s5 =	simm.s32 $0xFFFFFFFF;
	p2 =	slt.u32 s8, $0xFFFFF086  }
0x1c: {  	p1 =	slt.u32 s9, $0xF7A;
	s5 =	simm.s32 @!p2 $0x0  }
0x1d: {  	s5 =	simm.s32 @p1 $0x1;
	p0 =	seq.s32 s7, s2  }
0x1e: {  	s7 =	smul.u32 @!p0 $0xF7A, s2;
	p2 =	seq.s32 @!p0 s5, $0x0  }
0x1f: {  	s9 =	smul.u32 $0xF7A, s1;
	s8 =	simm.s32 @!p0 $0x1BF5;
	p2 =	por !p2, p0  }
0x20: {  	[sflag:s8] =	ssyncset.s32 @!p0 $0xFFFFF086;
	s6 =	sadd.s32 @!p0 s3, s7;
	s7 =	simm.s32 @!p0 $0x108  }
0x21: {  	s3 =	sadd.s32 s3, s9;
	s6 =	sadd.s32 @!p0 $0x88, s6;
	s7 =	simm.s32 @p2 $0x1082  }
0x22: {  	[simem:s7], [sflag:s8] =	dma.local @!p0 [hbm:s6], $0xF7A  }
0x23: {  	s9 =	sor.u32 $0xD0000000, s2;
	s6 =	simm.s32 $0x108;
	_ =	swait.ge @!p0 [sflag:s8], $0x0  }
0x24: {  	s3 =	sadd.s32 $0x88, s3;
	s6 =	simm.s32 @!p1 $0x1082;
	[sflag:s4] =	ssyncset.s32 $0xFFFFF086  }
0x25: {  	[simem:s6], [sflag:s4] =	dma.local [hbm:s3], $0xF7A  }
0x26: {  	[smem:$0x3F94] =	sst s1;
	(tag) =	ssettag s2;
	_ =	strace s9  }
0x27: {  	s1 =	sld [smem:$0x3FA4]  }
0x28: {  	s2 =	sld [smem:$0x3FA5]  }
0x29: {  	s4 =	sld [smem:$0x3FA7]  }
0x2a: {  	p0 =	seq.s32 s5, $0x0;
	s5 =	sld [smem:$0x3FA8]  }
0x2b: {  	s6 =	sld [smem:$0x3FA9]  }
0x2c: {  	s7 =	sld [smem:$0x3FAA]  }
0x2d: {  	s3 =	simm.s32 $0x108;
	s8 =	sld [smem:$0x3FAB]  }
0x2e: {  	s3 =	simm.s32 @!p0 $0x1082;
	s9 =	sld [smem:$0x3FAC]  }
0x2f: {  	lr =	sadd.s32 s0, s3;
	s0 =	sld [smem:$0x3FA3]  }
0x30: {  	s3 =	sld [smem:$0x3FA6]  }
0x31: {  	[smem:$0x3FAF] =	sst s10  }
0x32: {  	s10 =	sld [smem:$0x3FAD];
	_ =	sdelay $0x3  }
0x33: {  	p0 =	seq.s32 s10, $0x1;
	s10 =	sld [smem:$0x3FAF];
	_ =	sdelay $0x3  }
0x34: {  	[smem:$0x3FAF] =	sst s10  }
0x35: {  	s10 =	sld [smem:$0x3FAE];
	_ =	sdelay $0x3  }
0x36: {  	p1 =	seq.s32 s10, $0x1;
	s10 =	sld [smem:$0x3FAF];
	_ =	sdelay $0x3  }
0x37: {  	[smem:$0x3FAF] =	sst s10  }
0x38: {  	s10 =	sld [smem:$0x3FB0]  }
0x39: {  	_ = 	snop;
	(pc) =	sbr.ind lr, $3  }
0x3a: {  	_ = 	snop  }
0x3b: {  	_ = 	snop  }
0x3c: {  	p2 =	seq.s32 s10, $0x1;
	s10 =	sld [smem:$0x3FAF]  }
0x3d: {  	_ =	shalt  }
0x3e: {  	_ =	shalt  }
0x3f: {  	_ =	shalt  }
0x40: {  	_ =	shalt  }
0x41: {  	_ =	shalt  }
0x42: {  	_ =	shalt  }
0x43: {  	_ =	shalt  }
0x44: {  	_ =	shalt  }
0x45: {  	_ =	shalt  }
0x46: {  	_ =	shalt  }
0x47: {  	_ =	shalt  }
0x48: {  	_ =	shalt  }
0x49: {  	_ =	shalt  }
0x4a: {  	_ =	shalt  }
0x4b: {  	_ =	shalt  }
0x4c: {  	_ =	shalt  }
0x4d: {  	_ =	shalt  }
0x4e: {  	_ =	shalt  }
0x4f: {  	_ =	shalt  }
0x50: {  	_ =	shalt  }
0x51: {  	_ =	shalt  }
0x52: {  	_ =	shalt  }
0x53: {  	_ =	shalt  }
0x54: {  	_ =	shalt  }
0x55: {  	_ =	shalt  }
0x56: {  	_ =	shalt  }
0x57: {  	_ =	shalt  }
0x58: {  	_ =	shalt  }
0x59: {  	_ =	shalt  }
0x5a: {  	_ =	shalt  }
0x5b: {  	_ =	shalt  }
0x5c: {  	_ =	shalt  }
0x5d: {  	_ =	shalt  }
0x5e: {  	_ =	shalt  }
0x5f: {  	_ =	shalt  }
0x60: {  	_ =	shalt  }
0x61: {  	_ =	shalt  }
0x62: {  	_ =	shalt  }
0x63: {  	_ =	shalt  }
0x64: {  	_ =	shalt  }
0x65: {  	_ =	shalt  }
0x66: {  	_ =	shalt  }
0x67: {  	_ =	shalt  }
0x68: {  	_ =	shalt  }
0x69: {  	_ =	shalt  }
0x6a: {  	_ =	shalt  }
0x6b: {  	_ =	shalt  }
0x6c: {  	_ =	shalt  }
0x6d: {  	_ =	shalt  }
0x6e: {  	_ =	shalt  }
0x6f: {  	_ =	shalt  }
0x70: {  	_ =	shalt  }
0x71: {  	_ =	shalt  }
0x72: {  	_ =	shalt  }
0x73: {  	_ =	shalt  }
0x74: {  	_ =	shalt  }
0x75: {  	_ =	shalt  }
0x76: {  	_ =	shalt  }
0x77: {  	_ =	shalt  }
0x78: {  	_ =	shalt  }
0x79: {  	_ =	shalt  }
0x7a: {  	_ =	shalt  }
0x7b: {  	_ =	shalt  }
0x7c: {  	_ =	shalt  }
0x7d: {  	_ =	shalt  }
0x7e: {  	_ =	shalt  }
0x7f: {  	_ =	shalt  }
0x80: {  	_ =	shalt  }
0x81: {  	_ =	shalt  }
0x82: {  	_ =	shalt  }
0x83: {  	_ =	shalt  }
0x84: {  	_ =	shalt  }
0x85: {  	_ =	shalt  }
0x86: {  	_ =	shalt  }
0x87: {  	_ =	shalt  }
.Lfunc_end0:
.L_simem_size_0:
called_computation.2_lowered:
.L_overlay_start_0:
0x88: {  	s2 =	sld [smem:$0x3FD9]  }
0x89: {  	s3 =	sld [smem:$0x3FFE];
	_ =	sdelay $0x1  }
0x8a: {  	s1 =	srdreg.scid  }
0x8b: {  	s0 =	sand.u32 $0x1, s1  }
0x8c: {  	s16 =	sshll.u32 s0, $0xA;
	s2 =	sadd.s32 s3, s2  }
0x8d: {  	s2 =	sadd.s32 s2, s16  }
0x8e: {  	[smem:$0x3FBB] =	sst s2  }
0x8f: {  	_ = 	snop  }
0x90: {  	(tm) =	ssettm $0x1  }
0x91: {  	s17 =	sld [smem:$0x3FFB];
	_ =	sdelay $0x3  }
0x92: {  	_ =	strace s17  }
0x93: {  	s2 =	sld [smem:$0x3FFC];
	_ =	sdelay $0x3  }
0x94: {  	_ =	strace s2  }
0x95: {  	s2 =	sld [smem:$0x3FFD];
	_ =	sdelay $0x3  }
0x96: {  	_ =	strace s2  }
0x97: {  	_ =	strace $0x8FFFFFFF  }
0x98: {  	s18 =	sld [smem:$0x3FDB];
	_ =	sdelay $0x1  }
0x99: {  	s19 =	simm.s32 $_scs_section_size  }
0x9a: {  	s4 =	simm.s32 $_size__tile_overlayer_lowered;
	s5 =	simm.s32 $_tile_overlayer_lowered  }
0x9b: {  	s22 =	simm.s32 $0x1BFF;
	s21 =	sshll.u32 s5, $0x1;
	s2 =	sadd.s32 s19, s18  }
0x9c: {  	s6 =	simm.s32 $0x0;
	s20 =	sshll.u32 s4, $0x1;
	s4 =	sadd.s32 s21, s2  }
0x9d: {  	[timem:s6], [sflag:s22] =	dma.local [hbm:s4], s20  }
0x9e: {  	_ =	swait.ge [sflag:s22], s20  }
0x9f: {  	s3 =	ssub.s32 $0x0, s20;
	[sflag:s22] =	ssyncset.done $0x0  }
0xa0: {  	[sflag:s22] =	ssyncadd.s32 s3;
	_ =	sdelay $0x1  }
0xa1: {  	s23 =	simm.s32 $0x1B8B  }
0xa2: {  	_ =	swait.ge [sflag:s23], $0x1  }
0xa3: {  	[sflag:s23] =	ssyncset.done $0x0  }
0xa4: {  	s25 =	simm.s32 $0x1B8E;
	s24 =	sld [smem:$0x3FFE];
	[sflag:s23] =	ssyncadd.s32 $0xFFFFFFFF  }
0xa5: {  	s26 =	simm.s32 $execute0_lowered;
	[smem:$0x3FD2] =	sst s25  }
0xa6: {  	s4 =	sshll.u32 s26, $0x1;
	_ =	strace $0x8000004C;
	[dreg:$0x1] =	wrdreg $0xFFFFFFFF  }
0xa7: {  	s28 =	simm.s32 $_size_execute0_lowered;
	s2 =	sadd.s32 s2, s4;
	[dreg:$0x0] =	wrdreg $0x0  }
0xa8: {  	s4 =	sshll.u32 s28, $0x1;
	[dreg:$0x2] =	wrdreg s2  }
0xa9: {  	[dreg:$0x3] =	wrdreg s4  }
0xaa: {  	[dreg:$0x4] =	wrdreg $0xC0  }
0xab: {  	_ =	task [dreg:s6], $0x5FFFF  }
0xac: {  	[dreg:$0x1] =	wrdreg $0xFFFFFFFF  }
0xad: {  	[dreg:$0x0] =	wrdreg $0x60  }
0xae: {  	[dreg:$0x2] =	wrdreg s24  }
0xaf: {  	[dreg:$0x3] =	wrdreg $0x130000  }
0xb0: {  	[dreg:$0x4] =	wrdreg $0x90000  }
0xb1: {  	[dreg:$0x5] =	wrdreg $0x9  }
0xb2: {  	_ =	task.clear_ibuf [dreg:s6], $0x6FFFF;
	_ =	strace $0x9000004C  }
0xb3: {  	s29 =	simm.s32 $0x9;
	_ =	strace $0x8000004E  }
0xb4: {  	_ =	swait.ge [sflag:s29], $0x1  }
0xb5: {  	[sflag:s29] =	ssyncadd.s32 $0xFFFFFFFF  }
0xb6: {  	_ =	strace $0x9000004E  }
0xb7: {  	_ =	sfence  }
0xb8: {  	s30 =	sld [smem:$0x0];
	_ =	sdelay $0x2  }
0xb9: {  	s31 =	sshll.u32 s1, $0xD;
	s1 =	sshrl.u32 s1, $0x2  }
0xba: {  	s3 =	sand.u32 $0x4000, s31;
	s1 =	sadd.s32 s1, s30  }
0xbb: {  	s0 =	sor.u32 s3, s0;
	s1 =	sshll.u32 s1, $0x11  }
0xbc: {  	s0 =	sor.u32 s1, s0  }
0xbd: {  	s0 =	sadd.s32 $0x8F2B, s0  }
0xbe: {  	[sflag:s0] =	ssyncadd.remote.s32 $0x1  }
0xbf: {  	_ =	sfence.sel $0xFFFF  }
0xc0: {  	[dreg:$0x0] =	wrdreg $0xFFFFFFFF;
	(pc) =	sbr.abs _section_cstart, $3  }
0xc1: {  	[dreg:$0x1] =	wrdreg $0xFFFFFFFF  }
0xc2: {  	_ =	task.clear_ibuf [dreg:s6], $0x2FFFF;
	_ =	strace $0x9FFFFFFF  }
0xc3: {  	(tm) =	ssettm $0x7FFFFFFF  }
tec
execute0_lowered:
.L_overlay_start_1:
0x0: {  	(tag) =	ssettag $0x1  }
0x1: {  	s5 =	rddreg [dreg:$0x0]  }
0x2: {  	s2 =	rddreg [dreg:$0x1]  }
0x3: {  	s3 =	rddreg [dreg:$0x2]  }
0x4: {  	s0 =	rddreg [dreg:$0x3];
	s1 =	stileid.u32  }
0x5: {  	s6 =	srdreg.scid;
	s4 =	simm.s32 $0x0;
	s21 =	simm.s32 $0x2800  }
0x6: {  	s22 =	simm.s32 $0x80;
	s23 =	simm.s32 $0x7000;
	s24 =	simm.s32 $0x1  }
0x7: {  	s25 =	simm.s32 $0x2;
	s26 =	simm.s32 $0x4F00;
	s7 =	smul.u32 $0xA000, s1  }
0x8: {  	s28 =	simm.s32 $0x4F80;
	s12 =	sand.u32 $0x1, s6;
	s10 =	smul.u32 $0x28000, s1  }
0x9: {  	[smem:$0x7FF] =	sst s4;
	s14 =	sadd.s32 $0x16200, s5;
	s13 =	smul.u32 $0x2800, s1  }
0xa: {  	s15 =	sadd.s32 $0x2200, s5;
	s30 =	sshll.u32 s1, $0x6;
	s19 =	smul.u32 $0x500, s1  }
0xb: {  	s6 =	smul.u32 $0xA0000, s12;
	_ =	strace $0x8000004D;
	s9 =	ssub.s32 $0x2, s12  }
0xc: {  	p0 =	seq.s32 s12, $0x1;
	s8 =	sshrl.u32 s7, $0x3;
	s29 =	sshrl.u32 s9, $0x1  }
0xd: {  	s18 =	sadd.s32 s7, s2;
	s31 =	sshrl.u32 s10, $0x2;
	s13 =	sshrl.u32 s13, $0x3  }
0xe: {  	s12 =	sadd.s32 s14, s19;
	s8 =	sadd.s32 s8, s5;
	s6 =	sadd.s32 s7, s6  }
0xf: {  	s17 =	ssub.s32 s9, s29;
	s7 =	sadd.s32 s7, s3;
	s11 =	sadd.s32 s31, s3  }
0x10: {  	s20 =	sadd.s32 $0x5000, s13;
	s13 =	sadd.s32 s15, s19;
	s18 =	sshrl.u32 s18, $0x3  }
.Ltmp0:
0x11: {  	s19 =	simm.s32 $0x3;
	s6 =	sshrl.u32 s6, $0x3;
	(pc) =	sbr.rel .LBB2_1-.Ltmp0, $4  }
0x12: {  	s9 =	sadd.s32 $0x4000, s11;
	s10 =	sadd.s32 $0x6000, s11;
	s14 =	sadd.s32 s14, s20  }
0x13: {  	s15 =	sadd.s32 s15, s20;
	s17 =	smax.u32 s17, $0x1;
	s20 =	simm.s32 $0x5000  }
0x14: {  	s16 =	sadd.s32 s6, s5;
	s5 =	sadd.s32 $0x20200, s8;
	s6 =	sor.u32 $0x1C03, s30  }
0x15: {  	v0 =	vimm.f32 $0.0e+00;
	s8 =	sadd.s32 $0x2000, s11;
	s11 =	sadd.s32 $0x8000, s11;
	s16 =	sadd.s32 $0x34200, s16  }
.LBB2_6:
0x16: {  	[tilespmem:s23], [sflag:$0x2] =	stream.indirect.gather [spmem:s2], $0x40, s30, s22, $0xb8;
	[tilespmem:$0x1D000] =	vst v63  }
.LBB2_10:
0x17: {  	_ =	swait.ge [sflag:s24], $0x2000  }
0x18: {  	[sflag:s24] =	ssyncset.done $0x0  }
0x19: {  	[sflag:s24] =	ssyncadd.s32 $0xFFFFE000  }
0x1a: {  	[spmem:s3] =	stream.indirect.scatter.add.f32 [tilespmem:s20], [sflag:$0x3], $0x40, s26, s22, $0xb8;
	[tilespmem:$0x1D000] =	vst v63  }
0x1b: {  	_ =	swait.ge [sflag:s19], $0x2000  }
0x1c: {  	[sflag:s19] =	ssyncset.done $0x0  }
0x1d: {  	[sflag:s19] =	ssyncadd.s32 $0xFFFFE000  }
0x1e: {  	_ =	swait.ge [sflag:s25], $0x2000  }
0x1f: {  	[sflag:s25] =	ssyncset.done $0x0  }
0x20: {  	[sflag:s25] =	ssyncadd.s32 $0xFFFFE000  }
0x21: {  	[spmem:s3] =	stream.indirect.scatter.add.f32 [tilespmem:s23], [sflag:$0x3], $0x40, s28, s22, $0xb8;
	[tilespmem:$0x1D000] =	vst v63  }
0x22: {  	_ =	swait.ge [sflag:s19], $0x2000  }
0x23: {  	s4 =	sadd.s32 $0x1, s4;
	[sflag:s19] =	ssyncset.done $0x0  }
0x24: {  	p1 =	sne.s32 s4, s17;
	[sflag:s19] =	ssyncadd.s32 $0xFFFFE000  }
.Ltmp1:
0x25: {  	s29 =	sshrl.u32 s7, $0x3;
	[bflag:$0x0] =	sbarrier.arrive $0xFFFF;
	(pc) =	sbr.rel @!p1 .LBB2_11-.Ltmp1, $4  }
0x26: {  	[hbm:s16], [sflag:s6] =	dma.local [spmem:s29], $0x1400  }
0x27: {  	_ =	swait.ge [sflag:s19], $0x1400  }
0x28: {  	[sflag:s19] =	ssyncset.done $0x0  }
0x29: {  	[sflag:s19] =	ssyncadd.s32 $0xFFFFEC00  }
.LBB2_1:
0x2a: {  	[spmem:s18], [sflag:s6] =	dma.local [hbm:s5], $0x1400  }
0x2b: {  	_ =	swait.ge [sflag:s19], $0x1400  }
0x2c: {  	[sflag:s19] =	ssyncset.done $0x0  }
0x2d: {  	s30 =	simm.s32 $0x100;
	s29 =	simm.s32 $0x0;
	[sflag:s19] =	ssyncadd.s32 $0xFFFFEC00  }
.LBB2_2:
0x2e: {  	p1 =	sne.s32 s30, $0x7F00;
	[tilespmem:s29+$0x5030] =	vst v0;
	s31 =	smov.u32 s30;
	s30 =	sadd.s32 $0x100, s30  }
.Ltmp2:
0x2f: {  	[tilespmem:s29+$0x5020] =	vst v0;
	(pc) =	sbr.rel @p1 .LBB2_2-.Ltmp2, $3  }
0x30: {  	[tilespmem:s29+$0x5000] =	vst v0  }
0x31: {  	[tilespmem:s29+$0x5010] =	vst v0;
	_ =	sdelay $0x1  }
0x32: {  	s29 =	sshra.s32 s31, $0x2  }
0x33: {  	[tilespmem:s29+$0x5030] =	vst v0  }
0x34: {  	[tilespmem:s29+$0x5020] =	vst v0  }
0x35: {  	[tilespmem:s29+$0x5000] =	vst v0  }
0x36: {  	[tilespmem:s29+$0x5010] =	vst v0  }
0x37: {  	[spmem:s7] =	stream.linear.scatter [tilespmem:s20], [sflag:$0x3], $0x2000, $0x38;
	[tilespmem:$0x1D000] =	vst v63  }
0x38: {  	_ =	swait.ge [sflag:s19], $0x2000  }
0x39: {  	[sflag:s19] =	ssyncset.done $0x0  }
0x3a: {  	[sflag:s19] =	ssyncadd.s32 $0xFFFFE000  }
0x3b: {  	[spmem:s8] =	stream.linear.scatter [tilespmem:s20], [sflag:$0x3], $0x2000, $0x38;
	[tilespmem:$0x1D000] =	vst v63  }
0x3c: {  	_ =	swait.ge [sflag:s19], $0x2000  }
0x3d: {  	[sflag:s19] =	ssyncset.done $0x0  }
0x3e: {  	[sflag:s19] =	ssyncadd.s32 $0xFFFFE000  }
0x3f: {  	[spmem:s9] =	stream.linear.scatter [tilespmem:s20], [sflag:$0x3], $0x2000, $0x38;
	[tilespmem:$0x1D000] =	vst v63  }
0x40: {  	_ =	swait.ge [sflag:s19], $0x2000  }
0x41: {  	[sflag:s19] =	ssyncset.done $0x0  }
0x42: {  	[sflag:s19] =	ssyncadd.s32 $0xFFFFE000  }
0x43: {  	[spmem:s10] =	stream.linear.scatter [tilespmem:s20], [sflag:$0x3], $0x2000, $0x38;
	[tilespmem:$0x1D000] =	vst v63  }
0x44: {  	_ =	swait.ge [sflag:s19], $0x2000  }
0x45: {  	[sflag:s19] =	ssyncset.done $0x0  }
0x46: {  	[sflag:s19] =	ssyncadd.s32 $0xFFFFE000  }
0x47: {  	[spmem:s11] =	stream.linear.scatter [tilespmem:s20], [sflag:$0x3], $0x2000, $0x38;
	[tilespmem:$0x1D000] =	vst v63  }
.Ltmp3:
0x48: {  	_ =	swait.ge [sflag:s19], $0x2000;
	(pc) =	sbr.rel @!p0 .LBB2_4-.Ltmp3, $4  }
0x49: {  	[sflag:s19] =	ssyncset.done $0x0  }
0x4a: {  	[sflag:s19] =	ssyncadd.s32 $0xFFFFE000  }
0x4b: {  	[bflag:$0x0] =	sbarrier.arrive $0xFFFF  }
0x4c: {  	s29 =	simm.s32 $0x0  }
0x4d: {  	[tilespmem:s29], [sflag:$0x3] =	stream.linear.gather [hbm4b:s14+s29], $0x2800, $0x38;
	[tilespmem:$0x1D000] =	vst v63  }
0x4e: {  	_ =	swait.ge [sflag:s19], $0x2800  }
0x4f: {  	[sflag:s19] =	ssyncset.done $0x0  }
0x50: {  	[sflag:s19] =	ssyncadd.s32 $0xFFFFD800  }
0x51: {  	[tilespmem:s21], [sflag:$0x3] =	stream.linear.gather [hbm4b:s15+s29], $0x2800, $0x38;
	[tilespmem:$0x1D000] =	vst v63  }
0x52: {  	_ =	swait.ge [sflag:s19], $0x2800  }
0x53: {  	[sflag:s19] =	ssyncset.done $0x0  }
0x54: {  	[sflag:s19] =	ssyncadd.s32 $0xFFFFD800  }
0x55: {  	[tilespmem:s20], [sflag:$0x1] =	stream.indirect.gather [spmem:s2], $0x40, s29, s22, $0xb8;
	[tilespmem:$0x1D000] =	vst v63  }
0x56: {  	_ = 	snop  }
0x57: {  	[tilespmem:s23], [sflag:$0x2] =	stream.indirect.gather [spmem:s2], $0x40, s22, s22, $0xb8;
	[tilespmem:$0x1D000] =	vst v63  }
0x58: {  	_ =	swait.ge [sflag:s24], $0x2000  }
0x59: {  	[sflag:s24] =	ssyncset.done $0x0  }
0x5a: {  	s29 =	simm.s32 $0x2800;
	[sflag:s24] =	ssyncadd.s32 $0xFFFFE000  }
0x5b: {  	[spmem:s3] =	stream.indirect.scatter.add.f32 [tilespmem:s20], [sflag:$0x3], $0x40, s29, s22, $0xb8;
	[tilespmem:$0x1D000] =	vst v63  }
0x5c: {  	_ =	swait.ge [sflag:s19], $0x2000  }
0x5d: {  	[sflag:s19] =	ssyncset.done $0x0  }
0x5e: {  	s29 =	simm.s32 $0x100;
	[sflag:s19] =	ssyncadd.s32 $0xFFFFE000  }
0x5f: {  	[tilespmem:s20], [sflag:$0x1] =	stream.indirect.gather [spmem:s2], $0x40, s29, s22, $0xb8;
	[tilespmem:$0x1D000] =	vst v63  }
0x60: {  	_ =	swait.ge [sflag:s25], $0x2000  }
0x61: {  	[sflag:s25] =	ssyncset.done $0x0  }
0x62: {  	s29 =	simm.s32 $0x2880;
	[sflag:s25] =	ssyncadd.s32 $0xFFFFE000  }
0x63: {  	[spmem:s3] =	stream.indirect.scatter.add.f32 [tilespmem:s23], [sflag:$0x3], $0x40, s29, s22, $0xb8;
	[tilespmem:$0x1D000] =	vst v63  }
0x64: {  	_ =	swait.ge [sflag:s19], $0x2000  }
0x65: {  	[sflag:s19] =	ssyncset.done $0x0  }
0x66: {  	s30 =	simm.s32 $0x180;
	s29 =	simm.s32 $0x400;
	[sflag:s19] =	ssyncadd.s32 $0xFFFFE000  }
.LBB2_8:
0x67: {  	[tilespmem:s23], [sflag:$0x2] =	stream.indirect.gather [spmem:s2], $0x40, s30, s22, $0xb8;
	[tilespmem:$0x1D000] =	vst v63  }
0x68: {  	s30 =	smov.u32 s29  }
0x69: {  	p1 =	sne.s32 s29, $0x9800;
	s29 =	sadd.s32 $0x400, s29;
	_ =	swait.ge [sflag:s24], $0x2000  }
0x6a: {  	s30 =	sshra.s32 s30, $0x2;
	[sflag:s24] =	ssyncset.done $0x0  }
0x6b: {  	s31 =	sadd.s32 $0x2800, s30;
	[sflag:s24] =	ssyncadd.s32 $0xFFFFE000  }
0x6c: {  	[spmem:s3] =	stream.indirect.scatter.add.f32 [tilespmem:s20], [sflag:$0x3], $0x40, s31, s22, $0xb8;
	[tilespmem:$0x1D000] =	vst v63  }
0x6d: {  	_ =	swait.ge [sflag:s19], $0x2000  }
0x6e: {  	[sflag:s19] =	ssyncset.done $0x0  }
0x6f: {  	s31 =	sadd.s32 $0x100, s30;
	[sflag:s19] =	ssyncadd.s32 $0xFFFFE000  }
0x70: {  	[tilespmem:s20], [sflag:$0x1] =	stream.indirect.gather [spmem:s2], $0x40, s31, s22, $0xb8;
	[tilespmem:$0x1D000] =	vst v63  }
0x71: {  	_ =	swait.ge [sflag:s25], $0x2000  }
0x72: {  	[sflag:s25] =	ssyncset.done $0x0  }
.Ltmp4:
0x73: {  	s31 =	sadd.s32 $0x2880, s30;
	[sflag:s25] =	ssyncadd.s32 $0xFFFFE000;
	(pc) =	sbr.rel @p1 .LBB2_8-.Ltmp4, $4  }
0x74: {  	[spmem:s3] =	stream.indirect.scatter.add.f32 [tilespmem:s23], [sflag:$0x3], $0x40, s31, s22, $0xb8;
	[tilespmem:$0x1D000] =	vst v63  }
0x75: {  	_ =	swait.ge [sflag:s19], $0x2000  }
0x76: {  	[sflag:s19] =	ssyncset.done $0x0  }
0x77: {  	s30 =	sadd.s32 $0x180, s30;
	[sflag:s19] =	ssyncadd.s32 $0xFFFFE000  }
.Ltmp5:
0x78: {  	(pc) =	sbr.rel .LBB2_10-.Ltmp5, $2  }
0x79: {  	_ =	sdelay $0x2  }
0x7a: {  	[tilespmem:s23], [sflag:$0x2] =	stream.indirect.gather [spmem:s2], $0x40, s30, s22, $0xb8;
	[tilespmem:$0x1D000] =	vst v63  }
.LBB2_4:
0x7b: {  	[tilespmem:s29], [sflag:$0x3] =	stream.linear.gather [hbm4b:s12+s29], $0x2800, $0x38;
	[tilespmem:$0x1D000] =	vst v63  }
0x7c: {  	_ =	swait.ge [sflag:s19], $0x2800  }
0x7d: {  	[sflag:s19] =	ssyncset.done $0x0  }
0x7e: {  	[sflag:s19] =	ssyncadd.s32 $0xFFFFD800  }
0x7f: {  	[tilespmem:s21], [sflag:$0x3] =	stream.linear.gather [hbm4b:s13+s29], $0x2800, $0x38;
	[tilespmem:$0x1D000] =	vst v63  }
0x80: {  	_ =	swait.ge [sflag:s19], $0x2800  }
0x81: {  	[sflag:s19] =	ssyncset.done $0x0  }
0x82: {  	[sflag:s19] =	ssyncadd.s32 $0xFFFFD800  }
0x83: {  	[tilespmem:s20], [sflag:$0x1] =	stream.indirect.gather [spmem:s2], $0x40, s29, s22, $0xb8;
	[tilespmem:$0x1D000] =	vst v63  }
0x84: {  	_ = 	snop  }
0x85: {  	[tilespmem:s23], [sflag:$0x2] =	stream.indirect.gather [spmem:s2], $0x40, s22, s22, $0xb8;
	[tilespmem:$0x1D000] =	vst v63  }
0x86: {  	_ =	swait.ge [sflag:s24], $0x2000  }
0x87: {  	[sflag:s24] =	ssyncset.done $0x0  }
0x88: {  	s29 =	simm.s32 $0x2800;
	[sflag:s24] =	ssyncadd.s32 $0xFFFFE000  }
0x89: {  	[spmem:s3] =	stream.indirect.scatter.add.f32 [tilespmem:s20], [sflag:$0x3], $0x40, s29, s22, $0xb8;
	[tilespmem:$0x1D000] =	vst v63  }
0x8a: {  	_ =	swait.ge [sflag:s19], $0x2000  }
0x8b: {  	[sflag:s19] =	ssyncset.done $0x0  }
0x8c: {  	s29 =	simm.s32 $0x100;
	[sflag:s19] =	ssyncadd.s32 $0xFFFFE000  }
0x8d: {  	[tilespmem:s20], [sflag:$0x1] =	stream.indirect.gather [spmem:s2], $0x40, s29, s22, $0xb8;
	[tilespmem:$0x1D000] =	vst v63  }
0x8e: {  	_ =	swait.ge [sflag:s25], $0x2000  }
0x8f: {  	[sflag:s25] =	ssyncset.done $0x0  }
0x90: {  	s29 =	simm.s32 $0x2880;
	[sflag:s25] =	ssyncadd.s32 $0xFFFFE000  }
0x91: {  	[spmem:s3] =	stream.indirect.scatter.add.f32 [tilespmem:s23], [sflag:$0x3], $0x40, s29, s22, $0xb8;
	[tilespmem:$0x1D000] =	vst v63  }
0x92: {  	_ =	swait.ge [sflag:s19], $0x2000  }
0x93: {  	[sflag:s19] =	ssyncset.done $0x0  }
0x94: {  	s30 =	simm.s32 $0x180;
	s29 =	simm.s32 $0x400;
	[sflag:s19] =	ssyncadd.s32 $0xFFFFE000  }
.LBB2_5:
0x95: {  	[tilespmem:s23], [sflag:$0x2] =	stream.indirect.gather [spmem:s2], $0x40, s30, s22, $0xb8;
	[tilespmem:$0x1D000] =	vst v63  }
0x96: {  	s30 =	smov.u32 s29  }
0x97: {  	p1 =	seq.s32 s29, $0x9800;
	s29 =	sadd.s32 $0x400, s29;
	_ =	swait.ge [sflag:s24], $0x2000  }
0x98: {  	s30 =	sshra.s32 s30, $0x2;
	[sflag:s24] =	ssyncset.done $0x0  }
0x99: {  	s31 =	sadd.s32 $0x2800, s30;
	[sflag:s24] =	ssyncadd.s32 $0xFFFFE000  }
0x9a: {  	[spmem:s3] =	stream.indirect.scatter.add.f32 [tilespmem:s20], [sflag:$0x3], $0x40, s31, s22, $0xb8;
	[tilespmem:$0x1D000] =	vst v63  }
0x9b: {  	_ =	swait.ge [sflag:s19], $0x2000  }
0x9c: {  	[sflag:s19] =	ssyncset.done $0x0  }
0x9d: {  	s31 =	sadd.s32 $0x100, s30;
	[sflag:s19] =	ssyncadd.s32 $0xFFFFE000  }
0x9e: {  	[tilespmem:s20], [sflag:$0x1] =	stream.indirect.gather [spmem:s2], $0x40, s31, s22, $0xb8;
	[tilespmem:$0x1D000] =	vst v63  }
0x9f: {  	_ =	swait.ge [sflag:s25], $0x2000  }
0xa0: {  	[sflag:s25] =	ssyncset.done $0x0  }
.Ltmp6:
0xa1: {  	s31 =	sadd.s32 $0x2880, s30;
	[sflag:s25] =	ssyncadd.s32 $0xFFFFE000;
	(pc) =	sbr.rel @!p1 .LBB2_5-.Ltmp6, $4  }
0xa2: {  	[spmem:s3] =	stream.indirect.scatter.add.f32 [tilespmem:s23], [sflag:$0x3], $0x40, s31, s22, $0xb8;
	[tilespmem:$0x1D000] =	vst v63  }
0xa3: {  	_ =	swait.ge [sflag:s19], $0x2000  }
0xa4: {  	[sflag:s19] =	ssyncset.done $0x0  }
0xa5: {  	s30 =	sadd.s32 $0x180, s30;
	[sflag:s19] =	ssyncadd.s32 $0xFFFFE000  }
.Ltmp7:
0xa6: {  	_ = 	snop;
	(pc) =	sbr.rel .LBB2_6-.Ltmp7, $1  }
0xa7: {  	_ =	sdelay $0x3  }
.LBB2_11:
0xa8: {  	_ =	sfence.sel $0x180000  }
0xa9: {  	[bflag:$0x0] =	sbarrier.arrive $0xFFFF  }
0xaa: {  	p0 =	sne.s32 s1, $0x0;
	_ =	strace $0x9000004D  }
0xab: {  	s0 =	sadd.s32 @!p0 $0x100000, s0;
	[bflag:$0x2] =	sbarrier.arrive $0xFFFF  }
0xac: {  	[sflag:s0] =	ssyncadd.tile.s32 @!p0 $0x1;
	_ =	shalt  }
.Lfunc_end2:
_tile_overlayer_lowered:
.L_overlay_start_2:
0xad: {  	(tag) =	ssettag $0x2  }
0xae: {  	s0 =	rddreg [dreg:$0x0];
	s2 =	stileid.u32  }
0xaf: {  	s1 =	rddreg [dreg:$0x1];
	p0 =	sne.s32 s2, $0x0  }
0xb0: {  	s3 =	rddreg [dreg:$0x2];
	[bflag:$0x3] =	sbarrier.arrive $0xFFFF;
	s2 =	simm.s32 @!p0 $0x1C03  }
0xb1: {  	[timem:s3], [sflag:s2] =	dma.local @!p0 [hbm:s0], s1  }
0xb2: {  	s0 =	simm.s32 @!p0 $0x3  }
0xb3: {  	_ =	swait.ge @!p0 [sflag:s0], s1  }
0xb4: {  	s1 =	ssub.s32 @!p0 $0x0, s1;
	[sflag:s0] =	ssyncset.done @!p0 $0x0  }
0xb5: {  	[sflag:s0] =	ssyncadd.s32 @!p0 s1  }
0xb6: {  	[bflag:$0x3] =	sbarrier.arrive $0xFFFF  }
0xb7: {  	_ =	shalt  }

// kernel: kernel.19.cloned.1.call-start
scs
__scs_entry_jumppad:
0x0: {  	(pc) =	sbr.rel $0x88, $3  }
0x1: {  	(tag) =	ssettag $0x0;
	lr =	simm.s32 $0x1  }
0x2: {  	[smem:$0x3F94] =	sst lr;
	_ =	strace $0xD0000000  }
0x3: {  	_ = 	snop  }
0x4: {  	_ = 	snop  }
0x5: {  	_ = 	snop  }
0x6: {  	_ = 	snop  }
0x7: {  	_ = 	snop  }
__scs_overlays_trampoline_lowered:
0x8: {  	[smem:$0x3FA3] =	sst s0  }
0x9: {  	[smem:$0x3FA4] =	sst s1  }
0xa: {  	[smem:$0x3FA5] =	sst s2  }
0xb: {  	[smem:$0x3FA6] =	sst s3  }
0xc: {  	[smem:$0x3FA7] =	sst s4  }
0xd: {  	[smem:$0x3FA8] =	sst s5  }
0xe: {  	[smem:$0x3FA9] =	sst s6  }
0xf: {  	[smem:$0x3FAA] =	sst s7  }
0x10: {  	[smem:$0x3FAB] =	sst s8  }
0x11: {  	[smem:$0x3FAC] =	sst s9;
	s0 =	simm.s32 @!p0 $0x0  }
0x12: {  	s1 =	sld [smem:$0x3F92];
	s0 =	simm.s32 @p0 $0x1  }
0x13: {  	[smem:$0x3FAD] =	sst s0;
	s0 =	simm.s32 @!p1 $0x0  }
0x14: {  	s2 =	sld [smem:$0x3F91];
	s0 =	simm.s32 @p1 $0x1  }
0x15: {  	[smem:$0x3FAE] =	sst s0;
	s0 =	simm.s32 @!p2 $0x0  }
0x16: {  	s3 =	sld [smem:$0x3FDB];
	s0 =	simm.s32 @p2 $0x1  }
0x17: {  	s4 =	simm.s32 $0x1BF5;
	[smem:$0x3FB0] =	sst s0  }
0x18: {  	s0 =	sld [smem:$0x3F93];
	_ =	swait.ge [sflag:s4], $0x0  }
0x19: {  	s7 =	sld [smem:$0x3F94]  }
0x1a: {  	s8 =	sadd.s32 $0xFFFFE003, lr  }
0x1b: {  	s9 =	sadd.s32 $0xFFFFFEF7, lr;
	s5 =	simm.s32 $0xFFFFFFFF;
	p2 =	slt.u32 s8, $0xFFFFF086  }
0x1c: {  	p1 =	slt.u32 s9, $0xF7A;
	s5 =	simm.s32 @!p2 $0x0  }
0x1d: {  	s5 =	simm.s32 @p1 $0x1;
	p0 =	seq.s32 s7, s2  }
0x1e: {  	s7 =	smul.u32 @!p0 $0xF7A, s2;
	p2 =	seq.s32 @!p0 s5, $0x0  }
0x1f: {  	s9 =	smul.u32 $0xF7A, s1;
	s8 =	simm.s32 @!p0 $0x1BF5;
	p2 =	por !p2, p0  }
0x20: {  	[sflag:s8] =	ssyncset.s32 @!p0 $0xFFFFF086;
	s6 =	sadd.s32 @!p0 s3, s7;
	s7 =	simm.s32 @!p0 $0x108  }
0x21: {  	s3 =	sadd.s32 s3, s9;
	s6 =	sadd.s32 @!p0 $0x88, s6;
	s7 =	simm.s32 @p2 $0x1082  }
0x22: {  	[simem:s7], [sflag:s8] =	dma.local @!p0 [hbm:s6], $0xF7A  }
0x23: {  	s9 =	sor.u32 $0xD0000000, s2;
	s6 =	simm.s32 $0x108;
	_ =	swait.ge @!p0 [sflag:s8], $0x0  }
0x24: {  	s3 =	sadd.s32 $0x88, s3;
	s6 =	simm.s32 @!p1 $0x1082;
	[sflag:s4] =	ssyncset.s32 $0xFFFFF086  }
0x25: {  	[simem:s6], [sflag:s4] =	dma.local [hbm:s3], $0xF7A  }
0x26: {  	[smem:$0x3F94] =	sst s1;
	(tag) =	ssettag s2;
	_ =	strace s9  }
0x27: {  	s1 =	sld [smem:$0x3FA4]  }
0x28: {  	s2 =	sld [smem:$0x3FA5]  }
0x29: {  	s4 =	sld [smem:$0x3FA7]  }
0x2a: {  	p0 =	seq.s32 s5, $0x0;
	s5 =	sld [smem:$0x3FA8]  }
0x2b: {  	s6 =	sld [smem:$0x3FA9]  }
0x2c: {  	s7 =	sld [smem:$0x3FAA]  }
0x2d: {  	s3 =	simm.s32 $0x108;
	s8 =	sld [smem:$0x3FAB]  }
0x2e: {  	s3 =	simm.s32 @!p0 $0x1082;
	s9 =	sld [smem:$0x3FAC]  }
0x2f: {  	lr =	sadd.s32 s0, s3;
	s0 =	sld [smem:$0x3FA3]  }
0x30: {  	s3 =	sld [smem:$0x3FA6]  }
0x31: {  	[smem:$0x3FAF] =	sst s10  }
0x32: {  	s10 =	sld [smem:$0x3FAD];
	_ =	sdelay $0x3  }
0x33: {  	p0 =	seq.s32 s10, $0x1;
	s10 =	sld [smem:$0x3FAF];
	_ =	sdelay $0x3  }
0x34: {  	[smem:$0x3FAF] =	sst s10  }
0x35: {  	s10 =	sld [smem:$0x3FAE];
	_ =	sdelay $0x3  }
0x36: {  	p1 =	seq.s32 s10, $0x1;
	s10 =	sld [smem:$0x3FAF];
	_ =	sdelay $0x3  }
0x37: {  	[smem:$0x3FAF] =	sst s10  }
0x38: {  	s10 =	sld [smem:$0x3FB0]  }
0x39: {  	_ = 	snop;
	(pc) =	sbr.ind lr, $3  }
0x3a: {  	_ = 	snop  }
0x3b: {  	_ = 	snop  }
0x3c: {  	p2 =	seq.s32 s10, $0x1;
	s10 =	sld [smem:$0x3FAF]  }
0x3d: {  	_ =	shalt  }
0x3e: {  	_ =	shalt  }
0x3f: {  	_ =	shalt  }
0x40: {  	_ =	shalt  }
0x41: {  	_ =	shalt  }
0x42: {  	_ =	shalt  }
0x43: {  	_ =	shalt  }
0x44: {  	_ =	shalt  }
0x45: {  	_ =	shalt  }
0x46: {  	_ =	shalt  }
0x47: {  	_ =	shalt  }
0x48: {  	_ =	shalt  }
0x49: {  	_ =	shalt  }
0x4a: {  	_ =	shalt  }
0x4b: {  	_ =	shalt  }
0x4c: {  	_ =	shalt  }
0x4d: {  	_ =	shalt  }
0x4e: {  	_ =	shalt  }
0x4f: {  	_ =	shalt  }
0x50: {  	_ =	shalt  }
0x51: {  	_ =	shalt  }
0x52: {  	_ =	shalt  }
0x53: {  	_ =	shalt  }
0x54: {  	_ =	shalt  }
0x55: {  	_ =	shalt  }
0x56: {  	_ =	shalt  }
0x57: {  	_ =	shalt  }
0x58: {  	_ =	shalt  }
0x59: {  	_ =	shalt  }
0x5a: {  	_ =	shalt  }
0x5b: {  	_ =	shalt  }
0x5c: {  	_ =	shalt  }
0x5d: {  	_ =	shalt  }
0x5e: {  	_ =	shalt  }
0x5f: {  	_ =	shalt  }
0x60: {  	_ =	shalt  }
0x61: {  	_ =	shalt  }
0x62: {  	_ =	shalt  }
0x63: {  	_ =	shalt  }
0x64: {  	_ =	shalt  }
0x65: {  	_ =	shalt  }
0x66: {  	_ =	shalt  }
0x67: {  	_ =	shalt  }
0x68: {  	_ =	shalt  }
0x69: {  	_ =	shalt  }
0x6a: {  	_ =	shalt  }
0x6b: {  	_ =	shalt  }
0x6c: {  	_ =	shalt  }
0x6d: {  	_ =	shalt  }
0x6e: {  	_ =	shalt  }
0x6f: {  	_ =	shalt  }
0x70: {  	_ =	shalt  }
0x71: {  	_ =	shalt  }
0x72: {  	_ =	shalt  }
0x73: {  	_ =	shalt  }
0x74: {  	_ =	shalt  }
0x75: {  	_ =	shalt  }
0x76: {  	_ =	shalt  }
0x77: {  	_ =	shalt  }
0x78: {  	_ =	shalt  }
0x79: {  	_ =	shalt  }
0x7a: {  	_ =	shalt  }
0x7b: {  	_ =	shalt  }
0x7c: {  	_ =	shalt  }
0x7d: {  	_ =	shalt  }
0x7e: {  	_ =	shalt  }
0x7f: {  	_ =	shalt  }
0x80: {  	_ =	shalt  }
0x81: {  	_ =	shalt  }
0x82: {  	_ =	shalt  }
0x83: {  	_ =	shalt  }
0x84: {  	_ =	shalt  }
0x85: {  	_ =	shalt  }
0x86: {  	_ =	shalt  }
0x87: {  	_ =	shalt  }
.Lfunc_end0:
.L_simem_size_0:
called_computation.3_lowered:
.L_overlay_start_0:
0x88: {  	s2 =	sld [smem:$0x3FD9]  }
0x89: {  	s3 =	sld [smem:$0x3FFE];
	_ =	sdelay $0x1  }
0x8a: {  	s1 =	srdreg.scid  }
0x8b: {  	s0 =	sand.u32 $0x1, s1  }
0x8c: {  	s16 =	sshll.u32 s0, $0xA;
	s2 =	sadd.s32 s3, s2  }
0x8d: {  	s2 =	sadd.s32 s2, s16  }
0x8e: {  	[smem:$0x3FBB] =	sst s2  }
0x8f: {  	_ = 	snop  }
0x90: {  	(tm) =	ssettm $0x1  }
0x91: {  	s17 =	sld [smem:$0x3FFB];
	_ =	sdelay $0x3  }
0x92: {  	_ =	strace s17  }
0x93: {  	s2 =	sld [smem:$0x3FFC];
	_ =	sdelay $0x3  }
0x94: {  	_ =	strace s2  }
0x95: {  	s2 =	sld [smem:$0x3FFD];
	_ =	sdelay $0x3  }
0x96: {  	_ =	strace s2  }
0x97: {  	_ =	strace $0x8FFFFFFF  }
0x98: {  	s18 =	sld [smem:$0x3FDB];
	_ =	sdelay $0x1  }
0x99: {  	s19 =	simm.s32 $_scs_section_size  }
0x9a: {  	s4 =	simm.s32 $_size__tile_overlayer_lowered;
	s5 =	simm.s32 $_tile_overlayer_lowered  }
0x9b: {  	s22 =	simm.s32 $0x1BFF;
	s21 =	sshll.u32 s5, $0x1;
	s2 =	sadd.s32 s19, s18  }
0x9c: {  	s6 =	simm.s32 $0x0;
	s20 =	sshll.u32 s4, $0x1;
	s4 =	sadd.s32 s21, s2  }
0x9d: {  	[timem:s6], [sflag:s22] =	dma.local [hbm:s4], s20  }
0x9e: {  	_ =	swait.ge [sflag:s22], s20  }
0x9f: {  	s3 =	ssub.s32 $0x0, s20;
	[sflag:s22] =	ssyncset.done $0x0  }
0xa0: {  	[sflag:s22] =	ssyncadd.s32 s3;
	_ =	sdelay $0x1  }
0xa1: {  	s23 =	simm.s32 $0x1B8B  }
0xa2: {  	_ =	swait.ge [sflag:s23], $0x1  }
0xa3: {  	[sflag:s23] =	ssyncset.done $0x0  }
0xa4: {  	s25 =	simm.s32 $0x1B8E;
	s24 =	sld [smem:$0x3FFE];
	[sflag:s23] =	ssyncadd.s32 $0xFFFFFFFF  }
0xa5: {  	s26 =	simm.s32 $execute0_lowered;
	[smem:$0x3FD2] =	sst s25  }
0xa6: {  	s4 =	sshll.u32 s26, $0x1;
	_ =	strace $0x8000004F;
	[dreg:$0x1] =	wrdreg $0xFFFFFFFF  }
0xa7: {  	s28 =	simm.s32 $_size_execute0_lowered;
	s2 =	sadd.s32 s2, s4;
	[dreg:$0x0] =	wrdreg $0x0  }
0xa8: {  	s4 =	sshll.u32 s28, $0x1;
	[dreg:$0x2] =	wrdreg s2  }
0xa9: {  	[dreg:$0x3] =	wrdreg s4  }
0xaa: {  	[dreg:$0x4] =	wrdreg $0xC0  }
0xab: {  	_ =	task [dreg:s6], $0x5FFFF  }
0xac: {  	[dreg:$0x1] =	wrdreg $0xFFFFFFFF  }
0xad: {  	[dreg:$0x0] =	wrdreg $0x60  }
0xae: {  	[dreg:$0x2] =	wrdreg s24  }
0xaf: {  	[dreg:$0x3] =	wrdreg $0xC0000  }
0xb0: {  	[dreg:$0x4] =	wrdreg $0x70000  }
0xb1: {  	[dreg:$0x5] =	wrdreg $0x9  }
0xb2: {  	_ =	task.clear_ibuf [dreg:s6], $0x6FFFF;
	_ =	strace $0x9000004F  }
0xb3: {  	s29 =	simm.s32 $0x9;
	_ =	strace $0x80000051  }
0xb4: {  	_ =	swait.ge [sflag:s29], $0x1  }
0xb5: {  	[sflag:s29] =	ssyncadd.s32 $0xFFFFFFFF  }
0xb6: {  	_ =	strace $0x90000051  }
0xb7: {  	_ =	sfence  }
0xb8: {  	s30 =	sld [smem:$0x0];
	_ =	sdelay $0x2  }
0xb9: {  	s31 =	sshll.u32 s1, $0xD;
	s1 =	sshrl.u32 s1, $0x2  }
0xba: {  	s3 =	sand.u32 $0x4000, s31;
	s1 =	sadd.s32 s1, s30  }
0xbb: {  	s0 =	sor.u32 s3, s0;
	s1 =	sshll.u32 s1, $0x11  }
0xbc: {  	s0 =	sor.u32 s1, s0  }
0xbd: {  	s0 =	sadd.s32 $0x8F2B, s0  }
0xbe: {  	[sflag:s0] =	ssyncadd.remote.s32 $0x1  }
0xbf: {  	_ =	sfence.sel $0xFFFF  }
0xc0: {  	[dreg:$0x0] =	wrdreg $0xFFFFFFFF;
	(pc) =	sbr.abs _section_cstart, $3  }
0xc1: {  	[dreg:$0x1] =	wrdreg $0xFFFFFFFF  }
0xc2: {  	_ =	task.clear_ibuf [dreg:s6], $0x2FFFF;
	_ =	strace $0x9FFFFFFF  }
0xc3: {  	(tm) =	ssettm $0x7FFFFFFF  }
tec
execute0_lowered:
.L_overlay_start_1:
0x0: {  	(tag) =	ssettag $0x1  }
0x1: {  	s5 =	rddreg [dreg:$0x0]  }
0x2: {  	s2 =	rddreg [dreg:$0x1]  }
0x3: {  	s3 =	rddreg [dreg:$0x2]  }
0x4: {  	s0 =	rddreg [dreg:$0x3];
	s1 =	stileid.u32  }
0x5: {  	s6 =	srdreg.scid;
	s4 =	simm.s32 $0x0;
	s21 =	simm.s32 $0x2800  }
0x6: {  	s22 =	simm.s32 $0x80;
	s23 =	simm.s32 $0x6000;
	s24 =	simm.s32 $0x1  }
0x7: {  	s25 =	simm.s32 $0x2;
	s26 =	simm.s32 $0x4F00;
	s7 =	smul.u32 $0x5000, s1  }
0x8: {  	s28 =	simm.s32 $0x4F80;
	s12 =	sand.u32 $0x1, s6;
	s10 =	smul.u32 $0x14000, s1  }
0x9: {  	[smem:$0x7FF] =	sst s4;
	s14 =	sadd.s32 $0x16200, s5;
	s13 =	smul.u32 $0x2800, s1  }
0xa: {  	s15 =	sadd.s32 $0x2200, s5;
	s30 =	sshll.u32 s1, $0x6;
	s19 =	smul.u32 $0x500, s1  }
0xb: {  	s6 =	smul.u32 $0x50000, s12;
	_ =	strace $0x80000050;
	s9 =	ssub.s32 $0x2, s12  }
0xc: {  	p0 =	seq.s32 s12, $0x1;
	s8 =	sshrl.u32 s7, $0x3;
	s29 =	sshrl.u32 s9, $0x1  }
0xd: {  	s18 =	sadd.s32 s7, s2;
	s31 =	sshrl.u32 s10, $0x2;
	s13 =	sshrl.u32 s13, $0x3  }
0xe: {  	s12 =	sadd.s32 s14, s19;
	s8 =	sadd.s32 s8, s5;
	s6 =	sadd.s32 s7, s6  }
0xf: {  	s17 =	ssub.s32 s9, s29;
	s7 =	sadd.s32 s7, s3;
	s11 =	sadd.s32 s31, s3  }
0x10: {  	s20 =	sadd.s32 $0x5000, s13;
	s13 =	sadd.s32 s15, s19;
	s18 =	sshrl.u32 s18, $0x3  }
.Ltmp0:
0x11: {  	s19 =	simm.s32 $0x3;
	s6 =	sshrl.u32 s6, $0x3;
	(pc) =	sbr.rel .LBB2_1-.Ltmp0, $4  }
0x12: {  	s9 =	sadd.s32 $0x2000, s11;
	s10 =	sadd.s32 $0x3000, s11;
	s14 =	sadd.s32 s14, s20  }
0x13: {  	s15 =	sadd.s32 s15, s20;
	s17 =	smax.u32 s17, $0x1;
	s20 =	simm.s32 $0x5000  }
0x14: {  	s16 =	sadd.s32 s6, s5;
	s5 =	sadd.s32 $0xC200, s8;
	s6 =	sor.u32 $0x1C03, s30  }
0x15: {  	v0 =	vimm.f32 $0.0e+00;
	s8 =	sadd.s32 $0x1000, s11;
	s11 =	sadd.s32 $0x4000, s11;
	s16 =	sadd.s32 $0x20200, s16  }
.LBB2_6:
0x16: {  	[tilespmem:s23], [sflag:$0x2] =	stream.indirect.gather [spmem:s2], $0x20, s30, s22, $0xb8;
	[tilespmem:$0x11000] =	vst v63  }
.LBB2_10:
0x17: {  	_ =	swait.ge [sflag:s24], $0x1000  }
0x18: {  	[sflag:s24] =	ssyncset.done $0x0  }
0x19: {  	[sflag:s24] =	ssyncadd.s32 $0xFFFFF000  }
0x1a: {  	[spmem:s3] =	stream.indirect.scatter.add.f32 [tilespmem:s20], [sflag:$0x3], $0x20, s26, s22, $0xb8;
	[tilespmem:$0x11000] =	vst v63  }
0x1b: {  	_ =	swait.ge [sflag:s19], $0x1000  }
0x1c: {  	[sflag:s19] =	ssyncset.done $0x0  }
0x1d: {  	[sflag:s19] =	ssyncadd.s32 $0xFFFFF000  }
0x1e: {  	_ =	swait.ge [sflag:s25], $0x1000  }
0x1f: {  	[sflag:s25] =	ssyncset.done $0x0  }
0x20: {  	[sflag:s25] =	ssyncadd.s32 $0xFFFFF000  }
0x21: {  	[spmem:s3] =	stream.indirect.scatter.add.f32 [tilespmem:s23], [sflag:$0x3], $0x20, s28, s22, $0xb8;
	[tilespmem:$0x11000] =	vst v63  }
0x22: {  	_ =	swait.ge [sflag:s19], $0x1000  }
0x23: {  	s4 =	sadd.s32 $0x1, s4;
	[sflag:s19] =	ssyncset.done $0x0  }
0x24: {  	p1 =	sne.s32 s4, s17;
	[sflag:s19] =	ssyncadd.s32 $0xFFFFF000  }
.Ltmp1:
0x25: {  	s29 =	sshrl.u32 s7, $0x3;
	[bflag:$0x0] =	sbarrier.arrive $0xFFFF;
	(pc) =	sbr.rel @!p1 .LBB2_11-.Ltmp1, $4  }
0x26: {  	[hbm:s16], [sflag:s6] =	dma.local [spmem:s29], $0xA00  }
0x27: {  	_ =	swait.ge [sflag:s19], $0xA00  }
0x28: {  	[sflag:s19] =	ssyncset.done $0x0  }
0x29: {  	[sflag:s19] =	ssyncadd.s32 $0xFFFFF600  }
.LBB2_1:
0x2a: {  	[spmem:s18], [sflag:s6] =	dma.local [hbm:s5], $0xA00  }
0x2b: {  	_ =	swait.ge [sflag:s19], $0xA00  }
0x2c: {  	[sflag:s19] =	ssyncset.done $0x0  }
0x2d: {  	s29 =	simm.s32 $0x80;
	s30 =	simm.s32 $0x0;
	[sflag:s19] =	ssyncadd.s32 $0xFFFFF600  }
.LBB2_2:
0x2e: {  	p1 =	sne.s32 s29, $0x3F80;
	[tilespmem:s30+$0x5000] =	vst v0;
	s31 =	smov.u32 s29;
	s29 =	sadd.s32 $0x80, s29  }
.Ltmp2:
0x2f: {  	[tilespmem:s30+$0x5010] =	vst v0;
	(pc) =	sbr.rel @p1 .LBB2_2-.Ltmp2, $2  }
0x30: {  	_ =	sdelay $0x2  }
0x31: {  	s30 =	sshra.s32 s31, $0x2  }
0x32: {  	[tilespmem:s30+$0x5000] =	vst v0  }
0x33: {  	[tilespmem:s30+$0x5010] =	vst v0  }
0x34: {  	[spmem:s7] =	stream.linear.scatter [tilespmem:s20], [sflag:$0x3], $0x1000, $0x38;
	[tilespmem:$0x11000] =	vst v63  }
0x35: {  	_ =	swait.ge [sflag:s19], $0x1000  }
0x36: {  	[sflag:s19] =	ssyncset.done $0x0  }
0x37: {  	[sflag:s19] =	ssyncadd.s32 $0xFFFFF000  }
0x38: {  	[spmem:s8] =	stream.linear.scatter [tilespmem:s20], [sflag:$0x3], $0x1000, $0x38;
	[tilespmem:$0x11000] =	vst v63  }
0x39: {  	_ =	swait.ge [sflag:s19], $0x1000  }
0x3a: {  	[sflag:s19] =	ssyncset.done $0x0  }
0x3b: {  	[sflag:s19] =	ssyncadd.s32 $0xFFFFF000  }
0x3c: {  	[spmem:s9] =	stream.linear.scatter [tilespmem:s20], [sflag:$0x3], $0x1000, $0x38;
	[tilespmem:$0x11000] =	vst v63  }
0x3d: {  	_ =	swait.ge [sflag:s19], $0x1000  }
0x3e: {  	[sflag:s19] =	ssyncset.done $0x0  }
0x3f: {  	[sflag:s19] =	ssyncadd.s32 $0xFFFFF000  }
0x40: {  	[spmem:s10] =	stream.linear.scatter [tilespmem:s20], [sflag:$0x3], $0x1000, $0x38;
	[tilespmem:$0x11000] =	vst v63  }
0x41: {  	_ =	swait.ge [sflag:s19], $0x1000  }
0x42: {  	[sflag:s19] =	ssyncset.done $0x0  }
0x43: {  	[sflag:s19] =	ssyncadd.s32 $0xFFFFF000  }
0x44: {  	[spmem:s11] =	stream.linear.scatter [tilespmem:s20], [sflag:$0x3], $0x1000, $0x38;
	[tilespmem:$0x11000] =	vst v63  }
.Ltmp3:
0x45: {  	_ =	swait.ge [sflag:s19], $0x1000;
	(pc) =	sbr.rel @!p0 .LBB2_4-.Ltmp3, $4  }
0x46: {  	[sflag:s19] =	ssyncset.done $0x0  }
0x47: {  	[sflag:s19] =	ssyncadd.s32 $0xFFFFF000  }
0x48: {  	[bflag:$0x0] =	sbarrier.arrive $0xFFFF  }
0x49: {  	s29 =	simm.s32 $0x0  }
0x4a: {  	[tilespmem:s29], [sflag:$0x3] =	stream.linear.gather [hbm4b:s14+s29], $0x2800, $0x38;
	[tilespmem:$0x11000] =	vst v63  }
0x4b: {  	_ =	swait.ge [sflag:s19], $0x2800  }
0x4c: {  	[sflag:s19] =	ssyncset.done $0x0  }
0x4d: {  	[sflag:s19] =	ssyncadd.s32 $0xFFFFD800  }
0x4e: {  	[tilespmem:s21], [sflag:$0x3] =	stream.linear.gather [hbm4b:s15+s29], $0x2800, $0x38;
	[tilespmem:$0x11000] =	vst v63  }
0x4f: {  	_ =	swait.ge [sflag:s19], $0x2800  }
0x50: {  	[sflag:s19] =	ssyncset.done $0x0  }
0x51: {  	[sflag:s19] =	ssyncadd.s32 $0xFFFFD800  }
0x52: {  	[tilespmem:s20], [sflag:$0x1] =	stream.indirect.gather [spmem:s2], $0x20, s29, s22, $0xb8;
	[tilespmem:$0x11000] =	vst v63  }
0x53: {  	_ = 	snop  }
0x54: {  	[tilespmem:s23], [sflag:$0x2] =	stream.indirect.gather [spmem:s2], $0x20, s22, s22, $0xb8;
	[tilespmem:$0x11000] =	vst v63  }
0x55: {  	_ =	swait.ge [sflag:s24], $0x1000  }
0x56: {  	[sflag:s24] =	ssyncset.done $0x0  }
0x57: {  	s29 =	simm.s32 $0x2800;
	[sflag:s24] =	ssyncadd.s32 $0xFFFFF000  }
0x58: {  	[spmem:s3] =	stream.indirect.scatter.add.f32 [tilespmem:s20], [sflag:$0x3], $0x20, s29, s22, $0xb8;
	[tilespmem:$0x11000] =	vst v63  }
0x59: {  	_ =	swait.ge [sflag:s19], $0x1000  }
0x5a: {  	[sflag:s19] =	ssyncset.done $0x0  }
0x5b: {  	s29 =	simm.s32 $0x100;
	[sflag:s19] =	ssyncadd.s32 $0xFFFFF000  }
0x5c: {  	[tilespmem:s20], [sflag:$0x1] =	stream.indirect.gather [spmem:s2], $0x20, s29, s22, $0xb8;
	[tilespmem:$0x11000] =	vst v63  }
0x5d: {  	_ =	swait.ge [sflag:s25], $0x1000  }
0x5e: {  	[sflag:s25] =	ssyncset.done $0x0  }
0x5f: {  	s29 =	simm.s32 $0x2880;
	[sflag:s25] =	ssyncadd.s32 $0xFFFFF000  }
0x60: {  	[spmem:s3] =	stream.indirect.scatter.add.f32 [tilespmem:s23], [sflag:$0x3], $0x20, s29, s22, $0xb8;
	[tilespmem:$0x11000] =	vst v63  }
0x61: {  	_ =	swait.ge [sflag:s19], $0x1000  }
0x62: {  	[sflag:s19] =	ssyncset.done $0x0  }
0x63: {  	s30 =	simm.s32 $0x180;
	s29 =	simm.s32 $0x400;
	[sflag:s19] =	ssyncadd.s32 $0xFFFFF000  }
.LBB2_8:
0x64: {  	[tilespmem:s23], [sflag:$0x2] =	stream.indirect.gather [spmem:s2], $0x20, s30, s22, $0xb8;
	[tilespmem:$0x11000] =	vst v63  }
0x65: {  	s30 =	smov.u32 s29  }
0x66: {  	p1 =	sne.s32 s29, $0x9800;
	s29 =	sadd.s32 $0x400, s29;
	_ =	swait.ge [sflag:s24], $0x1000  }
0x67: {  	s30 =	sshra.s32 s30, $0x2;
	[sflag:s24] =	ssyncset.done $0x0  }
0x68: {  	s31 =	sadd.s32 $0x2800, s30;
	[sflag:s24] =	ssyncadd.s32 $0xFFFFF000  }
0x69: {  	[spmem:s3] =	stream.indirect.scatter.add.f32 [tilespmem:s20], [sflag:$0x3], $0x20, s31, s22, $0xb8;
	[tilespmem:$0x11000] =	vst v63  }
0x6a: {  	_ =	swait.ge [sflag:s19], $0x1000  }
0x6b: {  	[sflag:s19] =	ssyncset.done $0x0  }
0x6c: {  	s31 =	sadd.s32 $0x100, s30;
	[sflag:s19] =	ssyncadd.s32 $0xFFFFF000  }
0x6d: {  	[tilespmem:s20], [sflag:$0x1] =	stream.indirect.gather [spmem:s2], $0x20, s31, s22, $0xb8;
	[tilespmem:$0x11000] =	vst v63  }
0x6e: {  	_ =	swait.ge [sflag:s25], $0x1000  }
0x6f: {  	[sflag:s25] =	ssyncset.done $0x0  }
.Ltmp4:
0x70: {  	s31 =	sadd.s32 $0x2880, s30;
	[sflag:s25] =	ssyncadd.s32 $0xFFFFF000;
	(pc) =	sbr.rel @p1 .LBB2_8-.Ltmp4, $4  }
0x71: {  	[spmem:s3] =	stream.indirect.scatter.add.f32 [tilespmem:s23], [sflag:$0x3], $0x20, s31, s22, $0xb8;
	[tilespmem:$0x11000] =	vst v63  }
0x72: {  	_ =	swait.ge [sflag:s19], $0x1000  }
0x73: {  	[sflag:s19] =	ssyncset.done $0x0  }
0x74: {  	s30 =	sadd.s32 $0x180, s30;
	[sflag:s19] =	ssyncadd.s32 $0xFFFFF000  }
.Ltmp5:
0x75: {  	(pc) =	sbr.rel .LBB2_10-.Ltmp5, $2  }
0x76: {  	_ =	sdelay $0x2  }
0x77: {  	[tilespmem:s23], [sflag:$0x2] =	stream.indirect.gather [spmem:s2], $0x20, s30, s22, $0xb8;
	[tilespmem:$0x11000] =	vst v63  }
.LBB2_4:
0x78: {  	[tilespmem:s29], [sflag:$0x3] =	stream.linear.gather [hbm4b:s12+s29], $0x2800, $0x38;
	[tilespmem:$0x11000] =	vst v63  }
0x79: {  	_ =	swait.ge [sflag:s19], $0x2800  }
0x7a: {  	[sflag:s19] =	ssyncset.done $0x0  }
0x7b: {  	[sflag:s19] =	ssyncadd.s32 $0xFFFFD800  }
0x7c: {  	[tilespmem:s21], [sflag:$0x3] =	stream.linear.gather [hbm4b:s13+s29], $0x2800, $0x38;
	[tilespmem:$0x11000] =	vst v63  }
0x7d: {  	_ =	swait.ge [sflag:s19], $0x2800  }
0x7e: {  	[sflag:s19] =	ssyncset.done $0x0  }
0x7f: {  	[sflag:s19] =	ssyncadd.s32 $0xFFFFD800  }
0x80: {  	[tilespmem:s20], [sflag:$0x1] =	stream.indirect.gather [spmem:s2], $0x20, s29, s22, $0xb8;
	[tilespmem:$0x11000] =	vst v63  }
0x81: {  	_ = 	snop  }
0x82: {  	[tilespmem:s23], [sflag:$0x2] =	stream.indirect.gather [spmem:s2], $0x20, s22, s22, $0xb8;
	[tilespmem:$0x11000] =	vst v63  }
0x83: {  	_ =	swait.ge [sflag:s24], $0x1000  }
0x84: {  	[sflag:s24] =	ssyncset.done $0x0  }
0x85: {  	s29 =	simm.s32 $0x2800;
	[sflag:s24] =	ssyncadd.s32 $0xFFFFF000  }
0x86: {  	[spmem:s3] =	stream.indirect.scatter.add.f32 [tilespmem:s20], [sflag:$0x3], $0x20, s29, s22, $0xb8;
	[tilespmem:$0x11000] =	vst v63  }
0x87: {  	_ =	swait.ge [sflag:s19], $0x1000  }
0x88: {  	[sflag:s19] =	ssyncset.done $0x0  }
0x89: {  	s29 =	simm.s32 $0x100;
	[sflag:s19] =	ssyncadd.s32 $0xFFFFF000  }
0x8a: {  	[tilespmem:s20], [sflag:$0x1] =	stream.indirect.gather [spmem:s2], $0x20, s29, s22, $0xb8;
	[tilespmem:$0x11000] =	vst v63  }
0x8b: {  	_ =	swait.ge [sflag:s25], $0x1000  }
0x8c: {  	[sflag:s25] =	ssyncset.done $0x0  }
0x8d: {  	s29 =	simm.s32 $0x2880;
	[sflag:s25] =	ssyncadd.s32 $0xFFFFF000  }
0x8e: {  	[spmem:s3] =	stream.indirect.scatter.add.f32 [tilespmem:s23], [sflag:$0x3], $0x20, s29, s22, $0xb8;
	[tilespmem:$0x11000] =	vst v63  }
0x8f: {  	_ =	swait.ge [sflag:s19], $0x1000  }
0x90: {  	[sflag:s19] =	ssyncset.done $0x0  }
0x91: {  	s30 =	simm.s32 $0x180;
	s29 =	simm.s32 $0x400;
	[sflag:s19] =	ssyncadd.s32 $0xFFFFF000  }
.LBB2_5:
0x92: {  	[tilespmem:s23], [sflag:$0x2] =	stream.indirect.gather [spmem:s2], $0x20, s30, s22, $0xb8;
	[tilespmem:$0x11000] =	vst v63  }
0x93: {  	s30 =	smov.u32 s29  }
0x94: {  	p1 =	seq.s32 s29, $0x9800;
	s29 =	sadd.s32 $0x400, s29;
	_ =	swait.ge [sflag:s24], $0x1000  }
0x95: {  	s30 =	sshra.s32 s30, $0x2;
	[sflag:s24] =	ssyncset.done $0x0  }
0x96: {  	s31 =	sadd.s32 $0x2800, s30;
	[sflag:s24] =	ssyncadd.s32 $0xFFFFF000  }
0x97: {  	[spmem:s3] =	stream.indirect.scatter.add.f32 [tilespmem:s20], [sflag:$0x3], $0x20, s31, s22, $0xb8;
	[tilespmem:$0x11000] =	vst v63  }
0x98: {  	_ =	swait.ge [sflag:s19], $0x1000  }
0x99: {  	[sflag:s19] =	ssyncset.done $0x0  }
0x9a: {  	s31 =	sadd.s32 $0x100, s30;
	[sflag:s19] =	ssyncadd.s32 $0xFFFFF000  }
0x9b: {  	[tilespmem:s20], [sflag:$0x1] =	stream.indirect.gather [spmem:s2], $0x20, s31, s22, $0xb8;
	[tilespmem:$0x11000] =	vst v63  }
0x9c: {  	_ =	swait.ge [sflag:s25], $0x1000  }
0x9d: {  	[sflag:s25] =	ssyncset.done $0x0  }
.Ltmp6:
0x9e: {  	s31 =	sadd.s32 $0x2880, s30;
	[sflag:s25] =	ssyncadd.s32 $0xFFFFF000;
	(pc) =	sbr.rel @!p1 .LBB2_5-.Ltmp6, $4  }
0x9f: {  	[spmem:s3] =	stream.indirect.scatter.add.f32 [tilespmem:s23], [sflag:$0x3], $0x20, s31, s22, $0xb8;
	[tilespmem:$0x11000] =	vst v63  }
0xa0: {  	_ =	swait.ge [sflag:s19], $0x1000  }
0xa1: {  	[sflag:s19] =	ssyncset.done $0x0  }
0xa2: {  	s30 =	sadd.s32 $0x180, s30;
	[sflag:s19] =	ssyncadd.s32 $0xFFFFF000  }
.Ltmp7:
0xa3: {  	_ = 	snop;
	(pc) =	sbr.rel .LBB2_6-.Ltmp7, $1  }
0xa4: {  	_ =	sdelay $0x3  }
.LBB2_11:
0xa5: {  	_ =	sfence.sel $0x180000  }
0xa6: {  	[bflag:$0x0] =	sbarrier.arrive $0xFFFF  }
0xa7: {  	p0 =	sne.s32 s1, $0x0;
	_ =	strace $0x90000050  }
0xa8: {  	s0 =	sadd.s32 @!p0 $0x100000, s0;
	[bflag:$0x2] =	sbarrier.arrive $0xFFFF  }
0xa9: {  	[sflag:s0] =	ssyncadd.tile.s32 @!p0 $0x1;
	_ =	shalt  }
.Lfunc_end2:
_tile_overlayer_lowered:
.L_overlay_start_2:
0xaa: {  	(tag) =	ssettag $0x2  }
0xab: {  	s0 =	rddreg [dreg:$0x0];
	s2 =	stileid.u32  }
0xac: {  	s1 =	rddreg [dreg:$0x1];
	p0 =	sne.s32 s2, $0x0  }
0xad: {  	s3 =	rddreg [dreg:$0x2];
	[bflag:$0x3] =	sbarrier.arrive $0xFFFF;
	s2 =	simm.s32 @!p0 $0x1C03  }
0xae: {  	[timem:s3], [sflag:s2] =	dma.local @!p0 [hbm:s0], s1  }
0xaf: {  	s0 =	simm.s32 @!p0 $0x3  }
0xb0: {  	_ =	swait.ge @!p0 [sflag:s0], s1  }
0xb1: {  	s1 =	ssub.s32 @!p0 $0x0, s1;
	[sflag:s0] =	ssyncset.done @!p0 $0x0  }
0xb2: {  	[sflag:s0] =	ssyncadd.s32 @!p0 s1  }
0xb3: {  	[bflag:$0x3] =	sbarrier.arrive $0xFFFF  }
0xb4: {  	_ =	shalt  }

</sc_bundles>
